<compile_context>
chip_gen: v7x
topology: tpu7x:2x2x1
jax: 0.10.2.dev20260603
libtpu: 0.0.44.dev20260713+nightly
codegen_flags: <defaults>
</compile_context>

<pallas_src>
import functools

import jax
import jax.numpy as jnp
from jax import lax
from jax.experimental import pallas as pl
from jax.experimental.pallas import tpu as pltpu
from jax.experimental.pallas import tpu_sc as plsc

DIM = 128
VOCAB = 6
B = 4096
L = 200

NC = 2
NS = 16
NW = NC * NS
RPW = B // NW
NCHUNK = 13
SEQPAD = 208
REP = 16


def _compute_row(seq_slot, out_slot, table_v):
    iota = lax.iota(jnp.int32, 16)
    zero = iota * 0
    for c in range(NCHUNK):
        sv = seq_slot[pl.ds(c * 16, 16)]
        lv = iota + (c * 16)
        idx0 = sv * (DIM * REP) + iota
        tail = c == NCHUNK - 1
        mask = iota < (L - 16 * (NCHUNK - 1)) if tail else None

        @plsc.parallel_loop(0, DIM, step=1, unroll=8, carry=(idx0, zero))
        def _dbody(_, carry):
            idxv, dv = carry
            if tail:
                val = plsc.load_gather(table_v, [idxv], mask=mask)
                plsc.store_scatter(out_slot, [dv, lv], val, mask=mask)
            else:
                val = plsc.load_gather(table_v, [idxv])
                plsc.store_scatter(out_slot, [dv, lv], val)
            return (idxv + REP, dv + 1)


def _sc_body(seq_hbm, table_hbm, out_hbm, table_v, seq_v0, seq_v1,
             out_v0, out_v1, sem_t, sem_s0, sem_s1, sem_o0, sem_o1):
    seq_v = (seq_v0, seq_v1)
    out_v = (out_v0, out_v1)
    sem_s = (sem_s0, sem_s1)
    sem_o = (sem_o0, sem_o1)
    wid = lax.axis_index("s") * NC + lax.axis_index("c")
    base = wid * RPW

    pltpu.async_copy(table_hbm, table_v, sem_t)
    for s in (0, 1):
        r = base + s
        pltpu.async_copy(
            seq_hbm.at[pl.ds(r * L, L)], seq_v[s].at[pl.ds(0, L)], sem_s[s]
        )
    pltpu.make_async_copy(table_hbm, table_v, sem_t).wait()

    def iter_body(i, _):
        for s in (0, 1):
            r = base + 2 * i + s
            pltpu.make_async_copy(
                seq_hbm.at[pl.ds(r * L, L)],
                seq_v[s].at[pl.ds(0, L)],
                sem_s[s],
            ).wait()

            @pl.when(i > 0)
            def _wait_prev():
                pltpu.make_async_copy(
                    out_v[s], out_hbm.at[r - 2], sem_o[s]
                ).wait()

            _compute_row(seq_v[s], out_v[s], table_v)
            pltpu.async_copy(out_v[s], out_hbm.at[r], sem_o[s])

            @pl.when(2 * i + s + 2 < RPW)
            def _prefetch():
                pltpu.async_copy(
                    seq_hbm.at[pl.ds((r + 2) * L, L)],
                    seq_v[s].at[pl.ds(0, L)],
                    sem_s[s],
                )
        return 0

    lax.fori_loop(0, RPW // 2, iter_body, 0)
    for s in (0, 1):
        r = base + RPW - 2 + s
        pltpu.make_async_copy(out_v[s], out_hbm.at[r], sem_o[s]).wait()


@functools.cache
def _sc_call():
    return pl.kernel(
        _sc_body,
        out_type=jax.ShapeDtypeStruct((B, DIM, L), jnp.float32),
        mesh=plsc.VectorSubcoreMesh(
            core_axis_name="c", subcore_axis_name="s",
            num_cores=NC, num_subcores=NS,
        ),
        scratch_types=[
            pltpu.VMEM((VOCAB * DIM * REP,), jnp.float32),
            pltpu.VMEM((SEQPAD,), jnp.int32),
            pltpu.VMEM((SEQPAD,), jnp.int32),
            pltpu.VMEM((DIM, L), jnp.float32),
            pltpu.VMEM((DIM, L), jnp.float32),
            pltpu.SemaphoreType.DMA,
            pltpu.SemaphoreType.DMA,
            pltpu.SemaphoreType.DMA,
            pltpu.SemaphoreType.DMA,
            pltpu.SemaphoreType.DMA,
        ],
        compiler_params=pltpu.CompilerParams(needs_layout_passes=False),
    )


def kernel(seq, table):
    seq_flat = seq.astype(jnp.int32).reshape(B * L)
    tab_rep = jnp.broadcast_to(
        table.astype(jnp.float32).reshape(VOCAB * DIM, 1), (VOCAB * DIM, REP)
    ).reshape(VOCAB * DIM * REP)
    return _sc_call()(seq_flat, tab_rep)

# --- scband reference (transcript-rebuilt; emitter-appended) ---
"""Pipeline reference for scband-sparse-embedding-2250562863304 (READ-ONLY COPY).

The authoritative reference and input builder live on the scoring server;
editing this copy changes nothing except your own understanding.
"""

import jax, jax.numpy as jnp
import numpy as np

DIM = 128
VOCAB = 6
B = 4096
L = 200


def setup_inputs(seed: int = 0) -> dict:
    key = jax.random.key(seed)
    k1, k2 = jax.random.split(key)
    # Integer-encoded sequence (the original module maps chars -> ints via a
    # defaultdict; we feed the already-encoded int64 indices directly).
    seq = jax.random.randint(k1, (B, L), 0, VOCAB, dtype=jnp.int64)
    # Embedding table, padding_idx=0 => row 0 is zeros (nn.Embedding init + padding).
    table = jax.random.normal(k2, (VOCAB, DIM), dtype=jnp.float32)
    table = table.at[0].set(0.0)
    return {"seq": seq, "table": table}


def reference(seq, table):
    # nn.Embedding lookup: gather rows of the table by index
    out = jnp.take(table, seq, axis=0)  # [B, L, DIM]
    # output.permute(0, 2, 1)
    out = jnp.transpose(out, (0, 2, 1))  # [B, DIM, L]
    return out

if __name__ == "__main__":
    import jax
    _d = setup_inputs()
    print(jax.jit(kernel)(*tuple(_d.values())))

</pallas_src>

<mosaic_0001>
#map = affine_map<(d0, d1) -> (0)>
#map1 = affine_map<(d0, d1) -> (0, 0, 0)>
module attributes {stable_mosaic.version = 14 : i64} {
  func.func @_sc_body(%arg0: i32, %arg1: i32, %arg2: memref<819200xi32, #tpu.memory_space<hbm>>, %arg3: memref<12288xf32, #tpu.memory_space<hbm>>, %arg4: memref<4096x128x200xf32, #tpu.memory_space<hbm>>, %arg5: memref<12288xf32, #tpu.memory_space<vmem>>, %arg6: memref<208xi32, #tpu.memory_space<vmem>>, %arg7: memref<208xi32, #tpu.memory_space<vmem>>, %arg8: memref<128x200xf32, #tpu.memory_space<vmem>>, %arg9: memref<128x200xf32, #tpu.memory_space<vmem>>, %arg10: memref<!tpu.dma_semaphore, #tpu.memory_space<semaphore_mem>>, %arg11: memref<!tpu.dma_semaphore, #tpu.memory_space<semaphore_mem>>, %arg12: memref<!tpu.dma_semaphore, #tpu.memory_space<semaphore_mem>>, %arg13: memref<!tpu.dma_semaphore, #tpu.memory_space<semaphore_mem>>, %arg14: memref<!tpu.dma_semaphore, #tpu.memory_space<semaphore_mem>>) attributes {dimension_semantics = [#tpu.dimension_semantics<core_parallel>, #tpu.dimension_semantics<subcore_parallel>], iteration_bounds = array<i64: 2, 16>, scalar_prefetch = 0 : i64, scratch_operands = 10 : i64, tpu.core_type = #tpu.core_type<sc_vector_subcore>, window_params = [{transform_indices = #map}, {transform_indices = #map}, {transform_indices = #map1}]} {
    %mul3A = arith.constant 2 : i32
    %mul3A_0 = arith.muli %arg1, %mul3A : i32
    %add3A = arith.addi %mul3A_0, %arg0 : i32
    %mul3A_1 = arith.constant 128 : i32
    %mul3A_2 = arith.muli %add3A, %mul3A_1 : i32
    tpu.enqueue_dma source(%arg3 : memref<12288xf32, #tpu.memory_space<hbm>>) target(%arg5 : memref<12288xf32, #tpu.memory_space<vmem>>) target_semaphore(%arg10 : memref<!tpu.dma_semaphore, #tpu.memory_space<semaphore_mem>>)
    %add3A_3 = arith.constant 0 : i32
    %add3A_4 = arith.addi %mul3A_2, %add3A_3 : i32
    %mul3A_5 = arith.constant 200 : i32
    %mul3A_6 = arith.muli %add3A_4, %mul3A_5 : i32
    %dma_start3A = arith.constant 0 : i32
    %dma_start3A_7 = tpu.memref_slice %arg6[%dma_start3A] : memref<208xi32, #tpu.memory_space<vmem>> -> memref<200xi32, #tpu.memory_space<vmem>>
    %dma_start3A_8 = tpu.memref_slice %arg2[%mul3A_6] : memref<819200xi32, #tpu.memory_space<hbm>> -> memref<200xi32, #tpu.memory_space<hbm>>
    %dma_start3A_9 = arith.constant 0 : i32
    %dma_start3A_10 = tpu.memref_slice %arg6[%dma_start3A_9] : memref<208xi32, #tpu.memory_space<vmem>> -> memref<200xi32, #tpu.memory_space<vmem>>
    %dma_start3A_11 = tpu.memref_slice %arg2[%mul3A_6] : memref<819200xi32, #tpu.memory_space<hbm>> -> memref<200xi32, #tpu.memory_space<hbm>>
    tpu.enqueue_dma source(%dma_start3A_11 : memref<200xi32, #tpu.memory_space<hbm>>) target(%dma_start3A_10 : memref<200xi32, #tpu.memory_space<vmem>>) target_semaphore(%arg11 : memref<!tpu.dma_semaphore, #tpu.memory_space<semaphore_mem>>)
    %add3A_12 = arith.constant 1 : i32
    %add3A_13 = arith.addi %mul3A_2, %add3A_12 : i32
    %mul3A_14 = arith.constant 200 : i32
    %mul3A_15 = arith.muli %add3A_13, %mul3A_14 : i32
    %dma_start3A_16 = arith.constant 0 : i32
    %dma_start3A_17 = tpu.memref_slice %arg7[%dma_start3A_16] : memref<208xi32, #tpu.memory_space<vmem>> -> memref<200xi32, #tpu.memory_space<vmem>>
    %dma_start3A_18 = tpu.memref_slice %arg2[%mul3A_15] : memref<819200xi32, #tpu.memory_space<hbm>> -> memref<200xi32, #tpu.memory_space<hbm>>
    %dma_start3A_19 = arith.constant 0 : i32
    %dma_start3A_20 = tpu.memref_slice %arg7[%dma_start3A_19] : memref<208xi32, #tpu.memory_space<vmem>> -> memref<200xi32, #tpu.memory_space<vmem>>
    %dma_start3A_21 = tpu.memref_slice %arg2[%mul3A_15] : memref<819200xi32, #tpu.memory_space<hbm>> -> memref<200xi32, #tpu.memory_space<hbm>>
    tpu.enqueue_dma source(%dma_start3A_21 : memref<200xi32, #tpu.memory_space<hbm>>) target(%dma_start3A_20 : memref<200xi32, #tpu.memory_space<vmem>>) target_semaphore(%arg12 : memref<!tpu.dma_semaphore, #tpu.memory_space<semaphore_mem>>)
    tpu.wait_dma2 semaphore(%arg10 : memref<!tpu.dma_semaphore, #tpu.memory_space<semaphore_mem>>) src(%arg3 : memref<12288xf32, #tpu.memory_space<hbm>>) dst(%arg5 : memref<12288xf32, #tpu.memory_space<vmem>>)
    %scan3A = arith.constant 0 : i32
    %scan3A_22 = arith.constant 0 : i32
    %scan3A_23 = arith.constant 64 : i32
    %scan3A_24 = arith.addi %scan3A_22, %scan3A_23 : i32
    %scan3A_25 = arith.constant 1 : i32
    %scan3A_26 = scf.for %scan3A_54 = %scan3A_22 to %scan3A_24 step %scan3A_25 iter_args(%scan3A_55 = %scan3A) -> (i32)  : i32 {
      %mul3A_56 = arith.constant 2 : i32
      %mul3A_57 = arith.muli %mul3A_56, %scan3A_54 : i32
      %add3A_58 = arith.addi %mul3A_2, %mul3A_57 : i32
      %add3A_59 = arith.constant 0 : i32
      %add3A_60 = arith.addi %add3A_58, %add3A_59 : i32
      %mul3A_61 = arith.constant 200 : i32
      %mul3A_62 = arith.muli %add3A_60, %mul3A_61 : i32
      %dma_wait3A_63 = arith.constant 0 : i32
      %dma_wait3A_64 = tpu.memref_slice %arg6[%dma_wait3A_63] : memref<208xi32, #tpu.memory_space<vmem>> -> memref<200xi32, #tpu.memory_space<vmem>>
      %dma_wait3A_65 = tpu.memref_slice %arg2[%mul3A_62] : memref<819200xi32, #tpu.memory_space<hbm>> -> memref<200xi32, #tpu.memory_space<hbm>>
      %dma_wait3A_66 = arith.constant 0 : i32
      %dma_wait3A_67 = tpu.memref_slice %arg6[%dma_wait3A_66] : memref<208xi32, #tpu.memory_space<vmem>> -> memref<200xi32, #tpu.memory_space<vmem>>
      %dma_wait3A_68 = tpu.memref_slice %arg2[%mul3A_62] : memref<819200xi32, #tpu.memory_space<hbm>> -> memref<200xi32, #tpu.memory_space<hbm>>
      tpu.wait_dma2 semaphore(%arg11 : memref<!tpu.dma_semaphore, #tpu.memory_space<semaphore_mem>>) src(%dma_wait3A_68 : memref<200xi32, #tpu.memory_space<hbm>>) dst(%dma_wait3A_67 : memref<200xi32, #tpu.memory_space<vmem>>)
      %gt3A = arith.constant 0 : i32
      %gt3A_69 = arith.cmpi sgt, %scan3A_54, %gt3A : i32
      %convert_element_type3A = arith.extui %gt3A_69 : i1 to i32
      %cond3A = arith.constant 0 : i32
      %cond3A_70 = arith.cmpi ne, %convert_element_type3A, %cond3A : i32
      scf.if %cond3A_70 {
        %sub3A_476 = arith.constant 2 : i32
        %sub3A_477 = arith.subi %add3A_60, %sub3A_476 : i32
        %dma_wait3A_478 = arith.constant 0 : i32
        %dma_wait3A_479 = arith.constant 0 : i32
        %dma_wait3A_480 = tpu.memref_slice %arg4[%sub3A_477, %dma_wait3A_478, %dma_wait3A_479] : memref<4096x128x200xf32, #tpu.memory_space<hbm>> -> memref<1x128x200xf32, #tpu.memory_space<hbm>>
        %dma_wait3A_481 = tpu.memref_squeeze %dma_wait3A_480 : memref<1x128x200xf32, #tpu.memory_space<hbm>> -> memref<128x200xf32, #tpu.memory_space<hbm>>
        %dma_wait3A_482 = arith.constant 0 : i32
        %dma_wait3A_483 = arith.constant 0 : i32
        %dma_wait3A_484 = tpu.memref_slice %arg4[%sub3A_477, %dma_wait3A_482, %dma_wait3A_483] : memref<4096x128x200xf32, #tpu.memory_space<hbm>> -> memref<1x128x200xf32, #tpu.memory_space<hbm>>
        %dma_wait3A_485 = tpu.memref_squeeze %dma_wait3A_484 : memref<1x128x200xf32, #tpu.memory_space<hbm>> -> memref<128x200xf32, #tpu.memory_space<hbm>>
        tpu.wait_dma2 semaphore(%arg13 : memref<!tpu.dma_semaphore, #tpu.memory_space<semaphore_mem>>) src(%arg8 : memref<128x200xf32, #tpu.memory_space<vmem>>) dst(%dma_wait3A_485 : memref<128x200xf32, #tpu.memory_space<hbm>>)
      } else {
      }
      %iota3A = tpu.iota {dimensions = array<i32: 0>} : vector<16xi32>
      %mul3A_71 = arith.constant 0 : i32
      %mul3A_72 = vector.broadcast %mul3A_71 : i32 to vector<16xi32>
      %mul3A_73 = arith.muli %iota3A, %mul3A_72 : vector<16xi32>
      %get3A = arith.constant 0 : index
      %get3A_74 = tpu.vector_load %arg6[%get3A] {strides = array<i32>} : memref<208xi32, #tpu.memory_space<vmem>>, vector<16xi32>,
      %add3A_75 = arith.constant 0 : i32
      %add3A_76 = vector.broadcast %add3A_75 : i32 to vector<16xi32>
      %add3A_77 = arith.addi %iota3A, %add3A_76 : vector<16xi32>
      %mul3A_78 = arith.constant 2048 : i32
      %mul3A_79 = vector.broadcast %mul3A_78 : i32 to vector<16xi32>
      %mul3A_80 = arith.muli %get3A_74, %mul3A_79 : vector<16xi32>
      %add3A_81 = arith.addi %mul3A_80, %iota3A : vector<16xi32>
      %parallel_loop3A = arith.constant 0 : i32
      %parallel_loop3A_82 = arith.constant 128 : i32
      %parallel_loop3A_83 = arith.constant 1 : i32
      %parallel_loop3A_84:2 = scf.for %parallel_loop3A_476 = %parallel_loop3A to %parallel_loop3A_82 step %parallel_loop3A_83 iter_args(%parallel_loop3A_477 = %add3A_81, %parallel_loop3A_478 = %mul3A_73) -> (vector<16xi32>, vector<16xi32>)  : i32 {
        %parallel_loop3A_479 = tpu.vector_load_idx %arg5[%parallel_loop3A_477] : memref<12288xf32, #tpu.memory_space<vmem>>[vector<16xi32>], vector<16xf32>,
        tpu.vector_store_idx %arg8[%parallel_loop3A_478, %add3A_77], %parallel_loop3A_479 : memref<128x200xf32, #tpu.memory_space<vmem>>[vector<16xi32>, vector<16xi32>], vector<16xf32>,
        %parallel_loop3A_480 = arith.constant 16 : i32
        %parallel_loop3A_481 = vector.broadcast %parallel_loop3A_480 : i32 to vector<16xi32>
        %parallel_loop3A_482 = arith.addi %parallel_loop3A_477, %parallel_loop3A_481 : vector<16xi32>
        %parallel_loop3A_483 = arith.constant 1 : i32
        %parallel_loop3A_484 = vector.broadcast %parallel_loop3A_483 : i32 to vector<16xi32>
        %parallel_loop3A_485 = arith.addi %parallel_loop3A_478, %parallel_loop3A_484 : vector<16xi32>
        scf.yield %parallel_loop3A_482, %parallel_loop3A_485 : vector<16xi32>, vector<16xi32>
      } {sc.loop_unroll_factor = 8 : i64, sc.parallel_access}
      %get3A_85 = arith.constant 16 : index
      %get3A_86 = tpu.vector_load %arg6[%get3A_85] {strides = array<i32>} : memref<208xi32, #tpu.memory_space<vmem>>, vector<16xi32>,
      %add3A_87 = arith.constant 16 : i32
      %add3A_88 = vector.broadcast %add3A_87 : i32 to vector<16xi32>
      %add3A_89 = arith.addi %iota3A, %add3A_88 : vector<16xi32>
      %mul3A_90 = arith.constant 2048 : i32
      %mul3A_91 = vector.broadcast %mul3A_90 : i32 to vector<16xi32>
      %mul3A_92 = arith.muli %get3A_86, %mul3A_91 : vector<16xi32>
      %add3A_93 = arith.addi %mul3A_92, %iota3A : vector<16xi32>
      %parallel_loop3A_94 = arith.constant 0 : i32
      %parallel_loop3A_95 = arith.constant 128 : i32
      %parallel_loop3A_96 = arith.constant 1 : i32
      %parallel_loop3A_97:2 = scf.for %parallel_loop3A_476 = %parallel_loop3A_94 to %parallel_loop3A_95 step %parallel_loop3A_96 iter_args(%parallel_loop3A_477 = %add3A_93, %parallel_loop3A_478 = %mul3A_73) -> (vector<16xi32>, vector<16xi32>)  : i32 {
        %parallel_loop3A_479 = tpu.vector_load_idx %arg5[%parallel_loop3A_477] : memref<12288xf32, #tpu.memory_space<vmem>>[vector<16xi32>], vector<16xf32>,
        tpu.vector_store_idx %arg8[%parallel_loop3A_478, %add3A_89], %parallel_loop3A_479 : memref<128x200xf32, #tpu.memory_space<vmem>>[vector<16xi32>, vector<16xi32>], vector<16xf32>,
        %parallel_loop3A_480 = arith.constant 16 : i32
        %parallel_loop3A_481 = vector.broadcast %parallel_loop3A_480 : i32 to vector<16xi32>
        %parallel_loop3A_482 = arith.addi %parallel_loop3A_477, %parallel_loop3A_481 : vector<16xi32>
        %parallel_loop3A_483 = arith.constant 1 : i32
        %parallel_loop3A_484 = vector.broadcast %parallel_loop3A_483 : i32 to vector<16xi32>
        %parallel_loop3A_485 = arith.addi %parallel_loop3A_478, %parallel_loop3A_484 : vector<16xi32>
        scf.yield %parallel_loop3A_482, %parallel_loop3A_485 : vector<16xi32>, vector<16xi32>
      } {sc.loop_unroll_factor = 8 : i64, sc.parallel_access}
      %get3A_98 = arith.constant 32 : index
      %get3A_99 = tpu.vector_load %arg6[%get3A_98] {strides = array<i32>} : memref<208xi32, #tpu.memory_space<vmem>>, vector<16xi32>,
      %add3A_100 = arith.constant 32 : i32
      %add3A_101 = vector.broadcast %add3A_100 : i32 to vector<16xi32>
      %add3A_102 = arith.addi %iota3A, %add3A_101 : vector<16xi32>
      %mul3A_103 = arith.constant 2048 : i32
      %mul3A_104 = vector.broadcast %mul3A_103 : i32 to vector<16xi32>
      %mul3A_105 = arith.muli %get3A_99, %mul3A_104 : vector<16xi32>
      %add3A_106 = arith.addi %mul3A_105, %iota3A : vector<16xi32>
      %parallel_loop3A_107 = arith.constant 0 : i32
      %parallel_loop3A_108 = arith.constant 128 : i32
      %parallel_loop3A_109 = arith.constant 1 : i32
      %parallel_loop3A_110:2 = scf.for %parallel_loop3A_476 = %parallel_loop3A_107 to %parallel_loop3A_108 step %parallel_loop3A_109 iter_args(%parallel_loop3A_477 = %add3A_106, %parallel_loop3A_478 = %mul3A_73) -> (vector<16xi32>, vector<16xi32>)  : i32 {
        %parallel_loop3A_479 = tpu.vector_load_idx %arg5[%parallel_loop3A_477] : memref<12288xf32, #tpu.memory_space<vmem>>[vector<16xi32>], vector<16xf32>,
        tpu.vector_store_idx %arg8[%parallel_loop3A_478, %add3A_102], %parallel_loop3A_479 : memref<128x200xf32, #tpu.memory_space<vmem>>[vector<16xi32>, vector<16xi32>], vector<16xf32>,
        %parallel_loop3A_480 = arith.constant 16 : i32
        %parallel_loop3A_481 = vector.broadcast %parallel_loop3A_480 : i32 to vector<16xi32>
        %parallel_loop3A_482 = arith.addi %parallel_loop3A_477, %parallel_loop3A_481 : vector<16xi32>
        %parallel_loop3A_483 = arith.constant 1 : i32
        %parallel_loop3A_484 = vector.broadcast %parallel_loop3A_483 : i32 to vector<16xi32>
        %parallel_loop3A_485 = arith.addi %parallel_loop3A_478, %parallel_loop3A_484 : vector<16xi32>
        scf.yield %parallel_loop3A_482, %parallel_loop3A_485 : vector<16xi32>, vector<16xi32>
      } {sc.loop_unroll_factor = 8 : i64, sc.parallel_access}
      %get3A_111 = arith.constant 48 : index
      %get3A_112 = tpu.vector_load %arg6[%get3A_111] {strides = array<i32>} : memref<208xi32, #tpu.memory_space<vmem>>, vector<16xi32>,
      %add3A_113 = arith.constant 48 : i32
      %add3A_114 = vector.broadcast %add3A_113 : i32 to vector<16xi32>
      %add3A_115 = arith.addi %iota3A, %add3A_114 : vector<16xi32>
      %mul3A_116 = arith.constant 2048 : i32
      %mul3A_117 = vector.broadcast %mul3A_116 : i32 to vector<16xi32>
      %mul3A_118 = arith.muli %get3A_112, %mul3A_117 : vector<16xi32>
      %add3A_119 = arith.addi %mul3A_118, %iota3A : vector<16xi32>
      %parallel_loop3A_120 = arith.constant 0 : i32
      %parallel_loop3A_121 = arith.constant 128 : i32
      %parallel_loop3A_122 = arith.constant 1 : i32
      %parallel_loop3A_123:2 = scf.for %parallel_loop3A_476 = %parallel_loop3A_120 to %parallel_loop3A_121 step %parallel_loop3A_122 iter_args(%parallel_loop3A_477 = %add3A_119, %parallel_loop3A_478 = %mul3A_73) -> (vector<16xi32>, vector<16xi32>)  : i32 {
        %parallel_loop3A_479 = tpu.vector_load_idx %arg5[%parallel_loop3A_477] : memref<12288xf32, #tpu.memory_space<vmem>>[vector<16xi32>], vector<16xf32>,
        tpu.vector_store_idx %arg8[%parallel_loop3A_478, %add3A_115], %parallel_loop3A_479 : memref<128x200xf32, #tpu.memory_space<vmem>>[vector<16xi32>, vector<16xi32>], vector<16xf32>,
        %parallel_loop3A_480 = arith.constant 16 : i32
        %parallel_loop3A_481 = vector.broadcast %parallel_loop3A_480 : i32 to vector<16xi32>
        %parallel_loop3A_482 = arith.addi %parallel_loop3A_477, %parallel_loop3A_481 : vector<16xi32>
        %parallel_loop3A_483 = arith.constant 1 : i32
        %parallel_loop3A_484 = vector.broadcast %parallel_loop3A_483 : i32 to vector<16xi32>
        %parallel_loop3A_485 = arith.addi %parallel_loop3A_478, %parallel_loop3A_484 : vector<16xi32>
        scf.yield %parallel_loop3A_482, %parallel_loop3A_485 : vector<16xi32>, vector<16xi32>
      } {sc.loop_unroll_factor = 8 : i64, sc.parallel_access}
      %get3A_124 = arith.constant 64 : index
      %get3A_125 = tpu.vector_load %arg6[%get3A_124] {strides = array<i32>} : memref<208xi32, #tpu.memory_space<vmem>>, vector<16xi32>,
      %add3A_126 = arith.constant 64 : i32
      %add3A_127 = vector.broadcast %add3A_126 : i32 to vector<16xi32>
      %add3A_128 = arith.addi %iota3A, %add3A_127 : vector<16xi32>
      %mul3A_129 = arith.constant 2048 : i32
      %mul3A_130 = vector.broadcast %mul3A_129 : i32 to vector<16xi32>
      %mul3A_131 = arith.muli %get3A_125, %mul3A_130 : vector<16xi32>
      %add3A_132 = arith.addi %mul3A_131, %iota3A : vector<16xi32>
      %parallel_loop3A_133 = arith.constant 0 : i32
      %parallel_loop3A_134 = arith.constant 128 : i32
      %parallel_loop3A_135 = arith.constant 1 : i32
      %parallel_loop3A_136:2 = scf.for %parallel_loop3A_476 = %parallel_loop3A_133 to %parallel_loop3A_134 step %parallel_loop3A_135 iter_args(%parallel_loop3A_477 = %add3A_132, %parallel_loop3A_478 = %mul3A_73) -> (vector<16xi32>, vector<16xi32>)  : i32 {
        %parallel_loop3A_479 = tpu.vector_load_idx %arg5[%parallel_loop3A_477] : memref<12288xf32, #tpu.memory_space<vmem>>[vector<16xi32>], vector<16xf32>,
        tpu.vector_store_idx %arg8[%parallel_loop3A_478, %add3A_128], %parallel_loop3A_479 : memref<128x200xf32, #tpu.memory_space<vmem>>[vector<16xi32>, vector<16xi32>], vector<16xf32>,
        %parallel_loop3A_480 = arith.constant 16 : i32
        %parallel_loop3A_481 = vector.broadcast %parallel_loop3A_480 : i32 to vector<16xi32>
        %parallel_loop3A_482 = arith.addi %parallel_loop3A_477, %parallel_loop3A_481 : vector<16xi32>
        %parallel_loop3A_483 = arith.constant 1 : i32
        %parallel_loop3A_484 = vector.broadcast %parallel_loop3A_483 : i32 to vector<16xi32>
        %parallel_loop3A_485 = arith.addi %parallel_loop3A_478, %parallel_loop3A_484 : vector<16xi32>
        scf.yield %parallel_loop3A_482, %parallel_loop3A_485 : vector<16xi32>, vector<16xi32>
      } {sc.loop_unroll_factor = 8 : i64, sc.parallel_access}
      %get3A_137 = arith.constant 80 : index
      %get3A_138 = tpu.vector_load %arg6[%get3A_137] {strides = array<i32>} : memref<208xi32, #tpu.memory_space<vmem>>, vector<16xi32>,
      %add3A_139 = arith.constant 80 : i32
      %add3A_140 = vector.broadcast %add3A_139 : i32 to vector<16xi32>
      %add3A_141 = arith.addi %iota3A, %add3A_140 : vector<16xi32>
      %mul3A_142 = arith.constant 2048 : i32
      %mul3A_143 = vector.broadcast %mul3A_142 : i32 to vector<16xi32>
      %mul3A_144 = arith.muli %get3A_138, %mul3A_143 : vector<16xi32>
      %add3A_145 = arith.addi %mul3A_144, %iota3A : vector<16xi32>
      %parallel_loop3A_146 = arith.constant 0 : i32
      %parallel_loop3A_147 = arith.constant 128 : i32
      %parallel_loop3A_148 = arith.constant 1 : i32
      %parallel_loop3A_149:2 = scf.for %parallel_loop3A_476 = %parallel_loop3A_146 to %parallel_loop3A_147 step %parallel_loop3A_148 iter_args(%parallel_loop3A_477 = %add3A_145, %parallel_loop3A_478 = %mul3A_73) -> (vector<16xi32>, vector<16xi32>)  : i32 {
        %parallel_loop3A_479 = tpu.vector_load_idx %arg5[%parallel_loop3A_477] : memref<12288xf32, #tpu.memory_space<vmem>>[vector<16xi32>], vector<16xf32>,
        tpu.vector_store_idx %arg8[%parallel_loop3A_478, %add3A_141], %parallel_loop3A_479 : memref<128x200xf32, #tpu.memory_space<vmem>>[vector<16xi32>, vector<16xi32>], vector<16xf32>,
        %parallel_loop3A_480 = arith.constant 16 : i32
        %parallel_loop3A_481 = vector.broadcast %parallel_loop3A_480 : i32 to vector<16xi32>
        %parallel_loop3A_482 = arith.addi %parallel_loop3A_477, %parallel_loop3A_481 : vector<16xi32>
        %parallel_loop3A_483 = arith.constant 1 : i32
        %parallel_loop3A_484 = vector.broadcast %parallel_loop3A_483 : i32 to vector<16xi32>
        %parallel_loop3A_485 = arith.addi %parallel_loop3A_478, %parallel_loop3A_484 : vector<16xi32>
        scf.yield %parallel_loop3A_482, %parallel_loop3A_485 : vector<16xi32>, vector<16xi32>
      } {sc.loop_unroll_factor = 8 : i64, sc.parallel_access}
      %get3A_150 = arith.constant 96 : index
      %get3A_151 = tpu.vector_load %arg6[%get3A_150] {strides = array<i32>} : memref<208xi32, #tpu.memory_space<vmem>>, vector<16xi32>,
      %add3A_152 = arith.constant 96 : i32
      %add3A_153 = vector.broadcast %add3A_152 : i32 to vector<16xi32>
      %add3A_154 = arith.addi %iota3A, %add3A_153 : vector<16xi32>
      %mul3A_155 = arith.constant 2048 : i32
      %mul3A_156 = vector.broadcast %mul3A_155 : i32 to vector<16xi32>
      %mul3A_157 = arith.muli %get3A_151, %mul3A_156 : vector<16xi32>
      %add3A_158 = arith.addi %mul3A_157, %iota3A : vector<16xi32>
      %parallel_loop3A_159 = arith.constant 0 : i32
      %parallel_loop3A_160 = arith.constant 128 : i32
      %parallel_loop3A_161 = arith.constant 1 : i32
      %parallel_loop3A_162:2 = scf.for %parallel_loop3A_476 = %parallel_loop3A_159 to %parallel_loop3A_160 step %parallel_loop3A_161 iter_args(%parallel_loop3A_477 = %add3A_158, %parallel_loop3A_478 = %mul3A_73) -> (vector<16xi32>, vector<16xi32>)  : i32 {
        %parallel_loop3A_479 = tpu.vector_load_idx %arg5[%parallel_loop3A_477] : memref<12288xf32, #tpu.memory_space<vmem>>[vector<16xi32>], vector<16xf32>,
        tpu.vector_store_idx %arg8[%parallel_loop3A_478, %add3A_154], %parallel_loop3A_479 : memref<128x200xf32, #tpu.memory_space<vmem>>[vector<16xi32>, vector<16xi32>], vector<16xf32>,
        %parallel_loop3A_480 = arith.constant 16 : i32
        %parallel_loop3A_481 = vector.broadcast %parallel_loop3A_480 : i32 to vector<16xi32>
        %parallel_loop3A_482 = arith.addi %parallel_loop3A_477, %parallel_loop3A_481 : vector<16xi32>
        %parallel_loop3A_483 = arith.constant 1 : i32
        %parallel_loop3A_484 = vector.broadcast %parallel_loop3A_483 : i32 to vector<16xi32>
        %parallel_loop3A_485 = arith.addi %parallel_loop3A_478, %parallel_loop3A_484 : vector<16xi32>
        scf.yield %parallel_loop3A_482, %parallel_loop3A_485 : vector<16xi32>, vector<16xi32>
      } {sc.loop_unroll_factor = 8 : i64, sc.parallel_access}
      %get3A_163 = arith.constant 112 : index
      %get3A_164 = tpu.vector_load %arg6[%get3A_163] {strides = array<i32>} : memref<208xi32, #tpu.memory_space<vmem>>, vector<16xi32>,
      %add3A_165 = arith.constant 112 : i32
      %add3A_166 = vector.broadcast %add3A_165 : i32 to vector<16xi32>
      %add3A_167 = arith.addi %iota3A, %add3A_166 : vector<16xi32>
      %mul3A_168 = arith.constant 2048 : i32
      %mul3A_169 = vector.broadcast %mul3A_168 : i32 to vector<16xi32>
      %mul3A_170 = arith.muli %get3A_164, %mul3A_169 : vector<16xi32>
      %add3A_171 = arith.addi %mul3A_170, %iota3A : vector<16xi32>
      %parallel_loop3A_172 = arith.constant 0 : i32
      %parallel_loop3A_173 = arith.constant 128 : i32
      %parallel_loop3A_174 = arith.constant 1 : i32
      %parallel_loop3A_175:2 = scf.for %parallel_loop3A_476 = %parallel_loop3A_172 to %parallel_loop3A_173 step %parallel_loop3A_174 iter_args(%parallel_loop3A_477 = %add3A_171, %parallel_loop3A_478 = %mul3A_73) -> (vector<16xi32>, vector<16xi32>)  : i32 {
        %parallel_loop3A_479 = tpu.vector_load_idx %arg5[%parallel_loop3A_477] : memref<12288xf32, #tpu.memory_space<vmem>>[vector<16xi32>], vector<16xf32>,
        tpu.vector_store_idx %arg8[%parallel_loop3A_478, %add3A_167], %parallel_loop3A_479 : memref<128x200xf32, #tpu.memory_space<vmem>>[vector<16xi32>, vector<16xi32>], vector<16xf32>,
        %parallel_loop3A_480 = arith.constant 16 : i32
        %parallel_loop3A_481 = vector.broadcast %parallel_loop3A_480 : i32 to vector<16xi32>
        %parallel_loop3A_482 = arith.addi %parallel_loop3A_477, %parallel_loop3A_481 : vector<16xi32>
        %parallel_loop3A_483 = arith.constant 1 : i32
        %parallel_loop3A_484 = vector.broadcast %parallel_loop3A_483 : i32 to vector<16xi32>
        %parallel_loop3A_485 = arith.addi %parallel_loop3A_478, %parallel_loop3A_484 : vector<16xi32>
        scf.yield %parallel_loop3A_482, %parallel_loop3A_485 : vector<16xi32>, vector<16xi32>
      } {sc.loop_unroll_factor = 8 : i64, sc.parallel_access}
      %get3A_176 = arith.constant 128 : index
      %get3A_177 = tpu.vector_load %arg6[%get3A_176] {strides = array<i32>} : memref<208xi32, #tpu.memory_space<vmem>>, vector<16xi32>,
      %add3A_178 = arith.constant 128 : i32
      %add3A_179 = vector.broadcast %add3A_178 : i32 to vector<16xi32>
      %add3A_180 = arith.addi %iota3A, %add3A_179 : vector<16xi32>
      %mul3A_181 = arith.constant 2048 : i32
      %mul3A_182 = vector.broadcast %mul3A_181 : i32 to vector<16xi32>
      %mul3A_183 = arith.muli %get3A_177, %mul3A_182 : vector<16xi32>
      %add3A_184 = arith.addi %mul3A_183, %iota3A : vector<16xi32>
      %parallel_loop3A_185 = arith.constant 0 : i32
      %parallel_loop3A_186 = arith.constant 128 : i32
      %parallel_loop3A_187 = arith.constant 1 : i32
      %parallel_loop3A_188:2 = scf.for %parallel_loop3A_476 = %parallel_loop3A_185 to %parallel_loop3A_186 step %parallel_loop3A_187 iter_args(%parallel_loop3A_477 = %add3A_184, %parallel_loop3A_478 = %mul3A_73) -> (vector<16xi32>, vector<16xi32>)  : i32 {
        %parallel_loop3A_479 = tpu.vector_load_idx %arg5[%parallel_loop3A_477] : memref<12288xf32, #tpu.memory_space<vmem>>[vector<16xi32>], vector<16xf32>,
        tpu.vector_store_idx %arg8[%parallel_loop3A_478, %add3A_180], %parallel_loop3A_479 : memref<128x200xf32, #tpu.memory_space<vmem>>[vector<16xi32>, vector<16xi32>], vector<16xf32>,
        %parallel_loop3A_480 = arith.constant 16 : i32
        %parallel_loop3A_481 = vector.broadcast %parallel_loop3A_480 : i32 to vector<16xi32>
        %parallel_loop3A_482 = arith.addi %parallel_loop3A_477, %parallel_loop3A_481 : vector<16xi32>
        %parallel_loop3A_483 = arith.constant 1 : i32
        %parallel_loop3A_484 = vector.broadcast %parallel_loop3A_483 : i32 to vector<16xi32>
        %parallel_loop3A_485 = arith.addi %parallel_loop3A_478, %parallel_loop3A_484 : vector<16xi32>
        scf.yield %parallel_loop3A_482, %parallel_loop3A_485 : vector<16xi32>, vector<16xi32>
      } {sc.loop_unroll_factor = 8 : i64, sc.parallel_access}
      %get3A_189 = arith.constant 144 : index
      %get3A_190 = tpu.vector_load %arg6[%get3A_189] {strides = array<i32>} : memref<208xi32, #tpu.memory_space<vmem>>, vector<16xi32>,
      %add3A_191 = arith.constant 144 : i32
      %add3A_192 = vector.broadcast %add3A_191 : i32 to vector<16xi32>
      %add3A_193 = arith.addi %iota3A, %add3A_192 : vector<16xi32>
      %mul3A_194 = arith.constant 2048 : i32
      %mul3A_195 = vector.broadcast %mul3A_194 : i32 to vector<16xi32>
      %mul3A_196 = arith.muli %get3A_190, %mul3A_195 : vector<16xi32>
      %add3A_197 = arith.addi %mul3A_196, %iota3A : vector<16xi32>
      %parallel_loop3A_198 = arith.constant 0 : i32
      %parallel_loop3A_199 = arith.constant 128 : i32
      %parallel_loop3A_200 = arith.constant 1 : i32
      %parallel_loop3A_201:2 = scf.for %parallel_loop3A_476 = %parallel_loop3A_198 to %parallel_loop3A_199 step %parallel_loop3A_200 iter_args(%parallel_loop3A_477 = %add3A_197, %parallel_loop3A_478 = %mul3A_73) -> (vector<16xi32>, vector<16xi32>)  : i32 {
        %parallel_loop3A_479 = tpu.vector_load_idx %arg5[%parallel_loop3A_477] : memref<12288xf32, #tpu.memory_space<vmem>>[vector<16xi32>], vector<16xf32>,
        tpu.vector_store_idx %arg8[%parallel_loop3A_478, %add3A_193], %parallel_loop3A_479 : memref<128x200xf32, #tpu.memory_space<vmem>>[vector<16xi32>, vector<16xi32>], vector<16xf32>,
        %parallel_loop3A_480 = arith.constant 16 : i32
        %parallel_loop3A_481 = vector.broadcast %parallel_loop3A_480 : i32 to vector<16xi32>
        %parallel_loop3A_482 = arith.addi %parallel_loop3A_477, %parallel_loop3A_481 : vector<16xi32>
        %parallel_loop3A_483 = arith.constant 1 : i32
        %parallel_loop3A_484 = vector.broadcast %parallel_loop3A_483 : i32 to vector<16xi32>
        %parallel_loop3A_485 = arith.addi %parallel_loop3A_478, %parallel_loop3A_484 : vector<16xi32>
        scf.yield %parallel_loop3A_482, %parallel_loop3A_485 : vector<16xi32>, vector<16xi32>
      } {sc.loop_unroll_factor = 8 : i64, sc.parallel_access}
      %get3A_202 = arith.constant 160 : index
      %get3A_203 = tpu.vector_load %arg6[%get3A_202] {strides = array<i32>} : memref<208xi32, #tpu.memory_space<vmem>>, vector<16xi32>,
      %add3A_204 = arith.constant 160 : i32
      %add3A_205 = vector.broadcast %add3A_204 : i32 to vector<16xi32>
      %add3A_206 = arith.addi %iota3A, %add3A_205 : vector<16xi32>
      %mul3A_207 = arith.constant 2048 : i32
      %mul3A_208 = vector.broadcast %mul3A_207 : i32 to vector<16xi32>
      %mul3A_209 = arith.muli %get3A_203, %mul3A_208 : vector<16xi32>
      %add3A_210 = arith.addi %mul3A_209, %iota3A : vector<16xi32>
      %parallel_loop3A_211 = arith.constant 0 : i32
      %parallel_loop3A_212 = arith.constant 128 : i32
      %parallel_loop3A_213 = arith.constant 1 : i32
      %parallel_loop3A_214:2 = scf.for %parallel_loop3A_476 = %parallel_loop3A_211 to %parallel_loop3A_212 step %parallel_loop3A_213 iter_args(%parallel_loop3A_477 = %add3A_210, %parallel_loop3A_478 = %mul3A_73) -> (vector<16xi32>, vector<16xi32>)  : i32 {
        %parallel_loop3A_479 = tpu.vector_load_idx %arg5[%parallel_loop3A_477] : memref<12288xf32, #tpu.memory_space<vmem>>[vector<16xi32>], vector<16xf32>,
        tpu.vector_store_idx %arg8[%parallel_loop3A_478, %add3A_206], %parallel_loop3A_479 : memref<128x200xf32, #tpu.memory_space<vmem>>[vector<16xi32>, vector<16xi32>], vector<16xf32>,
        %parallel_loop3A_480 = arith.constant 16 : i32
        %parallel_loop3A_481 = vector.broadcast %parallel_loop3A_480 : i32 to vector<16xi32>
        %parallel_loop3A_482 = arith.addi %parallel_loop3A_477, %parallel_loop3A_481 : vector<16xi32>
        %parallel_loop3A_483 = arith.constant 1 : i32
        %parallel_loop3A_484 = vector.broadcast %parallel_loop3A_483 : i32 to vector<16xi32>
        %parallel_loop3A_485 = arith.addi %parallel_loop3A_478, %parallel_loop3A_484 : vector<16xi32>
        scf.yield %parallel_loop3A_482, %parallel_loop3A_485 : vector<16xi32>, vector<16xi32>
      } {sc.loop_unroll_factor = 8 : i64, sc.parallel_access}
      %get3A_215 = arith.constant 176 : index
      %get3A_216 = tpu.vector_load %arg6[%get3A_215] {strides = array<i32>} : memref<208xi32, #tpu.memory_space<vmem>>, vector<16xi32>,
      %add3A_217 = arith.constant 176 : i32
      %add3A_218 = vector.broadcast %add3A_217 : i32 to vector<16xi32>
      %add3A_219 = arith.addi %iota3A, %add3A_218 : vector<16xi32>
      %mul3A_220 = arith.constant 2048 : i32
      %mul3A_221 = vector.broadcast %mul3A_220 : i32 to vector<16xi32>
      %mul3A_222 = arith.muli %get3A_216, %mul3A_221 : vector<16xi32>
      %add3A_223 = arith.addi %mul3A_222, %iota3A : vector<16xi32>
      %parallel_loop3A_224 = arith.constant 0 : i32
      %parallel_loop3A_225 = arith.constant 128 : i32
      %parallel_loop3A_226 = arith.constant 1 : i32
      %parallel_loop3A_227:2 = scf.for %parallel_loop3A_476 = %parallel_loop3A_224 to %parallel_loop3A_225 step %parallel_loop3A_226 iter_args(%parallel_loop3A_477 = %add3A_223, %parallel_loop3A_478 = %mul3A_73) -> (vector<16xi32>, vector<16xi32>)  : i32 {
        %parallel_loop3A_479 = tpu.vector_load_idx %arg5[%parallel_loop3A_477] : memref<12288xf32, #tpu.memory_space<vmem>>[vector<16xi32>], vector<16xf32>,
        tpu.vector_store_idx %arg8[%parallel_loop3A_478, %add3A_219], %parallel_loop3A_479 : memref<128x200xf32, #tpu.memory_space<vmem>>[vector<16xi32>, vector<16xi32>], vector<16xf32>,
        %parallel_loop3A_480 = arith.constant 16 : i32
        %parallel_loop3A_481 = vector.broadcast %parallel_loop3A_480 : i32 to vector<16xi32>
        %parallel_loop3A_482 = arith.addi %parallel_loop3A_477, %parallel_loop3A_481 : vector<16xi32>
        %parallel_loop3A_483 = arith.constant 1 : i32
        %parallel_loop3A_484 = vector.broadcast %parallel_loop3A_483 : i32 to vector<16xi32>
        %parallel_loop3A_485 = arith.addi %parallel_loop3A_478, %parallel_loop3A_484 : vector<16xi32>
        scf.yield %parallel_loop3A_482, %parallel_loop3A_485 : vector<16xi32>, vector<16xi32>
      } {sc.loop_unroll_factor = 8 : i64, sc.parallel_access}
      %get3A_228 = arith.constant 192 : index
      %get3A_229 = tpu.vector_load %arg6[%get3A_228] {strides = array<i32>} : memref<208xi32, #tpu.memory_space<vmem>>, vector<16xi32>,
      %add3A_230 = arith.constant 192 : i32
      %add3A_231 = vector.broadcast %add3A_230 : i32 to vector<16xi32>
      %add3A_232 = arith.addi %iota3A, %add3A_231 : vector<16xi32>
      %mul3A_233 = arith.constant 2048 : i32
      %mul3A_234 = vector.broadcast %mul3A_233 : i32 to vector<16xi32>
      %mul3A_235 = arith.muli %get3A_229, %mul3A_234 : vector<16xi32>
      %add3A_236 = arith.addi %mul3A_235, %iota3A : vector<16xi32>
      %lt3A = arith.constant 8 : i32
      %lt3A_237 = vector.broadcast %lt3A : i32 to vector<16xi32>
      %lt3A_238 = arith.cmpi slt, %iota3A, %lt3A_237 : vector<16xi32>
      %parallel_loop3A_239 = arith.constant 0 : i32
      %parallel_loop3A_240 = arith.constant 128 : i32
      %parallel_loop3A_241 = arith.constant 1 : i32
      %parallel_loop3A_242:2 = scf.for %parallel_loop3A_476 = %parallel_loop3A_239 to %parallel_loop3A_240 step %parallel_loop3A_241 iter_args(%parallel_loop3A_477 = %add3A_236, %parallel_loop3A_478 = %mul3A_73) -> (vector<16xi32>, vector<16xi32>)  : i32 {
        %parallel_loop3A_479 = tpu.vector_load_idx %arg5[%parallel_loop3A_477] masked %lt3A_238 : memref<12288xf32, #tpu.memory_space<vmem>>[vector<16xi32>], vector<16xf32>, vector<16xi1>
        tpu.vector_store_idx %arg8[%parallel_loop3A_478, %add3A_232], %parallel_loop3A_479 masked %lt3A_238 : memref<128x200xf32, #tpu.memory_space<vmem>>[vector<16xi32>, vector<16xi32>], vector<16xf32>, vector<16xi1>
        %parallel_loop3A_480 = arith.constant 16 : i32
        %parallel_loop3A_481 = vector.broadcast %parallel_loop3A_480 : i32 to vector<16xi32>
        %parallel_loop3A_482 = arith.addi %parallel_loop3A_477, %parallel_loop3A_481 : vector<16xi32>
        %parallel_loop3A_483 = arith.constant 1 : i32
        %parallel_loop3A_484 = vector.broadcast %parallel_loop3A_483 : i32 to vector<16xi32>
        %parallel_loop3A_485 = arith.addi %parallel_loop3A_478, %parallel_loop3A_484 : vector<16xi32>
        scf.yield %parallel_loop3A_482, %parallel_loop3A_485 : vector<16xi32>, vector<16xi32>
      } {sc.loop_unroll_factor = 8 : i64, sc.parallel_access}
      %dma_start3A_243 = arith.constant 0 : i32
      %dma_start3A_244 = arith.constant 0 : i32
      %dma_start3A_245 = tpu.memref_slice %arg4[%add3A_60, %dma_start3A_243, %dma_start3A_244] : memref<4096x128x200xf32, #tpu.memory_space<hbm>> -> memref<1x128x200xf32, #tpu.memory_space<hbm>>
      %dma_start3A_246 = tpu.memref_squeeze %dma_start3A_245 : memref<1x128x200xf32, #tpu.memory_space<hbm>> -> memref<128x200xf32, #tpu.memory_space<hbm>>
      %dma_start3A_247 = arith.constant 0 : i32
      %dma_start3A_248 = arith.constant 0 : i32
      %dma_start3A_249 = tpu.memref_slice %arg4[%add3A_60, %dma_start3A_247, %dma_start3A_248] : memref<4096x128x200xf32, #tpu.memory_space<hbm>> -> memref<1x128x200xf32, #tpu.memory_space<hbm>>
      %dma_start3A_250 = tpu.memref_squeeze %dma_start3A_249 : memref<1x128x200xf32, #tpu.memory_space<hbm>> -> memref<128x200xf32, #tpu.memory_space<hbm>>
      tpu.enqueue_dma source(%arg8 : memref<128x200xf32, #tpu.memory_space<vmem>>) target(%dma_start3A_250 : memref<128x200xf32, #tpu.memory_space<hbm>>) target_semaphore(%arg13 : memref<!tpu.dma_semaphore, #tpu.memory_space<semaphore_mem>>)
      %mul3A_251 = arith.constant 2 : i32
      %mul3A_252 = arith.muli %mul3A_251, %scan3A_54 : i32
      %add3A_253 = arith.constant 0 : i32
      %add3A_254 = arith.addi %mul3A_252, %add3A_253 : i32
      %add3A_255 = arith.constant 2 : i32
      %add3A_256 = arith.addi %add3A_254, %add3A_255 : i32
      %lt3A_257 = arith.constant 128 : i32
      %lt3A_258 = arith.cmpi slt, %add3A_256, %lt3A_257 : i32
      %convert_element_type3A_259 = arith.extui %lt3A_258 : i1 to i32
      %cond3A_260 = arith.constant 0 : i32
      %cond3A_261 = arith.cmpi ne, %convert_element_type3A_259, %cond3A_260 : i32
      scf.if %cond3A_261 {
        %add3A_476 = arith.constant 2 : i32
        %add3A_477 = arith.addi %add3A_60, %add3A_476 : i32
        %mul3A_478 = arith.constant 200 : i32
        %mul3A_479 = arith.muli %add3A_477, %mul3A_478 : i32
        %dma_start3A_480 = arith.constant 0 : i32
        %dma_start3A_481 = tpu.memref_slice %arg6[%dma_start3A_480] : memref<208xi32, #tpu.memory_space<vmem>> -> memref<200xi32, #tpu.memory_space<vmem>>
        %dma_start3A_482 = tpu.memref_slice %arg2[%mul3A_479] : memref<819200xi32, #tpu.memory_space<hbm>> -> memref<200xi32, #tpu.memory_space<hbm>>
        %dma_start3A_483 = arith.constant 0 : i32
        %dma_start3A_484 = tpu.memref_slice %arg6[%dma_start3A_483] : memref<208xi32, #tpu.memory_space<vmem>> -> memref<200xi32, #tpu.memory_space<vmem>>
        %dma_start3A_485 = tpu.memref_slice %arg2[%mul3A_479] : memref<819200xi32, #tpu.memory_space<hbm>> -> memref<200xi32, #tpu.memory_space<hbm>>
        tpu.enqueue_dma source(%dma_start3A_485 : memref<200xi32, #tpu.memory_space<hbm>>) target(%dma_start3A_484 : memref<200xi32, #tpu.memory_space<vmem>>) target_semaphore(%arg11 : memref<!tpu.dma_semaphore, #tpu.memory_space<semaphore_mem>>)
      } else {
      }
      %mul3A_262 = arith.constant 2 : i32
      %mul3A_263 = arith.muli %mul3A_262, %scan3A_54 : i32
      %add3A_264 = arith.addi %mul3A_2, %mul3A_263 : i32
      %add3A_265 = arith.constant 1 : i32
      %add3A_266 = arith.addi %add3A_264, %add3A_265 : i32
      %mul3A_267 = arith.constant 200 : i32
      %mul3A_268 = arith.muli %add3A_266, %mul3A_267 : i32
      %dma_wait3A_269 = arith.constant 0 : i32
      %dma_wait3A_270 = tpu.memref_slice %arg7[%dma_wait3A_269] : memref<208xi32, #tpu.memory_space<vmem>> -> memref<200xi32, #tpu.memory_space<vmem>>
      %dma_wait3A_271 = tpu.memref_slice %arg2[%mul3A_268] : memref<819200xi32, #tpu.memory_space<hbm>> -> memref<200xi32, #tpu.memory_space<hbm>>
      %dma_wait3A_272 = arith.constant 0 : i32
      %dma_wait3A_273 = tpu.memref_slice %arg7[%dma_wait3A_272] : memref<208xi32, #tpu.memory_space<vmem>> -> memref<200xi32, #tpu.memory_space<vmem>>
      %dma_wait3A_274 = tpu.memref_slice %arg2[%mul3A_268] : memref<819200xi32, #tpu.memory_space<hbm>> -> memref<200xi32, #tpu.memory_space<hbm>>
      tpu.wait_dma2 semaphore(%arg12 : memref<!tpu.dma_semaphore, #tpu.memory_space<semaphore_mem>>) src(%dma_wait3A_274 : memref<200xi32, #tpu.memory_space<hbm>>) dst(%dma_wait3A_273 : memref<200xi32, #tpu.memory_space<vmem>>)
      %gt3A_275 = arith.constant 0 : i32
      %gt3A_276 = arith.cmpi sgt, %scan3A_54, %gt3A_275 : i32
      %convert_element_type3A_277 = arith.extui %gt3A_276 : i1 to i32
      %cond3A_278 = arith.constant 0 : i32
      %cond3A_279 = arith.cmpi ne, %convert_element_type3A_277, %cond3A_278 : i32
      scf.if %cond3A_279 {
        %sub3A_476 = arith.constant 2 : i32
        %sub3A_477 = arith.subi %add3A_266, %sub3A_476 : i32
        %dma_wait3A_478 = arith.constant 0 : i32
        %dma_wait3A_479 = arith.constant 0 : i32
        %dma_wait3A_480 = tpu.memref_slice %arg4[%sub3A_477, %dma_wait3A_478, %dma_wait3A_479] : memref<4096x128x200xf32, #tpu.memory_space<hbm>> -> memref<1x128x200xf32, #tpu.memory_space<hbm>>
        %dma_wait3A_481 = tpu.memref_squeeze %dma_wait3A_480 : memref<1x128x200xf32, #tpu.memory_space<hbm>> -> memref<128x200xf32, #tpu.memory_space<hbm>>
        %dma_wait3A_482 = arith.constant 0 : i32
        %dma_wait3A_483 = arith.constant 0 : i32
        %dma_wait3A_484 = tpu.memref_slice %arg4[%sub3A_477, %dma_wait3A_482, %dma_wait3A_483] : memref<4096x128x200xf32, #tpu.memory_space<hbm>> -> memref<1x128x200xf32, #tpu.memory_space<hbm>>
        %dma_wait3A_485 = tpu.memref_squeeze %dma_wait3A_484 : memref<1x128x200xf32, #tpu.memory_space<hbm>> -> memref<128x200xf32, #tpu.memory_space<hbm>>
        tpu.wait_dma2 semaphore(%arg14 : memref<!tpu.dma_semaphore, #tpu.memory_space<semaphore_mem>>) src(%arg9 : memref<128x200xf32, #tpu.memory_space<vmem>>) dst(%dma_wait3A_485 : memref<128x200xf32, #tpu.memory_space<hbm>>)
      } else {
      }
      %iota3A_280 = tpu.iota {dimensions = array<i32: 0>} : vector<16xi32>
      %mul3A_281 = arith.constant 0 : i32
      %mul3A_282 = vector.broadcast %mul3A_281 : i32 to vector<16xi32>
      %mul3A_283 = arith.muli %iota3A_280, %mul3A_282 : vector<16xi32>
      %get3A_284 = arith.constant 0 : index
      %get3A_285 = tpu.vector_load %arg7[%get3A_284] {strides = array<i32>} : memref<208xi32, #tpu.memory_space<vmem>>, vector<16xi32>,
      %add3A_286 = arith.constant 0 : i32
      %add3A_287 = vector.broadcast %add3A_286 : i32 to vector<16xi32>
      %add3A_288 = arith.addi %iota3A_280, %add3A_287 : vector<16xi32>
      %mul3A_289 = arith.constant 2048 : i32
      %mul3A_290 = vector.broadcast %mul3A_289 : i32 to vector<16xi32>
      %mul3A_291 = arith.muli %get3A_285, %mul3A_290 : vector<16xi32>
      %add3A_292 = arith.addi %mul3A_291, %iota3A_280 : vector<16xi32>
      %parallel_loop3A_293 = arith.constant 0 : i32
      %parallel_loop3A_294 = arith.constant 128 : i32
      %parallel_loop3A_295 = arith.constant 1 : i32
      %parallel_loop3A_296:2 = scf.for %parallel_loop3A_476 = %parallel_loop3A_293 to %parallel_loop3A_294 step %parallel_loop3A_295 iter_args(%parallel_loop3A_477 = %add3A_292, %parallel_loop3A_478 = %mul3A_283) -> (vector<16xi32>, vector<16xi32>)  : i32 {
        %parallel_loop3A_479 = tpu.vector_load_idx %arg5[%parallel_loop3A_477] : memref<12288xf32, #tpu.memory_space<vmem>>[vector<16xi32>], vector<16xf32>,
        tpu.vector_store_idx %arg9[%parallel_loop3A_478, %add3A_288], %parallel_loop3A_479 : memref<128x200xf32, #tpu.memory_space<vmem>>[vector<16xi32>, vector<16xi32>], vector<16xf32>,
        %parallel_loop3A_480 = arith.constant 16 : i32
        %parallel_loop3A_481 = vector.broadcast %parallel_loop3A_480 : i32 to vector<16xi32>
        %parallel_loop3A_482 = arith.addi %parallel_loop3A_477, %parallel_loop3A_481 : vector<16xi32>
        %parallel_loop3A_483 = arith.constant 1 : i32
        %parallel_loop3A_484 = vector.broadcast %parallel_loop3A_483 : i32 to vector<16xi32>
        %parallel_loop3A_485 = arith.addi %parallel_loop3A_478, %parallel_loop3A_484 : vector<16xi32>
        scf.yield %parallel_loop3A_482, %parallel_loop3A_485 : vector<16xi32>, vector<16xi32>
      } {sc.loop_unroll_factor = 8 : i64, sc.parallel_access}
      %get3A_297 = arith.constant 16 : index
      %get3A_298 = tpu.vector_load %arg7[%get3A_297] {strides = array<i32>} : memref<208xi32, #tpu.memory_space<vmem>>, vector<16xi32>,
      %add3A_299 = arith.constant 16 : i32
      %add3A_300 = vector.broadcast %add3A_299 : i32 to vector<16xi32>
      %add3A_301 = arith.addi %iota3A_280, %add3A_300 : vector<16xi32>
      %mul3A_302 = arith.constant 2048 : i32
      %mul3A_303 = vector.broadcast %mul3A_302 : i32 to vector<16xi32>
      %mul3A_304 = arith.muli %get3A_298, %mul3A_303 : vector<16xi32>
      %add3A_305 = arith.addi %mul3A_304, %iota3A_280 : vector<16xi32>
      %parallel_loop3A_306 = arith.constant 0 : i32
      %parallel_loop3A_307 = arith.constant 128 : i32
      %parallel_loop3A_308 = arith.constant 1 : i32
      %parallel_loop3A_309:2 = scf.for %parallel_loop3A_476 = %parallel_loop3A_306 to %parallel_loop3A_307 step %parallel_loop3A_308 iter_args(%parallel_loop3A_477 = %add3A_305, %parallel_loop3A_478 = %mul3A_283) -> (vector<16xi32>, vector<16xi32>)  : i32 {
        %parallel_loop3A_479 = tpu.vector_load_idx %arg5[%parallel_loop3A_477] : memref<12288xf32, #tpu.memory_space<vmem>>[vector<16xi32>], vector<16xf32>,
        tpu.vector_store_idx %arg9[%parallel_loop3A_478, %add3A_301], %parallel_loop3A_479 : memref<128x200xf32, #tpu.memory_space<vmem>>[vector<16xi32>, vector<16xi32>], vector<16xf32>,
        %parallel_loop3A_480 = arith.constant 16 : i32
        %parallel_loop3A_481 = vector.broadcast %parallel_loop3A_480 : i32 to vector<16xi32>
        %parallel_loop3A_482 = arith.addi %parallel_loop3A_477, %parallel_loop3A_481 : vector<16xi32>
        %parallel_loop3A_483 = arith.constant 1 : i32
        %parallel_loop3A_484 = vector.broadcast %parallel_loop3A_483 : i32 to vector<16xi32>
        %parallel_loop3A_485 = arith.addi %parallel_loop3A_478, %parallel_loop3A_484 : vector<16xi32>
        scf.yield %parallel_loop3A_482, %parallel_loop3A_485 : vector<16xi32>, vector<16xi32>
      } {sc.loop_unroll_factor = 8 : i64, sc.parallel_access}
      %get3A_310 = arith.constant 32 : index
      %get3A_311 = tpu.vector_load %arg7[%get3A_310] {strides = array<i32>} : memref<208xi32, #tpu.memory_space<vmem>>, vector<16xi32>,
      %add3A_312 = arith.constant 32 : i32
      %add3A_313 = vector.broadcast %add3A_312 : i32 to vector<16xi32>
      %add3A_314 = arith.addi %iota3A_280, %add3A_313 : vector<16xi32>
      %mul3A_315 = arith.constant 2048 : i32
      %mul3A_316 = vector.broadcast %mul3A_315 : i32 to vector<16xi32>
      %mul3A_317 = arith.muli %get3A_311, %mul3A_316 : vector<16xi32>
      %add3A_318 = arith.addi %mul3A_317, %iota3A_280 : vector<16xi32>
      %parallel_loop3A_319 = arith.constant 0 : i32
      %parallel_loop3A_320 = arith.constant 128 : i32
      %parallel_loop3A_321 = arith.constant 1 : i32
      %parallel_loop3A_322:2 = scf.for %parallel_loop3A_476 = %parallel_loop3A_319 to %parallel_loop3A_320 step %parallel_loop3A_321 iter_args(%parallel_loop3A_477 = %add3A_318, %parallel_loop3A_478 = %mul3A_283) -> (vector<16xi32>, vector<16xi32>)  : i32 {
        %parallel_loop3A_479 = tpu.vector_load_idx %arg5[%parallel_loop3A_477] : memref<12288xf32, #tpu.memory_space<vmem>>[vector<16xi32>], vector<16xf32>,
        tpu.vector_store_idx %arg9[%parallel_loop3A_478, %add3A_314], %parallel_loop3A_479 : memref<128x200xf32, #tpu.memory_space<vmem>>[vector<16xi32>, vector<16xi32>], vector<16xf32>,
        %parallel_loop3A_480 = arith.constant 16 : i32
        %parallel_loop3A_481 = vector.broadcast %parallel_loop3A_480 : i32 to vector<16xi32>
        %parallel_loop3A_482 = arith.addi %parallel_loop3A_477, %parallel_loop3A_481 : vector<16xi32>
        %parallel_loop3A_483 = arith.constant 1 : i32
        %parallel_loop3A_484 = vector.broadcast %parallel_loop3A_483 : i32 to vector<16xi32>
        %parallel_loop3A_485 = arith.addi %parallel_loop3A_478, %parallel_loop3A_484 : vector<16xi32>
        scf.yield %parallel_loop3A_482, %parallel_loop3A_485 : vector<16xi32>, vector<16xi32>
      } {sc.loop_unroll_factor = 8 : i64, sc.parallel_access}
      %get3A_323 = arith.constant 48 : index
      %get3A_324 = tpu.vector_load %arg7[%get3A_323] {strides = array<i32>} : memref<208xi32, #tpu.memory_space<vmem>>, vector<16xi32>,
      %add3A_325 = arith.constant 48 : i32
      %add3A_326 = vector.broadcast %add3A_325 : i32 to vector<16xi32>
      %add3A_327 = arith.addi %iota3A_280, %add3A_326 : vector<16xi32>
      %mul3A_328 = arith.constant 2048 : i32
      %mul3A_329 = vector.broadcast %mul3A_328 : i32 to vector<16xi32>
      %mul3A_330 = arith.muli %get3A_324, %mul3A_329 : vector<16xi32>
      %add3A_331 = arith.addi %mul3A_330, %iota3A_280 : vector<16xi32>
      %parallel_loop3A_332 = arith.constant 0 : i32
      %parallel_loop3A_333 = arith.constant 128 : i32
      %parallel_loop3A_334 = arith.constant 1 : i32
      %parallel_loop3A_335:2 = scf.for %parallel_loop3A_476 = %parallel_loop3A_332 to %parallel_loop3A_333 step %parallel_loop3A_334 iter_args(%parallel_loop3A_477 = %add3A_331, %parallel_loop3A_478 = %mul3A_283) -> (vector<16xi32>, vector<16xi32>)  : i32 {
        %parallel_loop3A_479 = tpu.vector_load_idx %arg5[%parallel_loop3A_477] : memref<12288xf32, #tpu.memory_space<vmem>>[vector<16xi32>], vector<16xf32>,
        tpu.vector_store_idx %arg9[%parallel_loop3A_478, %add3A_327], %parallel_loop3A_479 : memref<128x200xf32, #tpu.memory_space<vmem>>[vector<16xi32>, vector<16xi32>], vector<16xf32>,
        %parallel_loop3A_480 = arith.constant 16 : i32
        %parallel_loop3A_481 = vector.broadcast %parallel_loop3A_480 : i32 to vector<16xi32>
        %parallel_loop3A_482 = arith.addi %parallel_loop3A_477, %parallel_loop3A_481 : vector<16xi32>
        %parallel_loop3A_483 = arith.constant 1 : i32
        %parallel_loop3A_484 = vector.broadcast %parallel_loop3A_483 : i32 to vector<16xi32>
        %parallel_loop3A_485 = arith.addi %parallel_loop3A_478, %parallel_loop3A_484 : vector<16xi32>
        scf.yield %parallel_loop3A_482, %parallel_loop3A_485 : vector<16xi32>, vector<16xi32>
      } {sc.loop_unroll_factor = 8 : i64, sc.parallel_access}
      %get3A_336 = arith.constant 64 : index
      %get3A_337 = tpu.vector_load %arg7[%get3A_336] {strides = array<i32>} : memref<208xi32, #tpu.memory_space<vmem>>, vector<16xi32>,
      %add3A_338 = arith.constant 64 : i32
      %add3A_339 = vector.broadcast %add3A_338 : i32 to vector<16xi32>
      %add3A_340 = arith.addi %iota3A_280, %add3A_339 : vector<16xi32>
      %mul3A_341 = arith.constant 2048 : i32
      %mul3A_342 = vector.broadcast %mul3A_341 : i32 to vector<16xi32>
      %mul3A_343 = arith.muli %get3A_337, %mul3A_342 : vector<16xi32>
      %add3A_344 = arith.addi %mul3A_343, %iota3A_280 : vector<16xi32>
      %parallel_loop3A_345 = arith.constant 0 : i32
      %parallel_loop3A_346 = arith.constant 128 : i32
      %parallel_loop3A_347 = arith.constant 1 : i32
      %parallel_loop3A_348:2 = scf.for %parallel_loop3A_476 = %parallel_loop3A_345 to %parallel_loop3A_346 step %parallel_loop3A_347 iter_args(%parallel_loop3A_477 = %add3A_344, %parallel_loop3A_478 = %mul3A_283) -> (vector<16xi32>, vector<16xi32>)  : i32 {
        %parallel_loop3A_479 = tpu.vector_load_idx %arg5[%parallel_loop3A_477] : memref<12288xf32, #tpu.memory_space<vmem>>[vector<16xi32>], vector<16xf32>,
        tpu.vector_store_idx %arg9[%parallel_loop3A_478, %add3A_340], %parallel_loop3A_479 : memref<128x200xf32, #tpu.memory_space<vmem>>[vector<16xi32>, vector<16xi32>], vector<16xf32>,
        %parallel_loop3A_480 = arith.constant 16 : i32
        %parallel_loop3A_481 = vector.broadcast %parallel_loop3A_480 : i32 to vector<16xi32>
        %parallel_loop3A_482 = arith.addi %parallel_loop3A_477, %parallel_loop3A_481 : vector<16xi32>
        %parallel_loop3A_483 = arith.constant 1 : i32
        %parallel_loop3A_484 = vector.broadcast %parallel_loop3A_483 : i32 to vector<16xi32>
        %parallel_loop3A_485 = arith.addi %parallel_loop3A_478, %parallel_loop3A_484 : vector<16xi32>
        scf.yield %parallel_loop3A_482, %parallel_loop3A_485 : vector<16xi32>, vector<16xi32>
      } {sc.loop_unroll_factor = 8 : i64, sc.parallel_access}
      %get3A_349 = arith.constant 80 : index
      %get3A_350 = tpu.vector_load %arg7[%get3A_349] {strides = array<i32>} : memref<208xi32, #tpu.memory_space<vmem>>, vector<16xi32>,
      %add3A_351 = arith.constant 80 : i32
      %add3A_352 = vector.broadcast %add3A_351 : i32 to vector<16xi32>
      %add3A_353 = arith.addi %iota3A_280, %add3A_352 : vector<16xi32>
      %mul3A_354 = arith.constant 2048 : i32
      %mul3A_355 = vector.broadcast %mul3A_354 : i32 to vector<16xi32>
      %mul3A_356 = arith.muli %get3A_350, %mul3A_355 : vector<16xi32>
      %add3A_357 = arith.addi %mul3A_356, %iota3A_280 : vector<16xi32>
      %parallel_loop3A_358 = arith.constant 0 : i32
      %parallel_loop3A_359 = arith.constant 128 : i32
      %parallel_loop3A_360 = arith.constant 1 : i32
      %parallel_loop3A_361:2 = scf.for %parallel_loop3A_476 = %parallel_loop3A_358 to %parallel_loop3A_359 step %parallel_loop3A_360 iter_args(%parallel_loop3A_477 = %add3A_357, %parallel_loop3A_478 = %mul3A_283) -> (vector<16xi32>, vector<16xi32>)  : i32 {
        %parallel_loop3A_479 = tpu.vector_load_idx %arg5[%parallel_loop3A_477] : memref<12288xf32, #tpu.memory_space<vmem>>[vector<16xi32>], vector<16xf32>,
        tpu.vector_store_idx %arg9[%parallel_loop3A_478, %add3A_353], %parallel_loop3A_479 : memref<128x200xf32, #tpu.memory_space<vmem>>[vector<16xi32>, vector<16xi32>], vector<16xf32>,
        %parallel_loop3A_480 = arith.constant 16 : i32
        %parallel_loop3A_481 = vector.broadcast %parallel_loop3A_480 : i32 to vector<16xi32>
        %parallel_loop3A_482 = arith.addi %parallel_loop3A_477, %parallel_loop3A_481 : vector<16xi32>
        %parallel_loop3A_483 = arith.constant 1 : i32
        %parallel_loop3A_484 = vector.broadcast %parallel_loop3A_483 : i32 to vector<16xi32>
        %parallel_loop3A_485 = arith.addi %parallel_loop3A_478, %parallel_loop3A_484 : vector<16xi32>
        scf.yield %parallel_loop3A_482, %parallel_loop3A_485 : vector<16xi32>, vector<16xi32>
      } {sc.loop_unroll_factor = 8 : i64, sc.parallel_access}
      %get3A_362 = arith.constant 96 : index
      %get3A_363 = tpu.vector_load %arg7[%get3A_362] {strides = array<i32>} : memref<208xi32, #tpu.memory_space<vmem>>, vector<16xi32>,
      %add3A_364 = arith.constant 96 : i32
      %add3A_365 = vector.broadcast %add3A_364 : i32 to vector<16xi32>
      %add3A_366 = arith.addi %iota3A_280, %add3A_365 : vector<16xi32>
      %mul3A_367 = arith.constant 2048 : i32
      %mul3A_368 = vector.broadcast %mul3A_367 : i32 to vector<16xi32>
      %mul3A_369 = arith.muli %get3A_363, %mul3A_368 : vector<16xi32>
      %add3A_370 = arith.addi %mul3A_369, %iota3A_280 : vector<16xi32>
      %parallel_loop3A_371 = arith.constant 0 : i32
      %parallel_loop3A_372 = arith.constant 128 : i32
      %parallel_loop3A_373 = arith.constant 1 : i32
      %parallel_loop3A_374:2 = scf.for %parallel_loop3A_476 = %parallel_loop3A_371 to %parallel_loop3A_372 step %parallel_loop3A_373 iter_args(%parallel_loop3A_477 = %add3A_370, %parallel_loop3A_478 = %mul3A_283) -> (vector<16xi32>, vector<16xi32>)  : i32 {
        %parallel_loop3A_479 = tpu.vector_load_idx %arg5[%parallel_loop3A_477] : memref<12288xf32, #tpu.memory_space<vmem>>[vector<16xi32>], vector<16xf32>,
        tpu.vector_store_idx %arg9[%parallel_loop3A_478, %add3A_366], %parallel_loop3A_479 : memref<128x200xf32, #tpu.memory_space<vmem>>[vector<16xi32>, vector<16xi32>], vector<16xf32>,
        %parallel_loop3A_480 = arith.constant 16 : i32
        %parallel_loop3A_481 = vector.broadcast %parallel_loop3A_480 : i32 to vector<16xi32>
        %parallel_loop3A_482 = arith.addi %parallel_loop3A_477, %parallel_loop3A_481 : vector<16xi32>
        %parallel_loop3A_483 = arith.constant 1 : i32
        %parallel_loop3A_484 = vector.broadcast %parallel_loop3A_483 : i32 to vector<16xi32>
        %parallel_loop3A_485 = arith.addi %parallel_loop3A_478, %parallel_loop3A_484 : vector<16xi32>
        scf.yield %parallel_loop3A_482, %parallel_loop3A_485 : vector<16xi32>, vector<16xi32>
      } {sc.loop_unroll_factor = 8 : i64, sc.parallel_access}
      %get3A_375 = arith.constant 112 : index
      %get3A_376 = tpu.vector_load %arg7[%get3A_375] {strides = array<i32>} : memref<208xi32, #tpu.memory_space<vmem>>, vector<16xi32>,
      %add3A_377 = arith.constant 112 : i32
      %add3A_378 = vector.broadcast %add3A_377 : i32 to vector<16xi32>
      %add3A_379 = arith.addi %iota3A_280, %add3A_378 : vector<16xi32>
      %mul3A_380 = arith.constant 2048 : i32
      %mul3A_381 = vector.broadcast %mul3A_380 : i32 to vector<16xi32>
      %mul3A_382 = arith.muli %get3A_376, %mul3A_381 : vector<16xi32>
      %add3A_383 = arith.addi %mul3A_382, %iota3A_280 : vector<16xi32>
      %parallel_loop3A_384 = arith.constant 0 : i32
      %parallel_loop3A_385 = arith.constant 128 : i32
      %parallel_loop3A_386 = arith.constant 1 : i32
      %parallel_loop3A_387:2 = scf.for %parallel_loop3A_476 = %parallel_loop3A_384 to %parallel_loop3A_385 step %parallel_loop3A_386 iter_args(%parallel_loop3A_477 = %add3A_383, %parallel_loop3A_478 = %mul3A_283) -> (vector<16xi32>, vector<16xi32>)  : i32 {
        %parallel_loop3A_479 = tpu.vector_load_idx %arg5[%parallel_loop3A_477] : memref<12288xf32, #tpu.memory_space<vmem>>[vector<16xi32>], vector<16xf32>,
        tpu.vector_store_idx %arg9[%parallel_loop3A_478, %add3A_379], %parallel_loop3A_479 : memref<128x200xf32, #tpu.memory_space<vmem>>[vector<16xi32>, vector<16xi32>], vector<16xf32>,
        %parallel_loop3A_480 = arith.constant 16 : i32
        %parallel_loop3A_481 = vector.broadcast %parallel_loop3A_480 : i32 to vector<16xi32>
        %parallel_loop3A_482 = arith.addi %parallel_loop3A_477, %parallel_loop3A_481 : vector<16xi32>
        %parallel_loop3A_483 = arith.constant 1 : i32
        %parallel_loop3A_484 = vector.broadcast %parallel_loop3A_483 : i32 to vector<16xi32>
        %parallel_loop3A_485 = arith.addi %parallel_loop3A_478, %parallel_loop3A_484 : vector<16xi32>
        scf.yield %parallel_loop3A_482, %parallel_loop3A_485 : vector<16xi32>, vector<16xi32>
      } {sc.loop_unroll_factor = 8 : i64, sc.parallel_access}
      %get3A_388 = arith.constant 128 : index
      %get3A_389 = tpu.vector_load %arg7[%get3A_388] {strides = array<i32>} : memref<208xi32, #tpu.memory_space<vmem>>, vector<16xi32>,
      %add3A_390 = arith.constant 128 : i32
      %add3A_391 = vector.broadcast %add3A_390 : i32 to vector<16xi32>
      %add3A_392 = arith.addi %iota3A_280, %add3A_391 : vector<16xi32>
      %mul3A_393 = arith.constant 2048 : i32
      %mul3A_394 = vector.broadcast %mul3A_393 : i32 to vector<16xi32>
      %mul3A_395 = arith.muli %get3A_389, %mul3A_394 : vector<16xi32>
      %add3A_396 = arith.addi %mul3A_395, %iota3A_280 : vector<16xi32>
      %parallel_loop3A_397 = arith.constant 0 : i32
      %parallel_loop3A_398 = arith.constant 128 : i32
      %parallel_loop3A_399 = arith.constant 1 : i32
      %parallel_loop3A_400:2 = scf.for %parallel_loop3A_476 = %parallel_loop3A_397 to %parallel_loop3A_398 step %parallel_loop3A_399 iter_args(%parallel_loop3A_477 = %add3A_396, %parallel_loop3A_478 = %mul3A_283) -> (vector<16xi32>, vector<16xi32>)  : i32 {
        %parallel_loop3A_479 = tpu.vector_load_idx %arg5[%parallel_loop3A_477] : memref<12288xf32, #tpu.memory_space<vmem>>[vector<16xi32>], vector<16xf32>,
        tpu.vector_store_idx %arg9[%parallel_loop3A_478, %add3A_392], %parallel_loop3A_479 : memref<128x200xf32, #tpu.memory_space<vmem>>[vector<16xi32>, vector<16xi32>], vector<16xf32>,
        %parallel_loop3A_480 = arith.constant 16 : i32
        %parallel_loop3A_481 = vector.broadcast %parallel_loop3A_480 : i32 to vector<16xi32>
        %parallel_loop3A_482 = arith.addi %parallel_loop3A_477, %parallel_loop3A_481 : vector<16xi32>
        %parallel_loop3A_483 = arith.constant 1 : i32
        %parallel_loop3A_484 = vector.broadcast %parallel_loop3A_483 : i32 to vector<16xi32>
        %parallel_loop3A_485 = arith.addi %parallel_loop3A_478, %parallel_loop3A_484 : vector<16xi32>
        scf.yield %parallel_loop3A_482, %parallel_loop3A_485 : vector<16xi32>, vector<16xi32>
      } {sc.loop_unroll_factor = 8 : i64, sc.parallel_access}
      %get3A_401 = arith.constant 144 : index
      %get3A_402 = tpu.vector_load %arg7[%get3A_401] {strides = array<i32>} : memref<208xi32, #tpu.memory_space<vmem>>, vector<16xi32>,
      %add3A_403 = arith.constant 144 : i32
      %add3A_404 = vector.broadcast %add3A_403 : i32 to vector<16xi32>
      %add3A_405 = arith.addi %iota3A_280, %add3A_404 : vector<16xi32>
      %mul3A_406 = arith.constant 2048 : i32
      %mul3A_407 = vector.broadcast %mul3A_406 : i32 to vector<16xi32>
      %mul3A_408 = arith.muli %get3A_402, %mul3A_407 : vector<16xi32>
      %add3A_409 = arith.addi %mul3A_408, %iota3A_280 : vector<16xi32>
      %parallel_loop3A_410 = arith.constant 0 : i32
      %parallel_loop3A_411 = arith.constant 128 : i32
      %parallel_loop3A_412 = arith.constant 1 : i32
      %parallel_loop3A_413:2 = scf.for %parallel_loop3A_476 = %parallel_loop3A_410 to %parallel_loop3A_411 step %parallel_loop3A_412 iter_args(%parallel_loop3A_477 = %add3A_409, %parallel_loop3A_478 = %mul3A_283) -> (vector<16xi32>, vector<16xi32>)  : i32 {
        %parallel_loop3A_479 = tpu.vector_load_idx %arg5[%parallel_loop3A_477] : memref<12288xf32, #tpu.memory_space<vmem>>[vector<16xi32>], vector<16xf32>,
        tpu.vector_store_idx %arg9[%parallel_loop3A_478, %add3A_405], %parallel_loop3A_479 : memref<128x200xf32, #tpu.memory_space<vmem>>[vector<16xi32>, vector<16xi32>], vector<16xf32>,
        %parallel_loop3A_480 = arith.constant 16 : i32
        %parallel_loop3A_481 = vector.broadcast %parallel_loop3A_480 : i32 to vector<16xi32>
        %parallel_loop3A_482 = arith.addi %parallel_loop3A_477, %parallel_loop3A_481 : vector<16xi32>
        %parallel_loop3A_483 = arith.constant 1 : i32
        %parallel_loop3A_484 = vector.broadcast %parallel_loop3A_483 : i32 to vector<16xi32>
        %parallel_loop3A_485 = arith.addi %parallel_loop3A_478, %parallel_loop3A_484 : vector<16xi32>
        scf.yield %parallel_loop3A_482, %parallel_loop3A_485 : vector<16xi32>, vector<16xi32>
      } {sc.loop_unroll_factor = 8 : i64, sc.parallel_access}
      %get3A_414 = arith.constant 160 : index
      %get3A_415 = tpu.vector_load %arg7[%get3A_414] {strides = array<i32>} : memref<208xi32, #tpu.memory_space<vmem>>, vector<16xi32>,
      %add3A_416 = arith.constant 160 : i32
      %add3A_417 = vector.broadcast %add3A_416 : i32 to vector<16xi32>
      %add3A_418 = arith.addi %iota3A_280, %add3A_417 : vector<16xi32>
      %mul3A_419 = arith.constant 2048 : i32
      %mul3A_420 = vector.broadcast %mul3A_419 : i32 to vector<16xi32>
      %mul3A_421 = arith.muli %get3A_415, %mul3A_420 : vector<16xi32>
      %add3A_422 = arith.addi %mul3A_421, %iota3A_280 : vector<16xi32>
      %parallel_loop3A_423 = arith.constant 0 : i32
      %parallel_loop3A_424 = arith.constant 128 : i32
      %parallel_loop3A_425 = arith.constant 1 : i32
      %parallel_loop3A_426:2 = scf.for %parallel_loop3A_476 = %parallel_loop3A_423 to %parallel_loop3A_424 step %parallel_loop3A_425 iter_args(%parallel_loop3A_477 = %add3A_422, %parallel_loop3A_478 = %mul3A_283) -> (vector<16xi32>, vector<16xi32>)  : i32 {
        %parallel_loop3A_479 = tpu.vector_load_idx %arg5[%parallel_loop3A_477] : memref<12288xf32, #tpu.memory_space<vmem>>[vector<16xi32>], vector<16xf32>,
        tpu.vector_store_idx %arg9[%parallel_loop3A_478, %add3A_418], %parallel_loop3A_479 : memref<128x200xf32, #tpu.memory_space<vmem>>[vector<16xi32>, vector<16xi32>], vector<16xf32>,
        %parallel_loop3A_480 = arith.constant 16 : i32
        %parallel_loop3A_481 = vector.broadcast %parallel_loop3A_480 : i32 to vector<16xi32>
        %parallel_loop3A_482 = arith.addi %parallel_loop3A_477, %parallel_loop3A_481 : vector<16xi32>
        %parallel_loop3A_483 = arith.constant 1 : i32
        %parallel_loop3A_484 = vector.broadcast %parallel_loop3A_483 : i32 to vector<16xi32>
        %parallel_loop3A_485 = arith.addi %parallel_loop3A_478, %parallel_loop3A_484 : vector<16xi32>
        scf.yield %parallel_loop3A_482, %parallel_loop3A_485 : vector<16xi32>, vector<16xi32>
      } {sc.loop_unroll_factor = 8 : i64, sc.parallel_access}
      %get3A_427 = arith.constant 176 : index
      %get3A_428 = tpu.vector_load %arg7[%get3A_427] {strides = array<i32>} : memref<208xi32, #tpu.memory_space<vmem>>, vector<16xi32>,
      %add3A_429 = arith.constant 176 : i32
      %add3A_430 = vector.broadcast %add3A_429 : i32 to vector<16xi32>
      %add3A_431 = arith.addi %iota3A_280, %add3A_430 : vector<16xi32>
      %mul3A_432 = arith.constant 2048 : i32
      %mul3A_433 = vector.broadcast %mul3A_432 : i32 to vector<16xi32>
      %mul3A_434 = arith.muli %get3A_428, %mul3A_433 : vector<16xi32>
      %add3A_435 = arith.addi %mul3A_434, %iota3A_280 : vector<16xi32>
      %parallel_loop3A_436 = arith.constant 0 : i32
      %parallel_loop3A_437 = arith.constant 128 : i32
      %parallel_loop3A_438 = arith.constant 1 : i32
      %parallel_loop3A_439:2 = scf.for %parallel_loop3A_476 = %parallel_loop3A_436 to %parallel_loop3A_437 step %parallel_loop3A_438 iter_args(%parallel_loop3A_477 = %add3A_435, %parallel_loop3A_478 = %mul3A_283) -> (vector<16xi32>, vector<16xi32>)  : i32 {
        %parallel_loop3A_479 = tpu.vector_load_idx %arg5[%parallel_loop3A_477] : memref<12288xf32, #tpu.memory_space<vmem>>[vector<16xi32>], vector<16xf32>,
        tpu.vector_store_idx %arg9[%parallel_loop3A_478, %add3A_431], %parallel_loop3A_479 : memref<128x200xf32, #tpu.memory_space<vmem>>[vector<16xi32>, vector<16xi32>], vector<16xf32>,
        %parallel_loop3A_480 = arith.constant 16 : i32
        %parallel_loop3A_481 = vector.broadcast %parallel_loop3A_480 : i32 to vector<16xi32>
        %parallel_loop3A_482 = arith.addi %parallel_loop3A_477, %parallel_loop3A_481 : vector<16xi32>
        %parallel_loop3A_483 = arith.constant 1 : i32
        %parallel_loop3A_484 = vector.broadcast %parallel_loop3A_483 : i32 to vector<16xi32>
        %parallel_loop3A_485 = arith.addi %parallel_loop3A_478, %parallel_loop3A_484 : vector<16xi32>
        scf.yield %parallel_loop3A_482, %parallel_loop3A_485 : vector<16xi32>, vector<16xi32>
      } {sc.loop_unroll_factor = 8 : i64, sc.parallel_access}
      %get3A_440 = arith.constant 192 : index
      %get3A_441 = tpu.vector_load %arg7[%get3A_440] {strides = array<i32>} : memref<208xi32, #tpu.memory_space<vmem>>, vector<16xi32>,
      %add3A_442 = arith.constant 192 : i32
      %add3A_443 = vector.broadcast %add3A_442 : i32 to vector<16xi32>
      %add3A_444 = arith.addi %iota3A_280, %add3A_443 : vector<16xi32>
      %mul3A_445 = arith.constant 2048 : i32
      %mul3A_446 = vector.broadcast %mul3A_445 : i32 to vector<16xi32>
      %mul3A_447 = arith.muli %get3A_441, %mul3A_446 : vector<16xi32>
      %add3A_448 = arith.addi %mul3A_447, %iota3A_280 : vector<16xi32>
      %lt3A_449 = arith.constant 8 : i32
      %lt3A_450 = vector.broadcast %lt3A_449 : i32 to vector<16xi32>
      %lt3A_451 = arith.cmpi slt, %iota3A_280, %lt3A_450 : vector<16xi32>
      %parallel_loop3A_452 = arith.constant 0 : i32
      %parallel_loop3A_453 = arith.constant 128 : i32
      %parallel_loop3A_454 = arith.constant 1 : i32
      %parallel_loop3A_455:2 = scf.for %parallel_loop3A_476 = %parallel_loop3A_452 to %parallel_loop3A_453 step %parallel_loop3A_454 iter_args(%parallel_loop3A_477 = %add3A_448, %parallel_loop3A_478 = %mul3A_283) -> (vector<16xi32>, vector<16xi32>)  : i32 {
        %parallel_loop3A_479 = tpu.vector_load_idx %arg5[%parallel_loop3A_477] masked %lt3A_451 : memref<12288xf32, #tpu.memory_space<vmem>>[vector<16xi32>], vector<16xf32>, vector<16xi1>
        tpu.vector_store_idx %arg9[%parallel_loop3A_478, %add3A_444], %parallel_loop3A_479 masked %lt3A_451 : memref<128x200xf32, #tpu.memory_space<vmem>>[vector<16xi32>, vector<16xi32>], vector<16xf32>, vector<16xi1>
        %parallel_loop3A_480 = arith.constant 16 : i32
        %parallel_loop3A_481 = vector.broadcast %parallel_loop3A_480 : i32 to vector<16xi32>
        %parallel_loop3A_482 = arith.addi %parallel_loop3A_477, %parallel_loop3A_481 : vector<16xi32>
        %parallel_loop3A_483 = arith.constant 1 : i32
        %parallel_loop3A_484 = vector.broadcast %parallel_loop3A_483 : i32 to vector<16xi32>
        %parallel_loop3A_485 = arith.addi %parallel_loop3A_478, %parallel_loop3A_484 : vector<16xi32>
        scf.yield %parallel_loop3A_482, %parallel_loop3A_485 : vector<16xi32>, vector<16xi32>
      } {sc.loop_unroll_factor = 8 : i64, sc.parallel_access}
      %dma_start3A_456 = arith.constant 0 : i32
      %dma_start3A_457 = arith.constant 0 : i32
      %dma_start3A_458 = tpu.memref_slice %arg4[%add3A_266, %dma_start3A_456, %dma_start3A_457] : memref<4096x128x200xf32, #tpu.memory_space<hbm>> -> memref<1x128x200xf32, #tpu.memory_space<hbm>>
      %dma_start3A_459 = tpu.memref_squeeze %dma_start3A_458 : memref<1x128x200xf32, #tpu.memory_space<hbm>> -> memref<128x200xf32, #tpu.memory_space<hbm>>
      %dma_start3A_460 = arith.constant 0 : i32
      %dma_start3A_461 = arith.constant 0 : i32
      %dma_start3A_462 = tpu.memref_slice %arg4[%add3A_266, %dma_start3A_460, %dma_start3A_461] : memref<4096x128x200xf32, #tpu.memory_space<hbm>> -> memref<1x128x200xf32, #tpu.memory_space<hbm>>
      %dma_start3A_463 = tpu.memref_squeeze %dma_start3A_462 : memref<1x128x200xf32, #tpu.memory_space<hbm>> -> memref<128x200xf32, #tpu.memory_space<hbm>>
      tpu.enqueue_dma source(%arg9 : memref<128x200xf32, #tpu.memory_space<vmem>>) target(%dma_start3A_463 : memref<128x200xf32, #tpu.memory_space<hbm>>) target_semaphore(%arg14 : memref<!tpu.dma_semaphore, #tpu.memory_space<semaphore_mem>>)
      %mul3A_464 = arith.constant 2 : i32
      %mul3A_465 = arith.muli %mul3A_464, %scan3A_54 : i32
      %add3A_466 = arith.constant 1 : i32
      %add3A_467 = arith.addi %mul3A_465, %add3A_466 : i32
      %add3A_468 = arith.constant 2 : i32
      %add3A_469 = arith.addi %add3A_467, %add3A_468 : i32
      %lt3A_470 = arith.constant 128 : i32
      %lt3A_471 = arith.cmpi slt, %add3A_469, %lt3A_470 : i32
      %convert_element_type3A_472 = arith.extui %lt3A_471 : i1 to i32
      %cond3A_473 = arith.constant 0 : i32
      %cond3A_474 = arith.cmpi ne, %convert_element_type3A_472, %cond3A_473 : i32
      scf.if %cond3A_474 {
        %add3A_476 = arith.constant 2 : i32
        %add3A_477 = arith.addi %add3A_266, %add3A_476 : i32
        %mul3A_478 = arith.constant 200 : i32
        %mul3A_479 = arith.muli %add3A_477, %mul3A_478 : i32
        %dma_start3A_480 = arith.constant 0 : i32
        %dma_start3A_481 = tpu.memref_slice %arg7[%dma_start3A_480] : memref<208xi32, #tpu.memory_space<vmem>> -> memref<200xi32, #tpu.memory_space<vmem>>
        %dma_start3A_482 = tpu.memref_slice %arg2[%mul3A_479] : memref<819200xi32, #tpu.memory_space<hbm>> -> memref<200xi32, #tpu.memory_space<hbm>>
        %dma_start3A_483 = arith.constant 0 : i32
        %dma_start3A_484 = tpu.memref_slice %arg7[%dma_start3A_483] : memref<208xi32, #tpu.memory_space<vmem>> -> memref<200xi32, #tpu.memory_space<vmem>>
        %dma_start3A_485 = tpu.memref_slice %arg2[%mul3A_479] : memref<819200xi32, #tpu.memory_space<hbm>> -> memref<200xi32, #tpu.memory_space<hbm>>
        tpu.enqueue_dma source(%dma_start3A_485 : memref<200xi32, #tpu.memory_space<hbm>>) target(%dma_start3A_484 : memref<200xi32, #tpu.memory_space<vmem>>) target_semaphore(%arg12 : memref<!tpu.dma_semaphore, #tpu.memory_space<semaphore_mem>>)
      } else {
      }
      %scan3A_475 = arith.constant 0 : i32
      scf.yield %scan3A_475 : i32
    }
    %scan3A_27 = arith.constant 64 : i32
    %add3A_28 = arith.constant 128 : i32
    %add3A_29 = arith.addi %mul3A_2, %add3A_28 : i32
    %sub3A = arith.constant 2 : i32
    %sub3A_30 = arith.subi %add3A_29, %sub3A : i32
    %add3A_31 = arith.constant 0 : i32
    %add3A_32 = arith.addi %sub3A_30, %add3A_31 : i32
    %dma_wait3A = arith.constant 0 : i32
    %dma_wait3A_33 = arith.constant 0 : i32
    %dma_wait3A_34 = tpu.memref_slice %arg4[%add3A_32, %dma_wait3A, %dma_wait3A_33] : memref<4096x128x200xf32, #tpu.memory_space<hbm>> -> memref<1x128x200xf32, #tpu.memory_space<hbm>>
    %dma_wait3A_35 = tpu.memref_squeeze %dma_wait3A_34 : memref<1x128x200xf32, #tpu.memory_space<hbm>> -> memref<128x200xf32, #tpu.memory_space<hbm>>
    %dma_wait3A_36 = arith.constant 0 : i32
    %dma_wait3A_37 = arith.constant 0 : i32
    %dma_wait3A_38 = tpu.memref_slice %arg4[%add3A_32, %dma_wait3A_36, %dma_wait3A_37] : memref<4096x128x200xf32, #tpu.memory_space<hbm>> -> memref<1x128x200xf32, #tpu.memory_space<hbm>>
    %dma_wait3A_39 = tpu.memref_squeeze %dma_wait3A_38 : memref<1x128x200xf32, #tpu.memory_space<hbm>> -> memref<128x200xf32, #tpu.memory_space<hbm>>
    tpu.wait_dma2 semaphore(%arg13 : memref<!tpu.dma_semaphore, #tpu.memory_space<semaphore_mem>>) src(%arg8 : memref<128x200xf32, #tpu.memory_space<vmem>>) dst(%dma_wait3A_39 : memref<128x200xf32, #tpu.memory_space<hbm>>)
    %add3A_40 = arith.constant 128 : i32
    %add3A_41 = arith.addi %mul3A_2, %add3A_40 : i32
    %sub3A_42 = arith.constant 2 : i32
    %sub3A_43 = arith.subi %add3A_41, %sub3A_42 : i32
    %add3A_44 = arith.constant 1 : i32
    %add3A_45 = arith.addi %sub3A_43, %add3A_44 : i32
    %dma_wait3A_46 = arith.constant 0 : i32
    %dma_wait3A_47 = arith.constant 0 : i32
    %dma_wait3A_48 = tpu.memref_slice %arg4[%add3A_45, %dma_wait3A_46, %dma_wait3A_47] : memref<4096x128x200xf32, #tpu.memory_space<hbm>> -> memref<1x128x200xf32, #tpu.memory_space<hbm>>
    %dma_wait3A_49 = tpu.memref_squeeze %dma_wait3A_48 : memref<1x128x200xf32, #tpu.memory_space<hbm>> -> memref<128x200xf32, #tpu.memory_space<hbm>>
    %dma_wait3A_50 = arith.constant 0 : i32
    %dma_wait3A_51 = arith.constant 0 : i32
    %dma_wait3A_52 = tpu.memref_slice %arg4[%add3A_45, %dma_wait3A_50, %dma_wait3A_51] : memref<4096x128x200xf32, #tpu.memory_space<hbm>> -> memref<1x128x200xf32, #tpu.memory_space<hbm>>
    %dma_wait3A_53 = tpu.memref_squeeze %dma_wait3A_52 : memref<1x128x200xf32, #tpu.memory_space<hbm>> -> memref<128x200xf32, #tpu.memory_space<hbm>>
    tpu.wait_dma2 semaphore(%arg14 : memref<!tpu.dma_semaphore, #tpu.memory_space<semaphore_mem>>) src(%arg9 : memref<128x200xf32, #tpu.memory_space<vmem>>) dst(%dma_wait3A_53 : memref<128x200xf32, #tpu.memory_space<hbm>>)
    return
  }
}

</mosaic_0001>

<sc_bundles>
// kernel: kernel.3.cloned.1.call-start
scs
__scs_entry_jumppad:
0x0: {  	(pc) =	sbr.rel $0x88, $3  }
0x1: {  	(tag) =	ssettag $0x0;
	lr =	simm.s32 $0x1  }
0x2: {  	[smem:$0x3F9F] =	sst lr;
	_ =	strace $0xD0000000  }
0x3: {  	_ = 	snop  }
0x4: {  	_ = 	snop  }
0x5: {  	_ = 	snop  }
0x6: {  	_ = 	snop  }
0x7: {  	_ = 	snop  }
__scs_overlays_trampoline_lowered:
0x8: {  	[smem:$0x3FAE] =	sst s0  }
0x9: {  	[smem:$0x3FAF] =	sst s1  }
0xa: {  	[smem:$0x3FB0] =	sst s2  }
0xb: {  	[smem:$0x3FB1] =	sst s3  }
0xc: {  	[smem:$0x3FB2] =	sst s4  }
0xd: {  	[smem:$0x3FB3] =	sst s5  }
0xe: {  	[smem:$0x3FB4] =	sst s6  }
0xf: {  	[smem:$0x3FB5] =	sst s7  }
0x10: {  	[smem:$0x3FB6] =	sst s8  }
0x11: {  	[smem:$0x3FB7] =	sst s9;
	s0 =	simm.s32 @!p0 $0x0  }
0x12: {  	s1 =	sld [smem:$0x3F9D];
	s0 =	simm.s32 @p0 $0x1  }
0x13: {  	[smem:$0x3FB8] =	sst s0;
	s0 =	simm.s32 @!p1 $0x0  }
0x14: {  	s2 =	sld [smem:$0x3F9C];
	s0 =	simm.s32 @p1 $0x1  }
0x15: {  	[smem:$0x3FB9] =	sst s0;
	s0 =	simm.s32 @!p2 $0x0  }
0x16: {  	s3 =	sld [smem:$0x3FDB];
	s0 =	simm.s32 @p2 $0x1  }
0x17: {  	s4 =	simm.s32 $0x1BF5;
	[smem:$0x3FBB] =	sst s0  }
0x18: {  	s0 =	sld [smem:$0x3F9E];
	_ =	swait.ge [sflag:s4], $0x0  }
0x19: {  	s7 =	sld [smem:$0x3F9F]  }
0x1a: {  	s8 =	sadd.s32 $0xFFFFE003, lr  }
0x1b: {  	s9 =	sadd.s32 $0xFFFFFEF7, lr;
	s5 =	simm.s32 $0xFFFFFFFF;
	p2 =	slt.u32 s8, $0xFFFFF086  }
0x1c: {  	p1 =	slt.u32 s9, $0xF7A;
	s5 =	simm.s32 @!p2 $0x0  }
0x1d: {  	s5 =	simm.s32 @p1 $0x1;
	p0 =	seq.s32 s7, s2  }
0x1e: {  	s7 =	smul.u32 @!p0 $0xF7A, s2;
	p2 =	seq.s32 @!p0 s5, $0x0  }
0x1f: {  	s9 =	smul.u32 $0xF7A, s1;
	s8 =	simm.s32 @!p0 $0x1BF5;
	p2 =	por !p2, p0  }
0x20: {  	[sflag:s8] =	ssyncset.s32 @!p0 $0xFFFFF086;
	s6 =	sadd.s32 @!p0 s3, s7;
	s7 =	simm.s32 @!p0 $0x108  }
0x21: {  	s3 =	sadd.s32 s3, s9;
	s6 =	sadd.s32 @!p0 $0x88, s6;
	s7 =	simm.s32 @p2 $0x1082  }
0x22: {  	[simem:s7], [sflag:s8] =	dma.local @!p0 [hbm:s6], $0xF7A  }
0x23: {  	s9 =	sor.u32 $0xD0000000, s2;
	s6 =	simm.s32 $0x108;
	_ =	swait.ge @!p0 [sflag:s8], $0x0  }
0x24: {  	s3 =	sadd.s32 $0x88, s3;
	s6 =	simm.s32 @!p1 $0x1082;
	[sflag:s4] =	ssyncset.s32 $0xFFFFF086  }
0x25: {  	[simem:s6], [sflag:s4] =	dma.local [hbm:s3], $0xF7A  }
0x26: {  	[smem:$0x3F9F] =	sst s1;
	(tag) =	ssettag s2;
	_ =	strace s9  }
0x27: {  	s1 =	sld [smem:$0x3FAF]  }
0x28: {  	s2 =	sld [smem:$0x3FB0]  }
0x29: {  	s4 =	sld [smem:$0x3FB2]  }
0x2a: {  	p0 =	seq.s32 s5, $0x0;
	s5 =	sld [smem:$0x3FB3]  }
0x2b: {  	s6 =	sld [smem:$0x3FB4]  }
0x2c: {  	s7 =	sld [smem:$0x3FB5]  }
0x2d: {  	s3 =	simm.s32 $0x108;
	s8 =	sld [smem:$0x3FB6]  }
0x2e: {  	s3 =	simm.s32 @!p0 $0x1082;
	s9 =	sld [smem:$0x3FB7]  }
0x2f: {  	lr =	sadd.s32 s0, s3;
	s0 =	sld [smem:$0x3FAE]  }
0x30: {  	s3 =	sld [smem:$0x3FB1]  }
0x31: {  	[smem:$0x3FBA] =	sst s10  }
0x32: {  	s10 =	sld [smem:$0x3FB8];
	_ =	sdelay $0x3  }
0x33: {  	p0 =	seq.s32 s10, $0x1;
	s10 =	sld [smem:$0x3FBA];
	_ =	sdelay $0x3  }
0x34: {  	[smem:$0x3FBA] =	sst s10  }
0x35: {  	s10 =	sld [smem:$0x3FB9];
	_ =	sdelay $0x3  }
0x36: {  	p1 =	seq.s32 s10, $0x1;
	s10 =	sld [smem:$0x3FBA];
	_ =	sdelay $0x3  }
0x37: {  	[smem:$0x3FBA] =	sst s10  }
0x38: {  	s10 =	sld [smem:$0x3FBB]  }
0x39: {  	_ = 	snop;
	(pc) =	sbr.ind lr, $3  }
0x3a: {  	_ = 	snop  }
0x3b: {  	_ = 	snop  }
0x3c: {  	p2 =	seq.s32 s10, $0x1;
	s10 =	sld [smem:$0x3FBA]  }
0x3d: {  	_ =	shalt  }
0x3e: {  	_ =	shalt  }
0x3f: {  	_ =	shalt  }
0x40: {  	_ =	shalt  }
0x41: {  	_ =	shalt  }
0x42: {  	_ =	shalt  }
0x43: {  	_ =	shalt  }
0x44: {  	_ =	shalt  }
0x45: {  	_ =	shalt  }
0x46: {  	_ =	shalt  }
0x47: {  	_ =	shalt  }
0x48: {  	_ =	shalt  }
0x49: {  	_ =	shalt  }
0x4a: {  	_ =	shalt  }
0x4b: {  	_ =	shalt  }
0x4c: {  	_ =	shalt  }
0x4d: {  	_ =	shalt  }
0x4e: {  	_ =	shalt  }
0x4f: {  	_ =	shalt  }
0x50: {  	_ =	shalt  }
0x51: {  	_ =	shalt  }
0x52: {  	_ =	shalt  }
0x53: {  	_ =	shalt  }
0x54: {  	_ =	shalt  }
0x55: {  	_ =	shalt  }
0x56: {  	_ =	shalt  }
0x57: {  	_ =	shalt  }
0x58: {  	_ =	shalt  }
0x59: {  	_ =	shalt  }
0x5a: {  	_ =	shalt  }
0x5b: {  	_ =	shalt  }
0x5c: {  	_ =	shalt  }
0x5d: {  	_ =	shalt  }
0x5e: {  	_ =	shalt  }
0x5f: {  	_ =	shalt  }
0x60: {  	_ =	shalt  }
0x61: {  	_ =	shalt  }
0x62: {  	_ =	shalt  }
0x63: {  	_ =	shalt  }
0x64: {  	_ =	shalt  }
0x65: {  	_ =	shalt  }
0x66: {  	_ =	shalt  }
0x67: {  	_ =	shalt  }
0x68: {  	_ =	shalt  }
0x69: {  	_ =	shalt  }
0x6a: {  	_ =	shalt  }
0x6b: {  	_ =	shalt  }
0x6c: {  	_ =	shalt  }
0x6d: {  	_ =	shalt  }
0x6e: {  	_ =	shalt  }
0x6f: {  	_ =	shalt  }
0x70: {  	_ =	shalt  }
0x71: {  	_ =	shalt  }
0x72: {  	_ =	shalt  }
0x73: {  	_ =	shalt  }
0x74: {  	_ =	shalt  }
0x75: {  	_ =	shalt  }
0x76: {  	_ =	shalt  }
0x77: {  	_ =	shalt  }
0x78: {  	_ =	shalt  }
0x79: {  	_ =	shalt  }
0x7a: {  	_ =	shalt  }
0x7b: {  	_ =	shalt  }
0x7c: {  	_ =	shalt  }
0x7d: {  	_ =	shalt  }
0x7e: {  	_ =	shalt  }
0x7f: {  	_ =	shalt  }
0x80: {  	_ =	shalt  }
0x81: {  	_ =	shalt  }
0x82: {  	_ =	shalt  }
0x83: {  	_ =	shalt  }
0x84: {  	_ =	shalt  }
0x85: {  	_ =	shalt  }
0x86: {  	_ =	shalt  }
0x87: {  	_ =	shalt  }
.Lfunc_end0:
.L_simem_size_0:
called_computation_lowered:
.L_overlay_start_0:
0x88: {  	s2 =	sld [smem:$0x3FD9]  }
0x89: {  	s3 =	sld [smem:$0x3FFE];
	_ =	sdelay $0x1  }
0x8a: {  	s1 =	srdreg.scid  }
0x8b: {  	s0 =	sand.u32 $0x1, s1  }
0x8c: {  	s17 =	sshll.u32 s0, $0xA;
	s2 =	sadd.s32 s3, s2  }
0x8d: {  	s2 =	sadd.s32 s2, s17  }
0x8e: {  	[smem:$0x3FC6] =	sst s2  }
0x8f: {  	_ = 	snop  }
0x90: {  	s2 =	sld [smem:$0x3FD0];
	(tm) =	ssettm $0x1  }
0x91: {  	s18 =	sld [smem:$0x3FFB];
	_ =	sdelay $0x3  }
0x92: {  	_ =	strace s18  }
0x93: {  	s3 =	sld [smem:$0x3FFC];
	_ =	sdelay $0x3  }
0x94: {  	_ =	strace s3  }
0x95: {  	s3 =	sld [smem:$0x3FFD];
	_ =	sdelay $0x3  }
0x96: {  	_ =	strace s3  }
0x97: {  	_ =	strace $0x8FFFFFFF  }
0x98: {  	s19 =	sld [smem:$0x3FDB];
	_ =	sdelay $0x1  }
0x99: {  	s4 =	simm.s32 $_scs_section_size  }
0x9a: {  	s5 =	simm.s32 $_size__tile_overlayer_lowered;
	s6 =	simm.s32 $_tile_overlayer_lowered  }
0x9b: {  	s22 =	simm.s32 $0x1BFF;
	s21 =	sshll.u32 s6, $0x1;
	s3 =	sadd.s32 s4, s19  }
0x9c: {  	s7 =	simm.s32 $0x0;
	s20 =	sshll.u32 s5, $0x1;
	s5 =	sadd.s32 s21, s3  }
0x9d: {  	[timem:s7], [sflag:s22] =	dma.local [hbm:s5], s20  }
0x9e: {  	_ =	swait.ge [sflag:s22], s20  }
0x9f: {  	s4 =	ssub.s32 $0x0, s20;
	[sflag:s22] =	ssyncset.done $0x0  }
0xa0: {  	[sflag:s22] =	ssyncadd.s32 s4;
	_ =	sdelay $0x1  }
0xa1: {  	s23 =	simm.s32 $0x1B8B  }
0xa2: {  	_ =	swait.ge [sflag:s23], $0x1  }
0xa3: {  	[sflag:s23] =	ssyncset.done $0x0  }
0xa4: {  	s25 =	simm.s32 $0x1B8E;
	s24 =	sld [smem:$0x3FFE];
	[sflag:s23] =	ssyncadd.s32 $0xFFFFFFFF  }
0xa5: {  	s26 =	simm.s32 $execute0_lowered;
	[smem:$0x3FD2] =	sst s25  }
0xa6: {  	s5 =	sshll.u32 s26, $0x1;
	_ =	strace $0x80000046;
	[dreg:$0x1] =	wrdreg $0xFFFFFFFF  }
0xa7: {  	s28 =	simm.s32 $_size_execute0_lowered;
	s3 =	sadd.s32 s3, s5;
	[dreg:$0x0] =	wrdreg $0x0  }
0xa8: {  	s5 =	sshll.u32 s28, $0x1;
	[dreg:$0x2] =	wrdreg s3  }
0xa9: {  	[dreg:$0x3] =	wrdreg s5  }
0xaa: {  	[dreg:$0x4] =	wrdreg $0xC0  }
0xab: {  	_ =	task [dreg:s7], $0x5FFFF  }
0xac: {  	[dreg:$0x1] =	wrdreg $0xFFFFFFFF  }
0xad: {  	[dreg:$0x0] =	wrdreg $0x60  }
0xae: {  	[dreg:$0x2] =	wrdreg s2  }
0xaf: {  	[dreg:$0x3] =	wrdreg s24  }
0xb0: {  	[dreg:$0x4] =	wrdreg $0x9  }
0xb1: {  	_ =	task.clear_ibuf [dreg:s7], $0x5FFFF;
	_ =	strace $0x90000046  }
0xb2: {  	s29 =	simm.s32 $0x9;
	_ =	strace $0x80000048  }
0xb3: {  	_ =	swait.ge [sflag:s29], $0x1  }
0xb4: {  	[sflag:s29] =	ssyncadd.s32 $0xFFFFFFFF  }
0xb5: {  	_ =	strace $0x90000048  }
0xb6: {  	_ =	sfence  }
0xb7: {  	s30 =	sld [smem:$0x0];
	_ =	sdelay $0x2  }
0xb8: {  	s31 =	sshll.u32 s1, $0xD;
	s1 =	sshrl.u32 s1, $0x2  }
0xb9: {  	s3 =	sand.u32 $0x4000, s31;
	s1 =	sadd.s32 s1, s30  }
0xba: {  	s0 =	sor.u32 s3, s0;
	s1 =	sshll.u32 s1, $0x11  }
0xbb: {  	s0 =	sor.u32 s1, s0  }
0xbc: {  	s0 =	sadd.s32 $0x8F2B, s0  }
0xbd: {  	[sflag:s0] =	ssyncadd.remote.s32 $0x1  }
0xbe: {  	_ =	sfence.sel $0xFFFF  }
0xbf: {  	[dreg:$0x0] =	wrdreg $0xFFFFFFFF;
	(pc) =	sbr.abs _section_cstart, $3  }
0xc0: {  	[dreg:$0x1] =	wrdreg $0xFFFFFFFF  }
0xc1: {  	_ =	task.clear_ibuf [dreg:s7], $0x2FFFF;
	_ =	strace $0x9FFFFFFF  }
0xc2: {  	(tm) =	ssettm $0x7FFFFFFF  }
0xc3: {  	_ =	shalt  }
tec
execute0_lowered:
.L_overlay_start_1:
0x0: {  	(tag) =	ssettag $0x1  }
0x1: {  	v61 =	vlaneseq.u32  }
0x2: {  	v0 =	vor.u32 $0xC0, v61  }
0x3: {  	v19 =	vor.u32 $0x2C0, v61;
	[tilespmem:$0x1FC20] =	vst v0  }
0x4: {  	v20 =	vor.u32 $0x340, v61;
	[tilespmem:$0x1FC30] =	vst v19  }
0x5: {  	s0 =	rddreg [dreg:$0x0];
	v21 =	vor.u32 $0x50, v61;
	[tilespmem:$0x1FC40] =	vst v20  }
0x6: {  	s9 =	rddreg [dreg:$0x1];
	s3 =	simm.s32 $0x0;
	v22 =	vor.u32 $0xD0, v61;
	[tilespmem:$0x1FC50] =	vst v21  }
0x7: {  	s2 =	srdreg.scid;
	[smem:$0x7FF] =	sst s3;
	v23 =	vor.u32 $0x150, v61;
	[tilespmem:$0x1FC60] =	vst v22  }
0x8: {  	s5 =	sand.u32 $0x1, s2;
	s2 =	rddreg [dreg:$0x2];
	v4 =	vor.u32 $0x1D0, v61;
	_ =	strace $0x80000047;
	[tilespmem:$0x1FC70] =	vst v23  }
0x9: {  	v5 =	vor.u32 $0x250, v61;
	[tilespmem:$0x1FC80] =	vst v4  }
0xa: {  	v6 =	vor.u32 $0x2D0, v61;
	[tilespmem:$0x1FC90] =	vst v5  }
0xb: {  	v7 =	vor.u32 $0x350, v61;
	[tilespmem:$0x1FCA0] =	vst v6  }
0xc: {  	v8 =	vor.u32 $0x3D0, v61;
	[tilespmem:$0x1FCB0] =	vst v7  }
0xd: {  	v9 =	vor.u32 $0x60, v61;
	[tilespmem:$0x1FCC0] =	vst v8  }
0xe: {  	v10 =	vor.u32 $0xE0, v61;
	[tilespmem:$0x1FCD0] =	vst v9  }
0xf: {  	v11 =	vor.u32 $0x160, v61;
	[tilespmem:$0x1FCE0] =	vst v10  }
0x10: {  	v12 =	vor.u32 $0x1E0, v61;
	[tilespmem:$0x1FCF0] =	vst v11  }
0x11: {  	v13 =	vor.u32 $0x260, v61;
	[tilespmem:$0x1FD00] =	vst v12  }
0x12: {  	v14 =	vor.u32 $0x2E0, v61;
	[tilespmem:$0x1FD10] =	vst v13  }
0x13: {  	v15 =	vor.u32 $0x360, v61;
	[tilespmem:$0x1FD20] =	vst v14  }
0x14: {  	v16 =	vor.u32 $0x3E0, v61;
	[tilespmem:$0x1FD30] =	vst v15  }
0x15: {  	v17 =	vor.u32 $0x70, v61;
	[tilespmem:$0x1FD40] =	vst v16  }
0x16: {  	v18 =	vor.u32 $0xF0, v61;
	[tilespmem:$0x1FD50] =	vst v17  }
0x17: {  	v19 =	vor.u32 $0x170, v61;
	[tilespmem:$0x1FD60] =	vst v18  }
0x18: {  	v20 =	vor.u32 $0x1F0, v61;
	[tilespmem:$0x1FD70] =	vst v19  }
0x19: {  	v21 =	vor.u32 $0x270, v61;
	[tilespmem:$0x1FD80] =	vst v20  }
0x1a: {  	v22 =	vor.u32 $0x2F0, v61;
	[tilespmem:$0x1FD90] =	vst v21  }
0x1b: {  	v27 =	vor.u32 $0x80, v61;
	[tilespmem:$0x1FDA0] =	vst v22  }
0x1c: {  	v28 =	vor.u32 $0x100, v61;
	[tilespmem:$0x1FDC0] =	vst v27  }
0x1d: {  	v29 =	vor.u32 $0x180, v61;
	[tilespmem:$0x1FDD0] =	vst v28  }
0x1e: {  	v30 =	vor.u32 $0x200, v61;
	[tilespmem:$0x1FDE0] =	vst v29  }
0x1f: {  	v31 =	vor.u32 $0x280, v61;
	[tilespmem:$0x1FDF0] =	vst v30  }
0x20: {  	v32 =	vor.u32 $0x300, v61;
	[tilespmem:$0x1FE00] =	vst v31  }
0x21: {  	v33 =	vor.u32 $0x380, v61;
	[tilespmem:$0x1FE10] =	vst v32  }
0x22: {  	v58 =	vor.u32 $0x10, v61;
	[tilespmem:$0x1FE20] =	vst v33  }
0x23: {  	v59 =	vor.u32 $0x90, v61;
	[tilespmem:$0x1FE30] =	vst v58  }
0x24: {  	v62 =	vor.u32 $0x110, v61;
	[tilespmem:$0x1FE40] =	vst v59  }
0x25: {  	v53 =	vor.u32 $0x190, v61;
	[tilespmem:$0x1FE50] =	vst v62  }
0x26: {  	v54 =	vor.u32 $0x210, v61;
	[tilespmem:$0x1FE60] =	vst v53  }
0x27: {  	v34 =	vor.u32 $0x290, v61;
	[tilespmem:$0x1FE70] =	vst v54  }
0x28: {  	v35 =	vor.u32 $0x310, v61;
	[tilespmem:$0x1FE80] =	vst v34  }
0x29: {  	v36 =	vor.u32 $0x390, v61;
	[tilespmem:$0x1FE90] =	vst v35  }
0x2a: {  	v37 =	vor.u32 $0x20, v61;
	[tilespmem:$0x1FEA0] =	vst v36  }
0x2b: {  	v38 =	vor.u32 $0xA0, v61;
	[tilespmem:$0x1FEB0] =	vst v37  }
0x2c: {  	v39 =	vor.u32 $0x120, v61;
	[tilespmem:$0x1FEC0] =	vst v38  }
0x2d: {  	v40 =	vor.u32 $0x1A0, v61;
	[tilespmem:$0x1FED0] =	vst v39  }
0x2e: {  	v41 =	vor.u32 $0x220, v61;
	[tilespmem:$0x1FEE0] =	vst v40  }
0x2f: {  	v42 =	vor.u32 $0x2A0, v61;
	[tilespmem:$0x1FEF0] =	vst v41  }
0x30: {  	v43 =	vor.u32 $0x320, v61;
	[tilespmem:$0x1FF00] =	vst v42  }
0x31: {  	v44 =	vor.u32 $0x3A0, v61;
	[tilespmem:$0x1FF10] =	vst v43  }
0x32: {  	v45 =	vor.u32 $0x30, v61;
	[tilespmem:$0x1FF20] =	vst v44  }
0x33: {  	v46 =	vor.u32 $0xB0, v61;
	[tilespmem:$0x1FF30] =	vst v45  }
0x34: {  	v47 =	vor.u32 $0x130, v61;
	[tilespmem:$0x1FF40] =	vst v46  }
0x35: {  	v48 =	vor.u32 $0x1B0, v61;
	[tilespmem:$0x1FF50] =	vst v47  }
0x36: {  	v49 =	vor.u32 $0x230, v61;
	[tilespmem:$0x1FF60] =	vst v48  }
0x37: {  	v50 =	vor.u32 $0x2B0, v61;
	[tilespmem:$0x1FF70] =	vst v49  }
0x38: {  	s1 =	stileid.u32;
	v51 =	vor.u32 $0x330, v61;
	[tilespmem:$0x1FF80] =	vst v50  }
0x39: {  	s11 =	simm.s32 $0x3000;
	s12 =	simm.s32 $0x3100;
	s13 =	simm.s32 $0x1;
	v52 =	vor.u32 $0x3B0, v61;
	[tilespmem:$0x1FF90] =	vst v51  }
0x3a: {  	s14 =	simm.s32 $0x2;
	s15 =	simm.s32 $0x3200;
	s16 =	simm.s32 $0x3;
	v60 =	vor.u32 $0x40, v61;
	[tilespmem:$0x1FFA0] =	vst v52  }
0x3b: {  	s17 =	simm.s32 $0x5;
	s18 =	simm.s32 $0xB200;
	s4 =	sshll.u32 s1, $0x1;
	v55 =	vor.u32 $0x140, v61;
	[tilespmem:$0x1FFB0] =	vst v60  }
.Ltmp0:
0x3c: {  	s19 =	simm.s32 $0x4;
	v56 =	vor.u32 $0x1C0, v61;
	s7 =	sor.u32 s5, s4;
	[tilespmem:$0x1FFC0] =	vst v55;
	(pc) =	sbr.rel .LBB2_1-.Ltmp0, $4  }
0x3d: {  	s20 =	simm.s32 $0x0;
	v57 =	vor.u32 $0x240, v61;
	s8 =	ssub.s32 $0x2, s5;
	s6 =	smul.u32 $0xC80, s7;
	[tilespmem:$0x1FFD0] =	vst v56  }
0x3e: {  	v63 =	vor.u32 $0x3C0, v61;
	s4 =	sadd.s32 $0x400, s9;
	s5 =	sadd.s32 $0xA00, s9;
	s10 =	sshrl.u32 s8, $0x1;
	[tilespmem:$0x1FFE0] =	vst v57  }
0x3f: {  	s9 =	sadd.s32 $0x1A00, s9;
	v23 =	vor.u32 $0x370, v61;
	[tilespmem:$0x1FFF0] =	vst v63;
	s10 =	ssub.s32 s8, s10;
	s6 =	sadd.s32 s0, s6  }
0x40: {  	s7 =	sshll.u32 s7, $0x7;
	[tilespmem:$0x1FDB0] =	vst v23;
	s10 =	smax.u32 s10, $0x1;
	s8 =	sadd.s32 $0x19, s6  }
.LBB2_60:
0x41: {  	_ =	swait.ge [sflag:s19], $0x8000  }
0x42: {  	[sflag:s19] =	ssyncset.done $0x0  }
0x43: {  	[sflag:s19] =	ssyncadd.s32 $0xFFFF8000  }
0x44: {  	_ =	swait.ge [sflag:s17], $0x8000  }
0x45: {  	v28 =	vld [tilespmem:$0x1FDD0]  }
0x46: {  	s20 =	sadd.s32 $0x1, s20;
	v30 =	vld [tilespmem:$0x1FDF0]  }
0x47: {  	p0 =	sne.s32 s20, s10;
	v32 =	vld [tilespmem:$0x1FE10]  }
.Ltmp1:
0x48: {  	v35 =	vld [tilespmem:$0x1FE90];
	(pc) =	sbr.rel @!p0 .LBB2_61-.Ltmp1, $4  }
0x49: {  	v36 =	vld [tilespmem:$0x1FEA0]  }
0x4a: {  	v39 =	vld [tilespmem:$0x1FED0]  }
0x4b: {  	[sflag:s17] =	ssyncset.done $0x0;
	v37 =	vld [tilespmem:$0x1FEB0]  }
0x4c: {  	v60 =	vmov v63;
	v38 =	vld [tilespmem:$0x1FEC0];
	[sflag:s17] =	ssyncadd.s32 $0xFFFF8000  }
.LBB2_1:
0x4d: {  	[tilespmem:s3], [sflag:$0x1] =	stream.linear.gather [hbm4b:s4+s3], $0x3000, $0x38;
	[tilespmem:$0x13200] =	vst v63  }
0x4e: {  	_ = 	snop  }
0x4f: {  	[tilespmem:s11], [sflag:$0x2] =	stream.linear.gather [hbm4b:s6+s3], $0xC8, $0x38;
	[tilespmem:$0x13200] =	vst v63  }
0x50: {  	_ = 	snop  }
0x51: {  	[tilespmem:s12], [sflag:$0x3] =	stream.linear.gather [hbm4b:s8+s3], $0xC8, $0x38;
	[tilespmem:$0x13200] =	vst v63  }
0x52: {  	_ =	swait.ge [sflag:s13], $0x3000  }
0x53: {  	[sflag:s13] =	ssyncset.done $0x0  }
0x54: {  	s21 =	simm.s32 $0x0;
	[sflag:s13] =	ssyncadd.s32 $0xFFFFD000  }
.LBB2_2:
0x55: {  	_ =	swait.ge [sflag:s14], $0xC8  }
0x56: {  	p0 =	seq.s32 s21, $0x0;
	[sflag:s14] =	ssyncset.done $0x0  }
0x57: {  	s22 =	simm.s32 @!p0 $0x4;
	[sflag:s14] =	ssyncadd.s32 $0xFFFFFF38  }
0x58: {  	_ =	swait.ge @!p0 [sflag:s22], $0x8000  }
0x59: {  	[sflag:s22] =	ssyncset.done @!p0 $0x0  }
0x5a: {  	[sflag:s22] =	ssyncadd.s32 @!p0 $0xFFFF8000  }
0x5b: {  	v0 =	vld [tilespmem:$0x3000];
	_ =	sdelay $0x4  }
0x5c: {  	v0 =	vshll.u32 v0, $0xB  }
0x5d: {  	v0 =	vor.u32 v61, v0  }
0x5e: {  	v1 =	vadd.s32 $0x40, v0  }
0x5f: {  	v2 =	vadd.s32 $0x60, v0  }
0x60: {  	v3 =	vadd.s32 $0x50, v0  }
0x61: {  	v4 =	vimm.s32 $0x0;
	v5 =	vadd.s32 $0x10, v0  }
0x62: {  	v8 =	vshll.u32 v4, $0x8;
	v6 =	vadd.s32 $0x20, v0;
	v7 =	vld.idx.msk [tilespmem:v0+s3+$0x0], $0xffff  }
0x63: {  	v10 =	vor.u32 v61, v8;
	v9 =	vadd.s32 $0x30, v0;
	v11 =	vld.idx.msk [tilespmem:v1+s3+$0x0], $0xffff  }
0x64: {  	v13 =	vor.u32 v30, v8;
	v12 =	vadd.s32 $0x70, v0;
	v16 =	vadd.s32 $0x80, v0;
	v15 =	vld.idx.msk [tilespmem:v2+s3+$0x0], $0xffff  }
0x65: {  	v20 =	vadd.s32 $0x40, v16;
	v18 =	vld.idx.msk [tilespmem:v3+s3+$0x0], $0xffff;
	v3 =	vor.u32 v32, v8  }
0x66: {  	v19 =	vor.u32 v31, v8;
	v21 =	vld.idx.msk [tilespmem:v5+s3+$0x0], $0xffff  }
0x67: {  	v22 =	vor.u32 v27, v8;
	v26 =	vor.u32 v28, v8;
	v23 =	vadd.s32 $0x60, v16;
	v24 =	vld.idx.msk [tilespmem:v6+s3+$0x0], $0xffff  }
0x68: {  	v4 =	vadd.s32 $0x8, v4;
	v14 =	vor.u32 v29, v8;
	v25 =	vadd.s32 $0x50, v16;
	v6 =	vld.idx.msk [tilespmem:v9+s3+$0x0], $0xffff;
	[tilespmem:v10+s15+$0x0] =	vst.idx.msk $0xffff, v7  }
0x69: {  	v0 =	vadd.s32 $0x10, v16;
	v9 =	vld.idx.msk [tilespmem:v12+s3+$0x0], $0xffff;
	v5 =	vadd.s32 $0x20, v16;
	v2 =	vshll.u32 v4, $0x8;
	[tilespmem:v13+s15+$0x0] =	vst.idx.msk $0xffff, v11  }
0x6a: {  	v12 =	vor.u32 v33, v8;
	v17 =	vor.u32 v61, v2;
	v10 =	vld.idx.msk [tilespmem:v20+s3+$0x0], $0xffff;
	[tilespmem:v3+s15+$0x0] =	vst.idx.msk $0xffff, v15  }
0x6b: {  	v1 =	vadd.s32 $0x70, v16;
	v8 =	vor.u32 v27, v2;
	v7 =	vadd.s32 $0x30, v16;
	v11 =	vld.idx.msk [tilespmem:v16+s3+$0x0], $0xffff;
	[tilespmem:v19+s15+$0x0] =	vst.idx.msk $0xffff, v18  }
0x6c: {  	s31 =	sshll.u32 s21, $0x1;
	v3 =	vor.u32 v31, v2;
	v18 =	vor.u32 v30, v2;
	v13 =	vld.idx.msk [tilespmem:v23+s3+$0x0], $0xffff;
	[tilespmem:v22+s15+$0x0] =	vst.idx.msk $0xffff, v21  }
0x6d: {  	s23 =	simm.s32 $0x8;
	s22 =	sadd.s32 s7, s31;
	v15 =	vadd.s32 $0x80, v16;
	v16 =	vld.idx.msk [tilespmem:v25+s3+$0x0], $0xffff;
	v19 =	vor.u32 v32, v2;
	[tilespmem:v26+s15+$0x0] =	vst.idx.msk $0xffff, v24  }
.LBB2_3:
0x6e: {  	v20 =	vadd.s32 $0x40, v15;
	v21 =	vadd.s32 $0x70, v15;
	s23 =	sadd.s32 $0x8, s23;
	v22 =	vld.idx.msk [tilespmem:v0+s3+$0x0], $0xffff;
	v0 =	vadd.s32 $0x10, v15;
	[tilespmem:v14+s15+$0x0] =	vst.idx.msk $0xffff, v6  }
0x6f: {  	v23 =	vadd.s32 $0x50, v15;
	v24 =	vadd.s32 $0x60, v15;
	p1 =	slt.u32 s23, $0x78;
	v25 =	vld.idx.msk [tilespmem:v5+s3+$0x0], $0xffff;
	v5 =	vadd.s32 $0x20, v15;
	[tilespmem:v12+s15+$0x0] =	vst.idx.msk $0xffff, v9  }
0x70: {  	v26 =	vor.u32 v28, v2;
	v4 =	vadd.s32 $0x8, v4;
	[tilespmem:v17+s15+$0x0] =	vst.idx.msk $0xffff, v11;
	v6 =	vld.idx.msk [tilespmem:v7+s3+$0x0], $0xffff;
	v7 =	vadd.s32 $0x30, v15  }
.Ltmp2:
0x71: {  	v14 =	vor.u32 v29, v2;
	v12 =	vor.u32 v33, v2;
	[tilespmem:v18+s15+$0x0] =	vst.idx.msk $0xffff, v10;
	v9 =	vld.idx.msk [tilespmem:v1+s3+$0x0], $0xffff;
	(pc) =	sbr.rel @p1 .LBB2_3-.Ltmp2, $4  }
0x72: {  	v2 =	vshll.u32 v4, $0x8;
	v1 =	vmov v21;
	v11 =	vld.idx.msk [tilespmem:v15+s3+$0x0], $0xffff;
	[tilespmem:v19+s15+$0x0] =	vst.idx.msk $0xffff, v13  }
0x73: {  	v17 =	vor.u32 v61, v2;
	v10 =	vld.idx.msk [tilespmem:v20+s3+$0x0], $0xffff;
	[tilespmem:v3+s15+$0x0] =	vst.idx.msk $0xffff, v16;
	v3 =	vor.u32 v31, v2  }
0x74: {  	v18 =	vor.u32 v30, v2;
	v15 =	vadd.s32 $0x80, v15;
	v13 =	vld.idx.msk [tilespmem:v24+s3+$0x0], $0xffff;
	[tilespmem:v8+s15+$0x0] =	vst.idx.msk $0xffff, v22  }
0x75: {  	v19 =	vor.u32 v32, v2;
	v8 =	vor.u32 v27, v2;
	v16 =	vld.idx.msk [tilespmem:v23+s3+$0x0], $0xffff;
	[tilespmem:v26+s15+$0x0] =	vst.idx.msk $0xffff, v25  }
0x76: {  	_ =	sdelay $0x3  }
0x77: {  	[tilespmem:v14+s15+$0x0] =	vst.idx.msk $0xffff, v6  }
0x78: {  	v0 =	vld.idx.msk [tilespmem:v0+s3+$0x0], $0xffff;
	[tilespmem:v12+s15+$0x0] =	vst.idx.msk $0xffff, v9  }
0x79: {  	v4 =	vld.idx.msk [tilespmem:v5+s3+$0x0], $0xffff;
	v5 =	vor.u32 v28, v2;
	[tilespmem:v17+s15+$0x0] =	vst.idx.msk $0xffff, v11  }
0x7a: {  	v6 =	vld.idx.msk [tilespmem:v7+s3+$0x0], $0xffff;
	v7 =	vor.u32 v29, v2;
	[tilespmem:v18+s15+$0x0] =	vst.idx.msk $0xffff, v10  }
0x7b: {  	v1 =	vld.idx.msk [tilespmem:v1+s3+$0x0], $0xffff;
	v2 =	vor.u32 v33, v2;
	[tilespmem:v19+s15+$0x0] =	vst.idx.msk $0xffff, v13  }
0x7c: {  	[tilespmem:v3+s15+$0x0] =	vst.idx.msk $0xffff, v16  }
0x7d: {  	[tilespmem:v8+s15+$0x0] =	vst.idx.msk $0xffff, v0  }
0x7e: {  	[tilespmem:v5+s15+$0x0] =	vst.idx.msk $0xffff, v4  }
0x7f: {  	[tilespmem:v7+s15+$0x0] =	vst.idx.msk $0xffff, v6  }
0x80: {  	[tilespmem:v2+s15+$0x0] =	vst.idx.msk $0xffff, v1  }
0x81: {  	v0 =	vld [tilespmem:$0x3010];
	_ =	sdelay $0x4  }
0x82: {  	v0 =	vshll.u32 v0, $0xB  }
0x83: {  	v0 =	vor.u32 v61, v0  }
0x84: {  	v1 =	vadd.s32 $0x40, v0  }
0x85: {  	v2 =	vadd.s32 $0x60, v0  }
0x86: {  	v3 =	vadd.s32 $0x50, v0  }
0x87: {  	v4 =	vimm.s32 $0x0;
	v5 =	vadd.s32 $0x10, v0  }
0x88: {  	v10 =	vshll.u32 v4, $0x8;
	v6 =	vadd.s32 $0x20, v0;
	v7 =	vld.idx.msk [tilespmem:v0+s3+$0x0], $0xffff  }
0x89: {  	v9 =	vor.u32 v58, v10;
	v8 =	vadd.s32 $0x30, v0;
	v11 =	vld.idx.msk [tilespmem:v1+s3+$0x0], $0xffff  }
0x8a: {  	v13 =	vor.u32 v54, v10;
	v12 =	vadd.s32 $0x70, v0;
	v16 =	vadd.s32 $0x80, v0;
	v15 =	vld.idx.msk [tilespmem:v2+s3+$0x0], $0xffff  }
0x8b: {  	v23 =	vadd.s32 $0x60, v16;
	v17 =	vld.idx.msk [tilespmem:v3+s3+$0x0], $0xffff;
	v3 =	vor.u32 v35, v10  }
0x8c: {  	v19 =	vor.u32 v34, v10;
	v21 =	vld.idx.msk [tilespmem:v5+s3+$0x0], $0xffff  }
0x8d: {  	v22 =	vor.u32 v59, v10;
	v26 =	vor.u32 v62, v10;
	v20 =	vadd.s32 $0x40, v16;
	v24 =	vld.idx.msk [tilespmem:v6+s3+$0x0], $0xffff  }
0x8e: {  	v4 =	vadd.s32 $0x8, v4;
	v14 =	vor.u32 v53, v10;
	v25 =	vadd.s32 $0x50, v16;
	v8 =	vld.idx.msk [tilespmem:v8+s3+$0x0], $0xffff;
	[tilespmem:v9+s15+$0x0] =	vst.idx.msk $0xffff, v7  }
0x8f: {  	v0 =	vadd.s32 $0x10, v16;
	v1 =	vadd.s32 $0x70, v16;
	v5 =	vadd.s32 $0x20, v16;
	v9 =	vld.idx.msk [tilespmem:v12+s3+$0x0], $0xffff;
	[tilespmem:v13+s15+$0x0] =	vst.idx.msk $0xffff, v11  }
0x90: {  	v2 =	vshll.u32 v4, $0x8;
	v6 =	vadd.s32 $0x30, v16;
	v12 =	vld.idx.msk [tilespmem:v23+s3+$0x0], $0xffff;
	v13 =	vor.u32 v36, v10;
	[tilespmem:v3+s15+$0x0] =	vst.idx.msk $0xffff, v15  }
0x91: {  	v18 =	vor.u32 v58, v2;
	v7 =	vor.u32 v59, v2;
	v11 =	vld.idx.msk [tilespmem:v16+s3+$0x0], $0xffff;
	[tilespmem:v19+s15+$0x0] =	vst.idx.msk $0xffff, v17  }
0x92: {  	v10 =	vld.idx.msk [tilespmem:v20+s3+$0x0], $0xffff;
	v3 =	vor.u32 v34, v2;
	v17 =	vor.u32 v54, v2;
	[tilespmem:v22+s15+$0x0] =	vst.idx.msk $0xffff, v21  }
0x93: {  	s23 =	simm.s32 $0x8;
	v16 =	vadd.s32 $0x80, v16;
	v15 =	vld.idx.msk [tilespmem:v25+s3+$0x0], $0xffff;
	v19 =	vor.u32 v35, v2;
	[tilespmem:v26+s15+$0x0] =	vst.idx.msk $0xffff, v24  }
.LBB2_5:
0x94: {  	v20 =	vadd.s32 $0x40, v16;
	v21 =	vadd.s32 $0x70, v16;
	s23 =	sadd.s32 $0x8, s23;
	v22 =	vld.idx.msk [tilespmem:v0+s3+$0x0], $0xffff;
	v0 =	vadd.s32 $0x10, v16;
	[tilespmem:v14+s15+$0x0] =	vst.idx.msk $0xffff, v8  }
0x95: {  	v23 =	vadd.s32 $0x50, v16;
	v24 =	vadd.s32 $0x60, v16;
	p1 =	slt.u32 s23, $0x78;
	v25 =	vld.idx.msk [tilespmem:v5+s3+$0x0], $0xffff;
	v5 =	vadd.s32 $0x20, v16;
	[tilespmem:v13+s15+$0x0] =	vst.idx.msk $0xffff, v9  }
0x96: {  	v26 =	vor.u32 v62, v2;
	v4 =	vadd.s32 $0x8, v4;
	[tilespmem:v18+s15+$0x0] =	vst.idx.msk $0xffff, v11;
	v8 =	vld.idx.msk [tilespmem:v6+s3+$0x0], $0xffff;
	v6 =	vadd.s32 $0x30, v16  }
.Ltmp3:
0x97: {  	v14 =	vor.u32 v53, v2;
	v13 =	vor.u32 v36, v2;
	[tilespmem:v17+s15+$0x0] =	vst.idx.msk $0xffff, v10;
	v9 =	vld.idx.msk [tilespmem:v1+s3+$0x0], $0xffff;
	(pc) =	sbr.rel @p1 .LBB2_5-.Ltmp3, $4  }
0x98: {  	v2 =	vshll.u32 v4, $0x8;
	v1 =	vmov v21;
	v11 =	vld.idx.msk [tilespmem:v16+s3+$0x0], $0xffff;
	[tilespmem:v19+s15+$0x0] =	vst.idx.msk $0xffff, v12  }
0x99: {  	v18 =	vor.u32 v58, v2;
	v10 =	vld.idx.msk [tilespmem:v20+s3+$0x0], $0xffff;
	[tilespmem:v3+s15+$0x0] =	vst.idx.msk $0xffff, v15;
	v3 =	vor.u32 v34, v2  }
0x9a: {  	v17 =	vor.u32 v54, v2;
	v16 =	vadd.s32 $0x80, v16;
	v12 =	vld.idx.msk [tilespmem:v24+s3+$0x0], $0xffff;
	[tilespmem:v7+s15+$0x0] =	vst.idx.msk $0xffff, v22  }
0x9b: {  	v19 =	vor.u32 v35, v2;
	v7 =	vor.u32 v59, v2;
	v15 =	vld.idx.msk [tilespmem:v23+s3+$0x0], $0xffff;
	[tilespmem:v26+s15+$0x0] =	vst.idx.msk $0xffff, v25  }
0x9c: {  	_ =	sdelay $0x3  }
0x9d: {  	[tilespmem:v14+s15+$0x0] =	vst.idx.msk $0xffff, v8  }
0x9e: {  	v0 =	vld.idx.msk [tilespmem:v0+s3+$0x0], $0xffff;
	[tilespmem:v13+s15+$0x0] =	vst.idx.msk $0xffff, v9  }
0x9f: {  	v4 =	vld.idx.msk [tilespmem:v5+s3+$0x0], $0xffff;
	v5 =	vor.u32 v62, v2;
	[tilespmem:v18+s15+$0x0] =	vst.idx.msk $0xffff, v11  }
0xa0: {  	v6 =	vld.idx.msk [tilespmem:v6+s3+$0x0], $0xffff;
	v8 =	vor.u32 v53, v2;
	[tilespmem:v17+s15+$0x0] =	vst.idx.msk $0xffff, v10  }
0xa1: {  	v1 =	vld.idx.msk [tilespmem:v1+s3+$0x0], $0xffff;
	v2 =	vor.u32 v36, v2;
	[tilespmem:v19+s15+$0x0] =	vst.idx.msk $0xffff, v12  }
0xa2: {  	[tilespmem:v3+s15+$0x0] =	vst.idx.msk $0xffff, v15  }
0xa3: {  	[tilespmem:v7+s15+$0x0] =	vst.idx.msk $0xffff, v0  }
0xa4: {  	[tilespmem:v5+s15+$0x0] =	vst.idx.msk $0xffff, v4  }
0xa5: {  	[tilespmem:v8+s15+$0x0] =	vst.idx.msk $0xffff, v6  }
0xa6: {  	[tilespmem:v2+s15+$0x0] =	vst.idx.msk $0xffff, v1  }
0xa7: {  	v0 =	vld [tilespmem:$0x3020];
	_ =	sdelay $0x4  }
0xa8: {  	v0 =	vshll.u32 v0, $0xB  }
0xa9: {  	v0 =	vor.u32 v61, v0  }
0xaa: {  	v1 =	vadd.s32 $0x40, v0  }
0xab: {  	v2 =	vadd.s32 $0x60, v0  }
0xac: {  	v3 =	vadd.s32 $0x50, v0  }
0xad: {  	v4 =	vimm.s32 $0x0;
	v5 =	vadd.s32 $0x10, v0  }
0xae: {  	v10 =	vshll.u32 v4, $0x8;
	v6 =	vadd.s32 $0x20, v0;
	v7 =	vld.idx.msk [tilespmem:v0+s3+$0x0], $0xffff  }
0xaf: {  	v9 =	vor.u32 v37, v10;
	v8 =	vadd.s32 $0x30, v0;
	v11 =	vld.idx.msk [tilespmem:v1+s3+$0x0], $0xffff  }
0xb0: {  	v13 =	vor.u32 v41, v10;
	v12 =	vadd.s32 $0x70, v0;
	v16 =	vadd.s32 $0x80, v0;
	v15 =	vld.idx.msk [tilespmem:v2+s3+$0x0], $0xffff  }
0xb1: {  	v23 =	vadd.s32 $0x60, v16;
	v17 =	vld.idx.msk [tilespmem:v3+s3+$0x0], $0xffff;
	v3 =	vor.u32 v43, v10  }
0xb2: {  	v19 =	vor.u32 v42, v10;
	v21 =	vld.idx.msk [tilespmem:v5+s3+$0x0], $0xffff  }
0xb3: {  	v22 =	vor.u32 v38, v10;
	v26 =	vor.u32 v39, v10;
	v20 =	vadd.s32 $0x40, v16;
	v24 =	vld.idx.msk [tilespmem:v6+s3+$0x0], $0xffff  }
0xb4: {  	v4 =	vadd.s32 $0x8, v4;
	v14 =	vor.u32 v40, v10;
	v25 =	vadd.s32 $0x50, v16;
	v8 =	vld.idx.msk [tilespmem:v8+s3+$0x0], $0xffff;
	[tilespmem:v9+s15+$0x0] =	vst.idx.msk $0xffff, v7  }
0xb5: {  	v0 =	vadd.s32 $0x10, v16;
	v1 =	vadd.s32 $0x70, v16;
	v5 =	vadd.s32 $0x20, v16;
	v9 =	vld.idx.msk [tilespmem:v12+s3+$0x0], $0xffff;
	[tilespmem:v13+s15+$0x0] =	vst.idx.msk $0xffff, v11  }
0xb6: {  	v2 =	vshll.u32 v4, $0x8;
	v6 =	vadd.s32 $0x30, v16;
	v12 =	vld.idx.msk [tilespmem:v23+s3+$0x0], $0xffff;
	v13 =	vor.u32 v44, v10;
	[tilespmem:v3+s15+$0x0] =	vst.idx.msk $0xffff, v15  }
0xb7: {  	v18 =	vor.u32 v37, v2;
	v7 =	vor.u32 v38, v2;
	v11 =	vld.idx.msk [tilespmem:v16+s3+$0x0], $0xffff;
	[tilespmem:v19+s15+$0x0] =	vst.idx.msk $0xffff, v17  }
0xb8: {  	v10 =	vld.idx.msk [tilespmem:v20+s3+$0x0], $0xffff;
	v3 =	vor.u32 v42, v2;
	v17 =	vor.u32 v41, v2;
	[tilespmem:v22+s15+$0x0] =	vst.idx.msk $0xffff, v21  }
0xb9: {  	s23 =	simm.s32 $0x8;
	v16 =	vadd.s32 $0x80, v16;
	v15 =	vld.idx.msk [tilespmem:v25+s3+$0x0], $0xffff;
	v19 =	vor.u32 v43, v2;
	[tilespmem:v26+s15+$0x0] =	vst.idx.msk $0xffff, v24  }
.LBB2_7:
0xba: {  	v20 =	vadd.s32 $0x40, v16;
	v21 =	vadd.s32 $0x70, v16;
	s23 =	sadd.s32 $0x8, s23;
	v22 =	vld.idx.msk [tilespmem:v0+s3+$0x0], $0xffff;
	v0 =	vadd.s32 $0x10, v16;
	[tilespmem:v14+s15+$0x0] =	vst.idx.msk $0xffff, v8  }
0xbb: {  	v23 =	vadd.s32 $0x50, v16;
	v24 =	vadd.s32 $0x60, v16;
	p1 =	slt.u32 s23, $0x78;
	v25 =	vld.idx.msk [tilespmem:v5+s3+$0x0], $0xffff;
	v5 =	vadd.s32 $0x20, v16;
	[tilespmem:v13+s15+$0x0] =	vst.idx.msk $0xffff, v9  }
0xbc: {  	v26 =	vor.u32 v39, v2;
	v4 =	vadd.s32 $0x8, v4;
	[tilespmem:v18+s15+$0x0] =	vst.idx.msk $0xffff, v11;
	v8 =	vld.idx.msk [tilespmem:v6+s3+$0x0], $0xffff;
	v6 =	vadd.s32 $0x30, v16  }
.Ltmp4:
0xbd: {  	v14 =	vor.u32 v40, v2;
	v13 =	vor.u32 v44, v2;
	[tilespmem:v17+s15+$0x0] =	vst.idx.msk $0xffff, v10;
	v9 =	vld.idx.msk [tilespmem:v1+s3+$0x0], $0xffff;
	(pc) =	sbr.rel @p1 .LBB2_7-.Ltmp4, $4  }
0xbe: {  	v2 =	vshll.u32 v4, $0x8;
	v1 =	vmov v21;
	v11 =	vld.idx.msk [tilespmem:v16+s3+$0x0], $0xffff;
	[tilespmem:v19+s15+$0x0] =	vst.idx.msk $0xffff, v12  }
0xbf: {  	v18 =	vor.u32 v37, v2;
	v10 =	vld.idx.msk [tilespmem:v20+s3+$0x0], $0xffff;
	[tilespmem:v3+s15+$0x0] =	vst.idx.msk $0xffff, v15;
	v3 =	vor.u32 v42, v2  }
0xc0: {  	v17 =	vor.u32 v41, v2;
	v16 =	vadd.s32 $0x80, v16;
	v12 =	vld.idx.msk [tilespmem:v24+s3+$0x0], $0xffff;
	[tilespmem:v7+s15+$0x0] =	vst.idx.msk $0xffff, v22  }
0xc1: {  	v19 =	vor.u32 v43, v2;
	v7 =	vor.u32 v38, v2;
	v15 =	vld.idx.msk [tilespmem:v23+s3+$0x0], $0xffff;
	[tilespmem:v26+s15+$0x0] =	vst.idx.msk $0xffff, v25  }
0xc2: {  	_ =	sdelay $0x3  }
0xc3: {  	[tilespmem:v14+s15+$0x0] =	vst.idx.msk $0xffff, v8  }
0xc4: {  	v0 =	vld.idx.msk [tilespmem:v0+s3+$0x0], $0xffff;
	[tilespmem:v13+s15+$0x0] =	vst.idx.msk $0xffff, v9  }
0xc5: {  	v4 =	vld.idx.msk [tilespmem:v5+s3+$0x0], $0xffff;
	v5 =	vor.u32 v39, v2;
	[tilespmem:v18+s15+$0x0] =	vst.idx.msk $0xffff, v11  }
0xc6: {  	v6 =	vld.idx.msk [tilespmem:v6+s3+$0x0], $0xffff;
	v8 =	vor.u32 v40, v2;
	[tilespmem:v17+s15+$0x0] =	vst.idx.msk $0xffff, v10  }
0xc7: {  	v1 =	vld.idx.msk [tilespmem:v1+s3+$0x0], $0xffff;
	v2 =	vor.u32 v44, v2;
	[tilespmem:v19+s15+$0x0] =	vst.idx.msk $0xffff, v12  }
0xc8: {  	[tilespmem:v3+s15+$0x0] =	vst.idx.msk $0xffff, v15  }
0xc9: {  	[tilespmem:v7+s15+$0x0] =	vst.idx.msk $0xffff, v0  }
0xca: {  	[tilespmem:v5+s15+$0x0] =	vst.idx.msk $0xffff, v4  }
0xcb: {  	[tilespmem:v8+s15+$0x0] =	vst.idx.msk $0xffff, v6  }
0xcc: {  	[tilespmem:v2+s15+$0x0] =	vst.idx.msk $0xffff, v1  }
0xcd: {  	v0 =	vld [tilespmem:$0x3030];
	_ =	sdelay $0x4  }
0xce: {  	v0 =	vshll.u32 v0, $0xB  }
0xcf: {  	v0 =	vor.u32 v61, v0  }
0xd0: {  	v1 =	vadd.s32 $0x40, v0  }
0xd1: {  	v2 =	vadd.s32 $0x60, v0  }
0xd2: {  	v3 =	vadd.s32 $0x50, v0  }
0xd3: {  	v4 =	vimm.s32 $0x0;
	v5 =	vadd.s32 $0x10, v0  }
0xd4: {  	v10 =	vshll.u32 v4, $0x8;
	v6 =	vadd.s32 $0x20, v0;
	v7 =	vld.idx.msk [tilespmem:v0+s3+$0x0], $0xffff  }
0xd5: {  	v9 =	vor.u32 v45, v10;
	v8 =	vadd.s32 $0x30, v0;
	v11 =	vld.idx.msk [tilespmem:v1+s3+$0x0], $0xffff  }
0xd6: {  	v13 =	vor.u32 v49, v10;
	v12 =	vadd.s32 $0x70, v0;
	v16 =	vadd.s32 $0x80, v0;
	v15 =	vld.idx.msk [tilespmem:v2+s3+$0x0], $0xffff  }
0xd7: {  	v23 =	vadd.s32 $0x60, v16;
	v17 =	vld.idx.msk [tilespmem:v3+s3+$0x0], $0xffff;
	v3 =	vor.u32 v51, v10  }
0xd8: {  	v19 =	vor.u32 v50, v10;
	v21 =	vld.idx.msk [tilespmem:v5+s3+$0x0], $0xffff  }
0xd9: {  	v22 =	vor.u32 v46, v10;
	v26 =	vor.u32 v47, v10;
	v20 =	vadd.s32 $0x40, v16;
	v24 =	vld.idx.msk [tilespmem:v6+s3+$0x0], $0xffff  }
0xda: {  	v4 =	vadd.s32 $0x8, v4;
	v14 =	vor.u32 v48, v10;
	v25 =	vadd.s32 $0x50, v16;
	v8 =	vld.idx.msk [tilespmem:v8+s3+$0x0], $0xffff;
	[tilespmem:v9+s15+$0x0] =	vst.idx.msk $0xffff, v7  }
0xdb: {  	v0 =	vadd.s32 $0x10, v16;
	v1 =	vadd.s32 $0x70, v16;
	v5 =	vadd.s32 $0x20, v16;
	v9 =	vld.idx.msk [tilespmem:v12+s3+$0x0], $0xffff;
	[tilespmem:v13+s15+$0x0] =	vst.idx.msk $0xffff, v11  }
0xdc: {  	v2 =	vshll.u32 v4, $0x8;
	v6 =	vadd.s32 $0x30, v16;
	v12 =	vld.idx.msk [tilespmem:v23+s3+$0x0], $0xffff;
	v13 =	vor.u32 v52, v10;
	[tilespmem:v3+s15+$0x0] =	vst.idx.msk $0xffff, v15  }
0xdd: {  	v18 =	vor.u32 v45, v2;
	v7 =	vor.u32 v46, v2;
	v11 =	vld.idx.msk [tilespmem:v16+s3+$0x0], $0xffff;
	[tilespmem:v19+s15+$0x0] =	vst.idx.msk $0xffff, v17  }
0xde: {  	v10 =	vld.idx.msk [tilespmem:v20+s3+$0x0], $0xffff;
	v3 =	vor.u32 v50, v2;
	v17 =	vor.u32 v49, v2;
	[tilespmem:v22+s15+$0x0] =	vst.idx.msk $0xffff, v21  }
0xdf: {  	s23 =	simm.s32 $0x8;
	v16 =	vadd.s32 $0x80, v16;
	v15 =	vld.idx.msk [tilespmem:v25+s3+$0x0], $0xffff;
	v19 =	vor.u32 v51, v2;
	[tilespmem:v26+s15+$0x0] =	vst.idx.msk $0xffff, v24  }
.LBB2_9:
0xe0: {  	v20 =	vadd.s32 $0x40, v16;
	v21 =	vadd.s32 $0x70, v16;
	s23 =	sadd.s32 $0x8, s23;
	v22 =	vld.idx.msk [tilespmem:v0+s3+$0x0], $0xffff;
	v0 =	vadd.s32 $0x10, v16;
	[tilespmem:v14+s15+$0x0] =	vst.idx.msk $0xffff, v8  }
0xe1: {  	v23 =	vadd.s32 $0x50, v16;
	v24 =	vadd.s32 $0x60, v16;
	p1 =	slt.u32 s23, $0x78;
	v25 =	vld.idx.msk [tilespmem:v5+s3+$0x0], $0xffff;
	v5 =	vadd.s32 $0x20, v16;
	[tilespmem:v13+s15+$0x0] =	vst.idx.msk $0xffff, v9  }
0xe2: {  	v26 =	vor.u32 v47, v2;
	v4 =	vadd.s32 $0x8, v4;
	[tilespmem:v18+s15+$0x0] =	vst.idx.msk $0xffff, v11;
	v8 =	vld.idx.msk [tilespmem:v6+s3+$0x0], $0xffff;
	v6 =	vadd.s32 $0x30, v16  }
.Ltmp5:
0xe3: {  	v14 =	vor.u32 v48, v2;
	v13 =	vor.u32 v52, v2;
	[tilespmem:v17+s15+$0x0] =	vst.idx.msk $0xffff, v10;
	v9 =	vld.idx.msk [tilespmem:v1+s3+$0x0], $0xffff;
	(pc) =	sbr.rel @p1 .LBB2_9-.Ltmp5, $4  }
0xe4: {  	v2 =	vshll.u32 v4, $0x8;
	v1 =	vmov v21;
	v11 =	vld.idx.msk [tilespmem:v16+s3+$0x0], $0xffff;
	[tilespmem:v19+s15+$0x0] =	vst.idx.msk $0xffff, v12  }
0xe5: {  	v18 =	vor.u32 v45, v2;
	v10 =	vld.idx.msk [tilespmem:v20+s3+$0x0], $0xffff;
	[tilespmem:v3+s15+$0x0] =	vst.idx.msk $0xffff, v15;
	v3 =	vor.u32 v50, v2  }
0xe6: {  	v17 =	vor.u32 v49, v2;
	v16 =	vadd.s32 $0x80, v16;
	v12 =	vld.idx.msk [tilespmem:v24+s3+$0x0], $0xffff;
	[tilespmem:v7+s15+$0x0] =	vst.idx.msk $0xffff, v22  }
0xe7: {  	v19 =	vor.u32 v51, v2;
	v7 =	vor.u32 v46, v2;
	v15 =	vld.idx.msk [tilespmem:v23+s3+$0x0], $0xffff;
	[tilespmem:v26+s15+$0x0] =	vst.idx.msk $0xffff, v25  }
0xe8: {  	_ =	sdelay $0x3  }
0xe9: {  	[tilespmem:v14+s15+$0x0] =	vst.idx.msk $0xffff, v8  }
0xea: {  	v0 =	vld.idx.msk [tilespmem:v0+s3+$0x0], $0xffff;
	[tilespmem:v13+s15+$0x0] =	vst.idx.msk $0xffff, v9  }
0xeb: {  	v4 =	vld.idx.msk [tilespmem:v5+s3+$0x0], $0xffff;
	v5 =	vor.u32 v47, v2;
	[tilespmem:v18+s15+$0x0] =	vst.idx.msk $0xffff, v11  }
0xec: {  	v6 =	vld.idx.msk [tilespmem:v6+s3+$0x0], $0xffff;
	v8 =	vor.u32 v48, v2;
	[tilespmem:v17+s15+$0x0] =	vst.idx.msk $0xffff, v10  }
0xed: {  	v1 =	vld.idx.msk [tilespmem:v1+s3+$0x0], $0xffff;
	v2 =	vor.u32 v52, v2;
	[tilespmem:v19+s15+$0x0] =	vst.idx.msk $0xffff, v12  }
0xee: {  	[tilespmem:v3+s15+$0x0] =	vst.idx.msk $0xffff, v15  }
0xef: {  	[tilespmem:v7+s15+$0x0] =	vst.idx.msk $0xffff, v0  }
0xf0: {  	[tilespmem:v5+s15+$0x0] =	vst.idx.msk $0xffff, v4  }
0xf1: {  	[tilespmem:v8+s15+$0x0] =	vst.idx.msk $0xffff, v6  }
0xf2: {  	[tilespmem:v2+s15+$0x0] =	vst.idx.msk $0xffff, v1  }
0xf3: {  	v0 =	vld [tilespmem:$0x3040];
	_ =	sdelay $0x4  }
0xf4: {  	v0 =	vshll.u32 v0, $0xB  }
0xf5: {  	v0 =	vor.u32 v61, v0  }
0xf6: {  	v1 =	vadd.s32 $0x40, v0;
	_ =	sdelay $0x1  }
0xf7: {  	v4 =	vimm.s32 $0x0  }
0xf8: {  	v10 =	vshll.u32 v4, $0x8  }
0xf9: {  	v9 =	vor.u32 v60, v10;
	v2 =	vadd.s32 $0x60, v0;
	v7 =	vld.idx.msk [tilespmem:v0+s3+$0x0], $0xffff  }
0xfa: {  	v13 =	vor.u32 v57, v10;
	v3 =	vadd.s32 $0x50, v0;
	v11 =	vld.idx.msk [tilespmem:v1+s3+$0x0], $0xffff  }
0xfb: {  	v58 =	vld [tilespmem:$0x1FC40]  }
0xfc: {  	v63 =	vld [tilespmem:$0x1FC30];
	v5 =	vadd.s32 $0x10, v0  }
0xfd: {  	v53 =	vld [tilespmem:$0x1FC20];
	v6 =	vadd.s32 $0x20, v0  }
0xfe: {  	v8 =	vadd.s32 $0x30, v0;
	v15 =	vld.idx.msk [tilespmem:v2+s3+$0x0], $0xffff;
	[tilespmem:v9+s15+$0x0] =	vst.idx.msk $0xffff, v7  }
0xff: {  	v12 =	vadd.s32 $0x70, v0;
	v16 =	vadd.s32 $0x80, v0;
	v17 =	vld.idx.msk [tilespmem:v3+s3+$0x0], $0xffff;
	[tilespmem:v13+s15+$0x0] =	vst.idx.msk $0xffff, v11  }
0x100: {  	v23 =	vadd.s32 $0x60, v16;
	v3 =	vor.u32 v58, v10;
	v59 =	vld [tilespmem:$0x1FFF0]  }
0x101: {  	v19 =	vor.u32 v63, v10;
	v21 =	vld.idx.msk [tilespmem:v5+s3+$0x0], $0xffff  }
0x102: {  	v22 =	vor.u32 v53, v10;
	v20 =	vadd.s32 $0x40, v16;
	v24 =	vld.idx.msk [tilespmem:v6+s3+$0x0], $0xffff  }
0x103: {  	v4 =	vadd.s32 $0x8, v4;
	v26 =	vor.u32 v55, v10;
	v25 =	vadd.s32 $0x50, v16;
	v8 =	vld.idx.msk [tilespmem:v8+s3+$0x0], $0xffff  }
0x104: {  	v14 =	vor.u32 v56, v10;
	v0 =	vadd.s32 $0x10, v16;
	v5 =	vadd.s32 $0x20, v16;
	v9 =	vld.idx.msk [tilespmem:v12+s3+$0x0], $0xffff  }
0x105: {  	v2 =	vshll.u32 v4, $0x8;
	v6 =	vadd.s32 $0x30, v16;
	v12 =	vld.idx.msk [tilespmem:v23+s3+$0x0], $0xffff;
	[tilespmem:v3+s15+$0x0] =	vst.idx.msk $0xffff, v15;
	v13 =	vor.u32 v59, v10  }
0x106: {  	v18 =	vor.u32 v60, v2;
	v7 =	vor.u32 v53, v2;
	v11 =	vld.idx.msk [tilespmem:v16+s3+$0x0], $0xffff;
	[tilespmem:v19+s15+$0x0] =	vst.idx.msk $0xffff, v17  }
0x107: {  	v1 =	vadd.s32 $0x70, v16;
	v16 =	vadd.s32 $0x80, v16;
	v17 =	vor.u32 v57, v2;
	[tilespmem:v22+s15+$0x0] =	vst.idx.msk $0xffff, v21;
	v10 =	vld.idx.msk [tilespmem:v20+s3+$0x0], $0xffff  }
0x108: {  	s23 =	simm.s32 $0x8;
	v3 =	vor.u32 v63, v2;
	v15 =	vld.idx.msk [tilespmem:v25+s3+$0x0], $0xffff;
	v19 =	vor.u32 v58, v2;
	[tilespmem:v26+s15+$0x0] =	vst.idx.msk $0xffff, v24  }
.LBB2_11:
0x109: {  	v20 =	vadd.s32 $0x40, v16;
	v21 =	vadd.s32 $0x70, v16;
	s23 =	sadd.s32 $0x8, s23;
	v22 =	vld.idx.msk [tilespmem:v0+s3+$0x0], $0xffff;
	v0 =	vadd.s32 $0x10, v16;
	[tilespmem:v14+s15+$0x0] =	vst.idx.msk $0xffff, v8  }
0x10a: {  	v23 =	vadd.s32 $0x50, v16;
	v24 =	vadd.s32 $0x60, v16;
	p1 =	slt.u32 s23, $0x78;
	v25 =	vld.idx.msk [tilespmem:v5+s3+$0x0], $0xffff;
	v5 =	vadd.s32 $0x20, v16;
	[tilespmem:v13+s15+$0x0] =	vst.idx.msk $0xffff, v9  }
0x10b: {  	v26 =	vor.u32 v55, v2;
	v4 =	vadd.s32 $0x8, v4;
	[tilespmem:v18+s15+$0x0] =	vst.idx.msk $0xffff, v11;
	v8 =	vld.idx.msk [tilespmem:v6+s3+$0x0], $0xffff;
	v6 =	vadd.s32 $0x30, v16  }
.Ltmp6:
0x10c: {  	v14 =	vor.u32 v56, v2;
	v13 =	vor.u32 v59, v2;
	[tilespmem:v17+s15+$0x0] =	vst.idx.msk $0xffff, v10;
	v9 =	vld.idx.msk [tilespmem:v1+s3+$0x0], $0xffff;
	(pc) =	sbr.rel @p1 .LBB2_11-.Ltmp6, $4  }
0x10d: {  	v2 =	vshll.u32 v4, $0x8;
	v1 =	vmov v21;
	v11 =	vld.idx.msk [tilespmem:v16+s3+$0x0], $0xffff;
	[tilespmem:v19+s15+$0x0] =	vst.idx.msk $0xffff, v12  }
0x10e: {  	v18 =	vor.u32 v60, v2;
	v10 =	vld.idx.msk [tilespmem:v20+s3+$0x0], $0xffff;
	[tilespmem:v3+s15+$0x0] =	vst.idx.msk $0xffff, v15;
	v3 =	vor.u32 v63, v2  }
0x10f: {  	v17 =	vor.u32 v57, v2;
	v16 =	vadd.s32 $0x80, v16;
	v12 =	vld.idx.msk [tilespmem:v24+s3+$0x0], $0xffff;
	[tilespmem:v7+s15+$0x0] =	vst.idx.msk $0xffff, v22  }
0x110: {  	v19 =	vor.u32 v58, v2;
	v7 =	vor.u32 v53, v2;
	v15 =	vld.idx.msk [tilespmem:v23+s3+$0x0], $0xffff;
	[tilespmem:v26+s15+$0x0] =	vst.idx.msk $0xffff, v25  }
0x111: {  	_ =	sdelay $0x3  }
0x112: {  	[tilespmem:v14+s15+$0x0] =	vst.idx.msk $0xffff, v8  }
0x113: {  	v0 =	vld.idx.msk [tilespmem:v0+s3+$0x0], $0xffff;
	[tilespmem:v13+s15+$0x0] =	vst.idx.msk $0xffff, v9  }
0x114: {  	v4 =	vld.idx.msk [tilespmem:v5+s3+$0x0], $0xffff;
	v5 =	vor.u32 v55, v2;
	[tilespmem:v18+s15+$0x0] =	vst.idx.msk $0xffff, v11  }
0x115: {  	v6 =	vld.idx.msk [tilespmem:v6+s3+$0x0], $0xffff;
	v8 =	vor.u32 v56, v2;
	[tilespmem:v17+s15+$0x0] =	vst.idx.msk $0xffff, v10  }
0x116: {  	v1 =	vld.idx.msk [tilespmem:v1+s3+$0x0], $0xffff;
	v2 =	vor.u32 v59, v2;
	[tilespmem:v19+s15+$0x0] =	vst.idx.msk $0xffff, v12  }
0x117: {  	[tilespmem:v3+s15+$0x0] =	vst.idx.msk $0xffff, v15  }
0x118: {  	[tilespmem:v7+s15+$0x0] =	vst.idx.msk $0xffff, v0  }
0x119: {  	[tilespmem:v5+s15+$0x0] =	vst.idx.msk $0xffff, v4  }
0x11a: {  	[tilespmem:v8+s15+$0x0] =	vst.idx.msk $0xffff, v6  }
0x11b: {  	[tilespmem:v2+s15+$0x0] =	vst.idx.msk $0xffff, v1  }
0x11c: {  	v0 =	vld [tilespmem:$0x3050];
	_ =	sdelay $0x4  }
0x11d: {  	v0 =	vshll.u32 v0, $0xB  }
0x11e: {  	v58 =	vld [tilespmem:$0x1FC50];
	v0 =	vor.u32 v61, v0;
	_ =	sdelay $0x1  }
0x11f: {  	v61 =	vld [tilespmem:$0x1FC90];
	v1 =	vadd.s32 $0x40, v0  }
0x120: {  	v4 =	vimm.s32 $0x0  }
0x121: {  	v10 =	vshll.u32 v4, $0x8;
	v53 =	vld [tilespmem:$0x1FCB0];
	v2 =	vadd.s32 $0x60, v0  }
0x122: {  	v9 =	vor.u32 v58, v10;
	v3 =	vadd.s32 $0x50, v0;
	v7 =	vld.idx.msk [tilespmem:v0+s3+$0x0], $0xffff  }
0x123: {  	v62 =	vld [tilespmem:$0x1FCA0]  }
0x124: {  	v13 =	vor.u32 v61, v10;
	v11 =	vld.idx.msk [tilespmem:v1+s3+$0x0], $0xffff  }
0x125: {  	v59 =	vld [tilespmem:$0x1FC60]  }
0x126: {  	v5 =	vadd.s32 $0x10, v0;
	v15 =	vld.idx.msk [tilespmem:v2+s3+$0x0], $0xffff  }
0x127: {  	v6 =	vadd.s32 $0x20, v0;
	v17 =	vld.idx.msk [tilespmem:v3+s3+$0x0], $0xffff;
	[tilespmem:v9+s15+$0x0] =	vst.idx.msk $0xffff, v7  }
0x128: {  	v8 =	vadd.s32 $0x30, v0;
	v63 =	vld [tilespmem:$0x1FC70]  }
0x129: {  	v12 =	vadd.s32 $0x70, v0;
	v16 =	vadd.s32 $0x80, v0;
	v60 =	vld [tilespmem:$0x1FC80];
	[tilespmem:v13+s15+$0x0] =	vst.idx.msk $0xffff, v11  }
0x12a: {  	v23 =	vadd.s32 $0x60, v16;
	v3 =	vor.u32 v53, v10;
	v54 =	vld [tilespmem:$0x1FCC0]  }
0x12b: {  	v19 =	vor.u32 v62, v10;
	v21 =	vld.idx.msk [tilespmem:v5+s3+$0x0], $0xffff  }
0x12c: {  	v22 =	vor.u32 v59, v10;
	v20 =	vadd.s32 $0x40, v16;
	v24 =	vld.idx.msk [tilespmem:v6+s3+$0x0], $0xffff  }
0x12d: {  	v4 =	vadd.s32 $0x8, v4;
	v25 =	vadd.s32 $0x50, v16;
	v8 =	vld.idx.msk [tilespmem:v8+s3+$0x0], $0xffff;
	v26 =	vor.u32 v63, v10  }
0x12e: {  	v0 =	vadd.s32 $0x10, v16;
	v5 =	vadd.s32 $0x20, v16;
	v9 =	vld.idx.msk [tilespmem:v12+s3+$0x0], $0xffff;
	v14 =	vor.u32 v60, v10  }
0x12f: {  	v2 =	vshll.u32 v4, $0x8;
	v6 =	vadd.s32 $0x30, v16;
	v12 =	vld.idx.msk [tilespmem:v23+s3+$0x0], $0xffff;
	[tilespmem:v3+s15+$0x0] =	vst.idx.msk $0xffff, v15;
	v13 =	vor.u32 v54, v10  }
0x130: {  	v18 =	vor.u32 v58, v2;
	v7 =	vor.u32 v59, v2;
	v11 =	vld.idx.msk [tilespmem:v16+s3+$0x0], $0xffff;
	[tilespmem:v19+s15+$0x0] =	vst.idx.msk $0xffff, v17  }
0x131: {  	v1 =	vadd.s32 $0x70, v16;
	v16 =	vadd.s32 $0x80, v16;
	v17 =	vor.u32 v61, v2;
	[tilespmem:v22+s15+$0x0] =	vst.idx.msk $0xffff, v21;
	v10 =	vld.idx.msk [tilespmem:v20+s3+$0x0], $0xffff  }
0x132: {  	s23 =	simm.s32 $0x8;
	v3 =	vor.u32 v62, v2;
	v15 =	vld.idx.msk [tilespmem:v25+s3+$0x0], $0xffff;
	v19 =	vor.u32 v53, v2;
	[tilespmem:v26+s15+$0x0] =	vst.idx.msk $0xffff, v24  }
.LBB2_13:
0x133: {  	v20 =	vadd.s32 $0x40, v16;
	v21 =	vadd.s32 $0x70, v16;
	s23 =	sadd.s32 $0x8, s23;
	v22 =	vld.idx.msk [tilespmem:v0+s3+$0x0], $0xffff;
	v0 =	vadd.s32 $0x10, v16;
	[tilespmem:v14+s15+$0x0] =	vst.idx.msk $0xffff, v8  }
0x134: {  	v23 =	vadd.s32 $0x50, v16;
	v24 =	vadd.s32 $0x60, v16;
	p1 =	slt.u32 s23, $0x78;
	v25 =	vld.idx.msk [tilespmem:v5+s3+$0x0], $0xffff;
	v5 =	vadd.s32 $0x20, v16;
	[tilespmem:v13+s15+$0x0] =	vst.idx.msk $0xffff, v9  }
0x135: {  	v26 =	vor.u32 v63, v2;
	v4 =	vadd.s32 $0x8, v4;
	[tilespmem:v18+s15+$0x0] =	vst.idx.msk $0xffff, v11;
	v8 =	vld.idx.msk [tilespmem:v6+s3+$0x0], $0xffff;
	v6 =	vadd.s32 $0x30, v16  }
.Ltmp7:
0x136: {  	v14 =	vor.u32 v60, v2;
	v13 =	vor.u32 v54, v2;
	[tilespmem:v17+s15+$0x0] =	vst.idx.msk $0xffff, v10;
	v9 =	vld.idx.msk [tilespmem:v1+s3+$0x0], $0xffff;
	(pc) =	sbr.rel @p1 .LBB2_13-.Ltmp7, $4  }
0x137: {  	v2 =	vshll.u32 v4, $0x8;
	v1 =	vmov v21;
	v11 =	vld.idx.msk [tilespmem:v16+s3+$0x0], $0xffff;
	[tilespmem:v19+s15+$0x0] =	vst.idx.msk $0xffff, v12  }
0x138: {  	v18 =	vor.u32 v58, v2;
	v10 =	vld.idx.msk [tilespmem:v20+s3+$0x0], $0xffff;
	[tilespmem:v3+s15+$0x0] =	vst.idx.msk $0xffff, v15;
	v3 =	vor.u32 v62, v2  }
0x139: {  	v17 =	vor.u32 v61, v2;
	v16 =	vadd.s32 $0x80, v16;
	v12 =	vld.idx.msk [tilespmem:v24+s3+$0x0], $0xffff;
	[tilespmem:v7+s15+$0x0] =	vst.idx.msk $0xffff, v22  }
0x13a: {  	v19 =	vor.u32 v53, v2;
	v7 =	vor.u32 v59, v2;
	v15 =	vld.idx.msk [tilespmem:v23+s3+$0x0], $0xffff;
	[tilespmem:v26+s15+$0x0] =	vst.idx.msk $0xffff, v25  }
0x13b: {  	_ =	sdelay $0x3  }
0x13c: {  	[tilespmem:v14+s15+$0x0] =	vst.idx.msk $0xffff, v8  }
0x13d: {  	v0 =	vld.idx.msk [tilespmem:v0+s3+$0x0], $0xffff;
	[tilespmem:v13+s15+$0x0] =	vst.idx.msk $0xffff, v9  }
0x13e: {  	v4 =	vld.idx.msk [tilespmem:v5+s3+$0x0], $0xffff;
	v5 =	vor.u32 v63, v2;
	[tilespmem:v18+s15+$0x0] =	vst.idx.msk $0xffff, v11  }
0x13f: {  	v6 =	vld.idx.msk [tilespmem:v6+s3+$0x0], $0xffff;
	v8 =	vor.u32 v60, v2;
	[tilespmem:v17+s15+$0x0] =	vst.idx.msk $0xffff, v10  }
0x140: {  	v1 =	vld.idx.msk [tilespmem:v1+s3+$0x0], $0xffff;
	v2 =	vor.u32 v54, v2;
	[tilespmem:v19+s15+$0x0] =	vst.idx.msk $0xffff, v12  }
0x141: {  	[tilespmem:v3+s15+$0x0] =	vst.idx.msk $0xffff, v15  }
0x142: {  	[tilespmem:v7+s15+$0x0] =	vst.idx.msk $0xffff, v0  }
0x143: {  	[tilespmem:v5+s15+$0x0] =	vst.idx.msk $0xffff, v4  }
0x144: {  	[tilespmem:v8+s15+$0x0] =	vst.idx.msk $0xffff, v6  }
0x145: {  	[tilespmem:v2+s15+$0x0] =	vst.idx.msk $0xffff, v1  }
0x146: {  	v0 =	vld [tilespmem:$0x3060];
	_ =	sdelay $0x4  }
0x147: {  	v1 =	vlaneseq.u32;
	v0 =	vshll.u32 v0, $0xB  }
0x148: {  	v27 =	vld [tilespmem:$0x1FCD0];
	v0 =	vor.u32 v1, v0;
	_ =	sdelay $0x1  }
0x149: {  	v59 =	vld [tilespmem:$0x1FD10];
	v1 =	vadd.s32 $0x40, v0  }
0x14a: {  	v4 =	vimm.s32 $0x0  }
0x14b: {  	v10 =	vshll.u32 v4, $0x8;
	v61 =	vld [tilespmem:$0x1FD30];
	v2 =	vadd.s32 $0x60, v0  }
0x14c: {  	v9 =	vor.u32 v27, v10;
	v3 =	vadd.s32 $0x50, v0;
	v7 =	vld.idx.msk [tilespmem:v0+s3+$0x0], $0xffff  }
0x14d: {  	v60 =	vld [tilespmem:$0x1FD20]  }
0x14e: {  	v13 =	vor.u32 v59, v10;
	v11 =	vld.idx.msk [tilespmem:v1+s3+$0x0], $0xffff  }
0x14f: {  	v53 =	vld [tilespmem:$0x1FCE0]  }
0x150: {  	v5 =	vadd.s32 $0x10, v0;
	v15 =	vld.idx.msk [tilespmem:v2+s3+$0x0], $0xffff  }
0x151: {  	v6 =	vadd.s32 $0x20, v0;
	v17 =	vld.idx.msk [tilespmem:v3+s3+$0x0], $0xffff;
	[tilespmem:v9+s15+$0x0] =	vst.idx.msk $0xffff, v7  }
0x152: {  	v8 =	vadd.s32 $0x30, v0;
	v54 =	vld [tilespmem:$0x1FCF0]  }
0x153: {  	v12 =	vadd.s32 $0x70, v0;
	v16 =	vadd.s32 $0x80, v0;
	v58 =	vld [tilespmem:$0x1FD00];
	[tilespmem:v13+s15+$0x0] =	vst.idx.msk $0xffff, v11  }
0x154: {  	v23 =	vadd.s32 $0x60, v16;
	v3 =	vor.u32 v61, v10;
	v62 =	vld [tilespmem:$0x1FD40]  }
0x155: {  	v19 =	vor.u32 v60, v10;
	v21 =	vld.idx.msk [tilespmem:v5+s3+$0x0], $0xffff  }
0x156: {  	v22 =	vor.u32 v53, v10;
	v20 =	vadd.s32 $0x40, v16;
	v24 =	vld.idx.msk [tilespmem:v6+s3+$0x0], $0xffff  }
0x157: {  	v4 =	vadd.s32 $0x8, v4;
	v25 =	vadd.s32 $0x50, v16;
	v8 =	vld.idx.msk [tilespmem:v8+s3+$0x0], $0xffff;
	v26 =	vor.u32 v54, v10  }
0x158: {  	v0 =	vadd.s32 $0x10, v16;
	v5 =	vadd.s32 $0x20, v16;
	v9 =	vld.idx.msk [tilespmem:v12+s3+$0x0], $0xffff;
	v14 =	vor.u32 v58, v10  }
0x159: {  	v2 =	vshll.u32 v4, $0x8;
	v6 =	vadd.s32 $0x30, v16;
	v12 =	vld.idx.msk [tilespmem:v23+s3+$0x0], $0xffff;
	[tilespmem:v3+s15+$0x0] =	vst.idx.msk $0xffff, v15;
	v13 =	vor.u32 v62, v10  }
0x15a: {  	v18 =	vor.u32 v27, v2;
	v7 =	vor.u32 v53, v2;
	v11 =	vld.idx.msk [tilespmem:v16+s3+$0x0], $0xffff;
	[tilespmem:v19+s15+$0x0] =	vst.idx.msk $0xffff, v17  }
0x15b: {  	v1 =	vadd.s32 $0x70, v16;
	v16 =	vadd.s32 $0x80, v16;
	v17 =	vor.u32 v59, v2;
	[tilespmem:v22+s15+$0x0] =	vst.idx.msk $0xffff, v21;
	v10 =	vld.idx.msk [tilespmem:v20+s3+$0x0], $0xffff  }
0x15c: {  	s23 =	simm.s32 $0x8;
	v3 =	vor.u32 v60, v2;
	v15 =	vld.idx.msk [tilespmem:v25+s3+$0x0], $0xffff;
	v19 =	vor.u32 v61, v2;
	[tilespmem:v26+s15+$0x0] =	vst.idx.msk $0xffff, v24  }
.LBB2_15:
0x15d: {  	v20 =	vadd.s32 $0x40, v16;
	v21 =	vadd.s32 $0x70, v16;
	s23 =	sadd.s32 $0x8, s23;
	v22 =	vld.idx.msk [tilespmem:v0+s3+$0x0], $0xffff;
	v0 =	vadd.s32 $0x10, v16;
	[tilespmem:v14+s15+$0x0] =	vst.idx.msk $0xffff, v8  }
0x15e: {  	v23 =	vadd.s32 $0x50, v16;
	v24 =	vadd.s32 $0x60, v16;
	p1 =	slt.u32 s23, $0x78;
	v25 =	vld.idx.msk [tilespmem:v5+s3+$0x0], $0xffff;
	v5 =	vadd.s32 $0x20, v16;
	[tilespmem:v13+s15+$0x0] =	vst.idx.msk $0xffff, v9  }
0x15f: {  	v26 =	vor.u32 v54, v2;
	v4 =	vadd.s32 $0x8, v4;
	[tilespmem:v18+s15+$0x0] =	vst.idx.msk $0xffff, v11;
	v8 =	vld.idx.msk [tilespmem:v6+s3+$0x0], $0xffff;
	v6 =	vadd.s32 $0x30, v16  }
.Ltmp8:
0x160: {  	v14 =	vor.u32 v58, v2;
	v13 =	vor.u32 v62, v2;
	[tilespmem:v17+s15+$0x0] =	vst.idx.msk $0xffff, v10;
	v9 =	vld.idx.msk [tilespmem:v1+s3+$0x0], $0xffff;
	(pc) =	sbr.rel @p1 .LBB2_15-.Ltmp8, $4  }
0x161: {  	v2 =	vshll.u32 v4, $0x8;
	v1 =	vmov v21;
	v11 =	vld.idx.msk [tilespmem:v16+s3+$0x0], $0xffff;
	[tilespmem:v19+s15+$0x0] =	vst.idx.msk $0xffff, v12  }
0x162: {  	v18 =	vor.u32 v27, v2;
	v10 =	vld.idx.msk [tilespmem:v20+s3+$0x0], $0xffff;
	[tilespmem:v3+s15+$0x0] =	vst.idx.msk $0xffff, v15;
	v3 =	vor.u32 v60, v2  }
0x163: {  	v17 =	vor.u32 v59, v2;
	v16 =	vadd.s32 $0x80, v16;
	v12 =	vld.idx.msk [tilespmem:v24+s3+$0x0], $0xffff;
	[tilespmem:v7+s15+$0x0] =	vst.idx.msk $0xffff, v22  }
0x164: {  	v19 =	vor.u32 v61, v2;
	v7 =	vor.u32 v53, v2;
	v15 =	vld.idx.msk [tilespmem:v23+s3+$0x0], $0xffff;
	[tilespmem:v26+s15+$0x0] =	vst.idx.msk $0xffff, v25  }
0x165: {  	_ =	sdelay $0x3  }
0x166: {  	[tilespmem:v14+s15+$0x0] =	vst.idx.msk $0xffff, v8  }
0x167: {  	v0 =	vld.idx.msk [tilespmem:v0+s3+$0x0], $0xffff;
	[tilespmem:v13+s15+$0x0] =	vst.idx.msk $0xffff, v9  }
0x168: {  	v4 =	vld.idx.msk [tilespmem:v5+s3+$0x0], $0xffff;
	v5 =	vor.u32 v54, v2;
	[tilespmem:v18+s15+$0x0] =	vst.idx.msk $0xffff, v11  }
0x169: {  	v6 =	vld.idx.msk [tilespmem:v6+s3+$0x0], $0xffff;
	v8 =	vor.u32 v58, v2;
	[tilespmem:v17+s15+$0x0] =	vst.idx.msk $0xffff, v10  }
0x16a: {  	v1 =	vld.idx.msk [tilespmem:v1+s3+$0x0], $0xffff;
	v2 =	vor.u32 v62, v2;
	[tilespmem:v19+s15+$0x0] =	vst.idx.msk $0xffff, v12  }
0x16b: {  	[tilespmem:v3+s15+$0x0] =	vst.idx.msk $0xffff, v15  }
0x16c: {  	[tilespmem:v7+s15+$0x0] =	vst.idx.msk $0xffff, v0  }
0x16d: {  	[tilespmem:v5+s15+$0x0] =	vst.idx.msk $0xffff, v4  }
0x16e: {  	[tilespmem:v8+s15+$0x0] =	vst.idx.msk $0xffff, v6  }
0x16f: {  	[tilespmem:v2+s15+$0x0] =	vst.idx.msk $0xffff, v1  }
0x170: {  	v0 =	vld [tilespmem:$0x3070];
	_ =	sdelay $0x4  }
0x171: {  	v61 =	vlaneseq.u32;
	v0 =	vshll.u32 v0, $0xB  }
0x172: {  	v15 =	vld [tilespmem:$0x1FD50];
	v0 =	vor.u32 v61, v0;
	_ =	sdelay $0x2  }
0x173: {  	v4 =	vimm.s32 $0x0  }
0x174: {  	v10 =	vshll.u32 v4, $0x8;
	v31 =	vld [tilespmem:$0x1FD90];
	v1 =	vadd.s32 $0x40, v0  }
0x175: {  	v9 =	vor.u32 v15, v10;
	v2 =	vadd.s32 $0x60, v0;
	v7 =	vld.idx.msk [tilespmem:v0+s3+$0x0], $0xffff  }
0x176: {  	v33 =	vld [tilespmem:$0x1FDB0]  }
0x177: {  	v32 =	vld [tilespmem:$0x1FDA0]  }
0x178: {  	v28 =	vld [tilespmem:$0x1FD60];
	v3 =	vadd.s32 $0x50, v0  }
0x179: {  	v5 =	vadd.s32 $0x10, v0;
	v11 =	vld.idx.msk [tilespmem:v1+s3+$0x0], $0xffff  }
0x17a: {  	v6 =	vadd.s32 $0x20, v0;
	v14 =	vld.idx.msk [tilespmem:v2+s3+$0x0], $0xffff;
	[tilespmem:v9+s15+$0x0] =	vst.idx.msk $0xffff, v7  }
0x17b: {  	v8 =	vadd.s32 $0x30, v0;
	v29 =	vld [tilespmem:$0x1FD70]  }
0x17c: {  	v13 =	vor.u32 v31, v10;
	v12 =	vadd.s32 $0x70, v0;
	v18 =	vadd.s32 $0x80, v0;
	v30 =	vld [tilespmem:$0x1FD80]  }
0x17d: {  	v16 =	vor.u32 v33, v10;
	v21 =	vadd.s32 $0x40, v18;
	v17 =	vld.idx.msk [tilespmem:v3+s3+$0x0], $0xffff  }
0x17e: {  	v60 =	vor.u32 $0x3F0, v61;
	v23 =	vadd.s32 $0x8, v4;
	v19 =	vor.u32 v32, v10;
	v22 =	vld.idx.msk [tilespmem:v5+s3+$0x0], $0xffff  }
0x17f: {  	v4 =	vshll.u32 v23, $0x8;
	v20 =	vor.u32 v28, v10;
	v24 =	vadd.s32 $0x60, v18;
	v25 =	vld.idx.msk [tilespmem:v6+s3+$0x0], $0xffff  }
0x180: {  	v26 =	vadd.s32 $0x50, v18;
	v0 =	vadd.s32 $0x70, v18;
	v7 =	vld.idx.msk [tilespmem:v8+s3+$0x0], $0xffff;
	v27 =	vor.u32 v29, v10  }
0x181: {  	v1 =	vadd.s32 $0x10, v18;
	v8 =	vmov v15;
	v9 =	vld.idx.msk [tilespmem:v12+s3+$0x0], $0xffff;
	[tilespmem:v13+s15+$0x0] =	vst.idx.msk $0xffff, v11;
	v15 =	vor.u32 v30, v10  }
0x182: {  	v2 =	vadd.s32 $0x20, v18;
	v3 =	vadd.s32 $0x30, v18;
	v12 =	vor.u32 v60, v10;
	[tilespmem:v16+s15+$0x0] =	vst.idx.msk $0xffff, v14;
	v11 =	vld.idx.msk [tilespmem:v21+s3+$0x0], $0xffff  }
0x183: {  	v5 =	vor.u32 v32, v4;
	v16 =	vor.u32 v8, v4;
	[tilespmem:v19+s15+$0x0] =	vst.idx.msk $0xffff, v17;
	v10 =	vld.idx.msk [tilespmem:v18+s3+$0x0], $0xffff  }
0x184: {  	v6 =	vor.u32 v28, v4;
	v17 =	vor.u32 v31, v4;
	v13 =	vld.idx.msk [tilespmem:v24+s3+$0x0], $0xffff;
	[tilespmem:v20+s15+$0x0] =	vst.idx.msk $0xffff, v22  }
0x185: {  	s23 =	simm.s32 $0x8;
	v14 =	vld.idx.msk [tilespmem:v26+s3+$0x0], $0xffff;
	v19 =	vor.u32 v33, v4;
	v20 =	vadd.s32 $0x8, v23;
	v18 =	vadd.s32 $0x80, v18;
	[tilespmem:v27+s15+$0x0] =	vst.idx.msk $0xffff, v25  }
.LBB2_17:
0x186: {  	v21 =	vadd.s32 $0x40, v18;
	v22 =	vadd.s32 $0x70, v18;
	s23 =	sadd.s32 $0x8, s23;
	v23 =	vld.idx.msk [tilespmem:v1+s3+$0x0], $0xffff;
	v1 =	vadd.s32 $0x10, v18;
	[tilespmem:v15+s15+$0x0] =	vst.idx.msk $0xffff, v7  }
0x187: {  	v24 =	vadd.s32 $0x50, v18;
	v25 =	vadd.s32 $0x60, v18;
	p1 =	slt.u32 s23, $0x78;
	v26 =	vld.idx.msk [tilespmem:v2+s3+$0x0], $0xffff;
	v2 =	vadd.s32 $0x20, v18;
	[tilespmem:v12+s15+$0x0] =	vst.idx.msk $0xffff, v9  }
0x188: {  	v27 =	vor.u32 v29, v4;
	[tilespmem:v16+s15+$0x0] =	vst.idx.msk $0xffff, v10;
	v7 =	vld.idx.msk [tilespmem:v3+s3+$0x0], $0xffff;
	v3 =	vadd.s32 $0x30, v18  }
.Ltmp9:
0x189: {  	v15 =	vor.u32 v30, v4;
	v12 =	vor.u32 v60, v4;
	[tilespmem:v17+s15+$0x0] =	vst.idx.msk $0xffff, v11;
	v9 =	vld.idx.msk [tilespmem:v0+s3+$0x0], $0xffff;
	(pc) =	sbr.rel @p1 .LBB2_17-.Ltmp9, $4  }
0x18a: {  	v4 =	vshll.u32 v20, $0x8;
	v0 =	vmov v22;
	v10 =	vld.idx.msk [tilespmem:v18+s3+$0x0], $0xffff;
	[tilespmem:v19+s15+$0x0] =	vst.idx.msk $0xffff, v13  }
0x18b: {  	v16 =	vor.u32 v8, v4;
	v11 =	vld.idx.msk [tilespmem:v21+s3+$0x0], $0xffff;
	[tilespmem:v5+s15+$0x0] =	vst.idx.msk $0xffff, v14;
	v5 =	vor.u32 v32, v4  }
0x18c: {  	v17 =	vor.u32 v31, v4;
	v13 =	vld.idx.msk [tilespmem:v25+s3+$0x0], $0xffff;
	[tilespmem:v6+s15+$0x0] =	vst.idx.msk $0xffff, v23;
	v6 =	vor.u32 v28, v4  }
0x18d: {  	v20 =	vadd.s32 $0x8, v20;
	v19 =	vor.u32 v33, v4;
	v18 =	vadd.s32 $0x80, v18;
	v14 =	vld.idx.msk [tilespmem:v24+s3+$0x0], $0xffff;
	[tilespmem:v27+s15+$0x0] =	vst.idx.msk $0xffff, v26  }
0x18e: {  	_ =	sdelay $0x3  }
0x18f: {  	[tilespmem:v15+s15+$0x0] =	vst.idx.msk $0xffff, v7  }
0x190: {  	v1 =	vld.idx.msk [tilespmem:v1+s3+$0x0], $0xffff;
	[tilespmem:v12+s15+$0x0] =	vst.idx.msk $0xffff, v9  }
0x191: {  	v2 =	vld.idx.msk [tilespmem:v2+s3+$0x0], $0xffff;
	v7 =	vor.u32 v29, v4;
	[tilespmem:v16+s15+$0x0] =	vst.idx.msk $0xffff, v10  }
0x192: {  	v3 =	vld.idx.msk [tilespmem:v3+s3+$0x0], $0xffff;
	v9 =	vor.u32 v30, v4;
	[tilespmem:v17+s15+$0x0] =	vst.idx.msk $0xffff, v11  }
0x193: {  	v0 =	vld.idx.msk [tilespmem:v0+s3+$0x0], $0xffff;
	v4 =	vor.u32 v60, v4;
	[tilespmem:v19+s15+$0x0] =	vst.idx.msk $0xffff, v13  }
0x194: {  	[tilespmem:v5+s15+$0x0] =	vst.idx.msk $0xffff, v14  }
0x195: {  	[tilespmem:v6+s15+$0x0] =	vst.idx.msk $0xffff, v1  }
0x196: {  	[tilespmem:v7+s15+$0x0] =	vst.idx.msk $0xffff, v2  }
0x197: {  	[tilespmem:v9+s15+$0x0] =	vst.idx.msk $0xffff, v3  }
0x198: {  	[tilespmem:v4+s15+$0x0] =	vst.idx.msk $0xffff, v0  }
0x199: {  	v0 =	vld [tilespmem:$0x3080];
	_ =	sdelay $0x4  }
0x19a: {  	v0 =	vshll.u32 v0, $0xB  }
0x19b: {  	v7 =	vor.u32 v61, v0  }
0x19c: {  	v1 =	vadd.s32 $0x70, v7  }
0x19d: {  	v9 =	vadd.s32 $0x40, v7  }
0x19e: {  	v8 =	vor.u32 $0x500, v61;
	v54 =	vor.u32 $0x680, v61;
	v11 =	vadd.s32 $0x20, v7  }
0x19f: {  	v58 =	vor.u32 $0x700, v61;
	v59 =	vor.u32 $0x480, v61;
	v15 =	vadd.s32 $0x30, v7  }
0x1a0: {  	v53 =	vor.u32 $0x780, v61;
	v62 =	vor.u32 $0x600, v61;
	v14 =	vadd.s32 $0x10, v7;
	v5 =	vld.idx.msk [tilespmem:v7+s3+$0x0], $0xffff  }
0x1a1: {  	v10 =	vor.u32 $0x580, v61;
	v3 =	vimm.s32 $0x0;
	v16 =	vadd.s32 $0x50, v7;
	v30 =	vld.idx.msk [tilespmem:v1+s3+$0x0], $0xffff  }
0x1a2: {  	v32 =	vshll.u32 v3, $0x8;
	v31 =	vadd.s32 $0x60, v7;
	v13 =	vld.idx.msk [tilespmem:v9+s3+$0x0], $0xffff;
	v9 =	vor.u32 $0x400, v61  }
0x1a3: {  	v23 =	vor.u32 v62, v32;
	v7 =	vadd.s32 $0x80, v7;
	v12 =	vld.idx.msk [tilespmem:v11+s3+$0x0], $0xffff;
	v29 =	vor.u32 v9, v32  }
0x1a4: {  	v17 =	vor.u32 v59, v32;
	v26 =	vor.u32 v53, v32;
	v11 =	vld.idx.msk [tilespmem:v15+s3+$0x0], $0xffff;
	v21 =	vadd.s32 $0x70, v7  }
0x1a5: {  	v28 =	vor.u32 v54, v32;
	v20 =	vor.u32 v8, v32;
	v25 =	vadd.s32 $0x40, v7;
	v24 =	vld.idx.msk [tilespmem:v14+s3+$0x0], $0xffff  }
0x1a6: {  	v18 =	vadd.s32 $0x50, v7;
	v15 =	vor.u32 v58, v32;
	v19 =	vadd.s32 $0x20, v7;
	v27 =	vld.idx.msk [tilespmem:v16+s3+$0x0], $0xffff  }
0x1a7: {  	s23 =	simm.s32 $0x8;
	v14 =	vadd.s32 $0x10, v7;
	v22 =	vadd.s32 $0x30, v7;
	v16 =	vor.u32 v10, v32;
	v31 =	vld.idx.msk [tilespmem:v31+s3+$0x0], $0xffff  }
.LBB2_19:
0x1a8: {  	s23 =	sadd.s32 $0x8, s23;
	v32 =	vadd.s32 $0x60, v7;
	[tilespmem:v29+s15+$0x0] =	vst.idx.msk $0xffff, v5;
	v5 =	vld.idx.msk [tilespmem:v7+s3+$0x0], $0xffff;
	v3 =	vadd.s32 $0x8, v3;
	v33 =	vmov v12  }
0x1a9: {  	v35 =	vmov v11;
	p1 =	slt.u32 s23, $0x78;
	v34 =	vld.idx.msk [tilespmem:v21+s3+$0x0], $0xffff;
	[tilespmem:v23+s15+$0x0] =	vst.idx.msk $0xffff, v13  }
0x1aa: {  	v7 =	vadd.s32 $0x80, v7;
	v13 =	vld.idx.msk [tilespmem:v25+s3+$0x0], $0xffff;
	[tilespmem:v26+s15+$0x0] =	vst.idx.msk $0xffff, v30;
	v30 =	vmov v18  }
0x1ab: {  	v36 =	vshll.u32 v3, $0x8;
	v12 =	vld.idx.msk [tilespmem:v19+s3+$0x0], $0xffff;
	[tilespmem:v17+s15+$0x0] =	vst.idx.msk $0xffff, v24  }
.Ltmp10:
0x1ac: {  	v29 =	vor.u32 v9, v36;
	v23 =	vor.u32 v62, v36;
	v11 =	vld.idx.msk [tilespmem:v22+s3+$0x0], $0xffff;
	[tilespmem:v28+s15+$0x0] =	vst.idx.msk $0xffff, v27;
	(pc) =	sbr.rel @p1 .LBB2_19-.Ltmp10, $4  }
0x1ad: {  	v21 =	vadd.s32 $0x70, v7;
	v26 =	vor.u32 v53, v36;
	v17 =	vor.u32 v59, v36;
	[tilespmem:v15+s15+$0x0] =	vst.idx.msk $0xffff, v31  }
0x1ae: {  	v25 =	vadd.s32 $0x40, v7;
	v18 =	vadd.s32 $0x50, v7;
	v15 =	vor.u32 v58, v36;
	v24 =	vld.idx.msk [tilespmem:v14+s3+$0x0], $0xffff;
	[tilespmem:v20+s15+$0x0] =	vst.idx.msk $0xffff, v33  }
0x1af: {  	v19 =	vadd.s32 $0x20, v7;
	v28 =	vor.u32 v54, v36;
	v14 =	vadd.s32 $0x10, v7;
	v27 =	vld.idx.msk [tilespmem:v30+s3+$0x0], $0xffff;
	[tilespmem:v16+s15+$0x0] =	vst.idx.msk $0xffff, v35  }
0x1b0: {  	v22 =	vadd.s32 $0x30, v7;
	v20 =	vor.u32 v8, v36;
	v16 =	vor.u32 v10, v36;
	v30 =	vmovc v34;
	v31 =	vld.idx.msk [tilespmem:v32+s3+$0x0], $0xffff  }
0x1b1: {  	_ =	sdelay $0x3  }
0x1b2: {  	[tilespmem:v29+s15+$0x0] =	vst.idx.msk $0xffff, v5  }
0x1b3: {  	v3 =	vadd.s32 $0x8, v3;
	[tilespmem:v23+s15+$0x0] =	vst.idx.msk $0xffff, v13  }
0x1b4: {  	[tilespmem:v26+s15+$0x0] =	vst.idx.msk $0xffff, v30;
	v3 =	vshll.u32 v3, $0x8  }
0x1b5: {  	v5 =	vld.idx.msk [tilespmem:v7+s3+$0x0], $0xffff;
	v7 =	vadd.s32 $0x60, v7;
	[tilespmem:v20+s15+$0x0] =	vst.idx.msk $0xffff, v12;
	v13 =	vor.u32 v9, v3  }
0x1b6: {  	[tilespmem:v17+s15+$0x0] =	vst.idx.msk $0xffff, v24;
	v17 =	vld.idx.msk [tilespmem:v25+s3+$0x0], $0xffff;
	v23 =	vor.u32 v62, v3  }
0x1b7: {  	v21 =	vld.idx.msk [tilespmem:v21+s3+$0x0], $0xffff;
	[tilespmem:v16+s15+$0x0] =	vst.idx.msk $0xffff, v11;
	v24 =	vor.u32 v53, v3  }
0x1b8: {  	v12 =	vld.idx.msk [tilespmem:v18+s3+$0x0], $0xffff;
	v18 =	vor.u32 v54, v3;
	[tilespmem:v28+s15+$0x0] =	vst.idx.msk $0xffff, v27  }
0x1b9: {  	v14 =	vld.idx.msk [tilespmem:v14+s3+$0x0], $0xffff;
	[tilespmem:v15+s15+$0x0] =	vst.idx.msk $0xffff, v31;
	v15 =	vor.u32 v59, v3  }
0x1ba: {  	v11 =	vor.u32 v58, v3;
	v7 =	vld.idx.msk [tilespmem:v7+s3+$0x0], $0xffff;
	[tilespmem:v13+s15+$0x0] =	vst.idx.msk $0xffff, v5  }
0x1bb: {  	v5 =	vld.idx.msk [tilespmem:v19+s3+$0x0], $0xffff;
	v13 =	vor.u32 v8, v3;
	[tilespmem:v23+s15+$0x0] =	vst.idx.msk $0xffff, v17  }
0x1bc: {  	v16 =	vld.idx.msk [tilespmem:v22+s3+$0x0], $0xffff;
	v3 =	vor.u32 v10, v3;
	[tilespmem:v24+s15+$0x0] =	vst.idx.msk $0xffff, v21  }
0x1bd: {  	[tilespmem:v18+s15+$0x0] =	vst.idx.msk $0xffff, v12  }
0x1be: {  	[tilespmem:v15+s15+$0x0] =	vst.idx.msk $0xffff, v14  }
0x1bf: {  	[tilespmem:v11+s15+$0x0] =	vst.idx.msk $0xffff, v7  }
0x1c0: {  	[tilespmem:v13+s15+$0x0] =	vst.idx.msk $0xffff, v5  }
0x1c1: {  	[tilespmem:v3+s15+$0x0] =	vst.idx.msk $0xffff, v16  }
0x1c2: {  	v3 =	vld [tilespmem:$0x3090];
	_ =	sdelay $0x4  }
0x1c3: {  	v3 =	vshll.u32 v3, $0xB  }
0x1c4: {  	v16 =	vor.u32 v61, v3  }
0x1c5: {  	v7 =	vadd.s32 $0x70, v16  }
0x1c6: {  	v17 =	vadd.s32 $0x40, v16  }
0x1c7: {  	v12 =	vimm.s32 $0x0;
	v18 =	vor.u32 $0x610, v61;
	v19 =	vadd.s32 $0x20, v16  }
0x1c8: {  	v40 =	vshll.u32 v12, $0x8;
	v15 =	vor.u32 $0x490, v61;
	v23 =	vadd.s32 $0x30, v16  }
0x1c9: {  	v31 =	vor.u32 v18, v40;
	v11 =	vor.u32 $0x690, v61;
	v22 =	vadd.s32 $0x10, v16;
	v14 =	vld.idx.msk [tilespmem:v16+s3+$0x0], $0xffff  }
0x1ca: {  	v25 =	vor.u32 v15, v40;
	v36 =	vor.u32 v11, v40;
	v24 =	vadd.s32 $0x50, v16;
	v38 =	vld.idx.msk [tilespmem:v7+s3+$0x0], $0xffff  }
0x1cb: {  	v5 =	vor.u32 $0x510, v61;
	v39 =	vadd.s32 $0x60, v16;
	v21 =	vld.idx.msk [tilespmem:v17+s3+$0x0], $0xffff;
	v17 =	vor.u32 $0x410, v61  }
0x1cc: {  	v3 =	vor.u32 $0x590, v61;
	v16 =	vadd.s32 $0x80, v16;
	v20 =	vld.idx.msk [tilespmem:v19+s3+$0x0], $0xffff;
	v37 =	vor.u32 v17, v40  }
0x1cd: {  	v13 =	vor.u32 $0x710, v61;
	v7 =	vmovc v3;
	v3 =	vor.u32 $0x790, v61;
	v19 =	vld.idx.msk [tilespmem:v23+s3+$0x0], $0xffff;
	v29 =	vadd.s32 $0x70, v16  }
0x1ce: {  	v28 =	vor.u32 v5, v40;
	v33 =	vadd.s32 $0x40, v16;
	v32 =	vld.idx.msk [tilespmem:v22+s3+$0x0], $0xffff;
	v34 =	vor.u32 v3, v40  }
0x1cf: {  	v26 =	vadd.s32 $0x50, v16;
	v23 =	vor.u32 v13, v40;
	v27 =	vadd.s32 $0x20, v16;
	v35 =	vld.idx.msk [tilespmem:v24+s3+$0x0], $0xffff  }
0x1d0: {  	s23 =	simm.s32 $0x8;
	v22 =	vadd.s32 $0x10, v16;
	v30 =	vadd.s32 $0x30, v16;
	v39 =	vld.idx.msk [tilespmem:v39+s3+$0x0], $0xffff;
	v24 =	vor.u32 v7, v40  }
.LBB2_21:
0x1d1: {  	s23 =	sadd.s32 $0x8, s23;
	v40 =	vadd.s32 $0x60, v16;
	[tilespmem:v37+s15+$0x0] =	vst.idx.msk $0xffff, v14;
	v14 =	vld.idx.msk [tilespmem:v16+s3+$0x0], $0xffff;
	v12 =	vadd.s32 $0x8, v12;
	v41 =	vmov v20  }
0x1d2: {  	v43 =	vmov v19;
	p1 =	slt.u32 s23, $0x78;
	v42 =	vld.idx.msk [tilespmem:v29+s3+$0x0], $0xffff;
	[tilespmem:v31+s15+$0x0] =	vst.idx.msk $0xffff, v21  }
0x1d3: {  	v16 =	vadd.s32 $0x80, v16;
	v21 =	vld.idx.msk [tilespmem:v33+s3+$0x0], $0xffff;
	[tilespmem:v34+s15+$0x0] =	vst.idx.msk $0xffff, v38;
	v38 =	vmov v26  }
0x1d4: {  	v44 =	vshll.u32 v12, $0x8;
	v20 =	vld.idx.msk [tilespmem:v27+s3+$0x0], $0xffff;
	[tilespmem:v25+s15+$0x0] =	vst.idx.msk $0xffff, v32  }
.Ltmp11:
0x1d5: {  	v37 =	vor.u32 v17, v44;
	v31 =	vor.u32 v18, v44;
	v19 =	vld.idx.msk [tilespmem:v30+s3+$0x0], $0xffff;
	[tilespmem:v36+s15+$0x0] =	vst.idx.msk $0xffff, v35;
	(pc) =	sbr.rel @p1 .LBB2_21-.Ltmp11, $4  }
0x1d6: {  	v29 =	vadd.s32 $0x70, v16;
	v34 =	vor.u32 v3, v44;
	v25 =	vor.u32 v15, v44;
	[tilespmem:v23+s15+$0x0] =	vst.idx.msk $0xffff, v39  }
0x1d7: {  	v33 =	vadd.s32 $0x40, v16;
	v26 =	vadd.s32 $0x50, v16;
	v23 =	vor.u32 v13, v44;
	v32 =	vld.idx.msk [tilespmem:v22+s3+$0x0], $0xffff;
	[tilespmem:v28+s15+$0x0] =	vst.idx.msk $0xffff, v41  }
0x1d8: {  	v27 =	vadd.s32 $0x20, v16;
	v36 =	vor.u32 v11, v44;
	v22 =	vadd.s32 $0x10, v16;
	v35 =	vld.idx.msk [tilespmem:v38+s3+$0x0], $0xffff;
	[tilespmem:v24+s15+$0x0] =	vst.idx.msk $0xffff, v43  }
0x1d9: {  	v30 =	vadd.s32 $0x30, v16;
	v28 =	vor.u32 v5, v44;
	v24 =	vor.u32 v7, v44;
	v38 =	vmovc v42;
	v39 =	vld.idx.msk [tilespmem:v40+s3+$0x0], $0xffff  }
0x1da: {  	_ =	sdelay $0x3  }
0x1db: {  	[tilespmem:v37+s15+$0x0] =	vst.idx.msk $0xffff, v14  }
0x1dc: {  	v12 =	vadd.s32 $0x8, v12;
	[tilespmem:v31+s15+$0x0] =	vst.idx.msk $0xffff, v21  }
0x1dd: {  	[tilespmem:v34+s15+$0x0] =	vst.idx.msk $0xffff, v38;
	v12 =	vshll.u32 v12, $0x8  }
0x1de: {  	v14 =	vld.idx.msk [tilespmem:v16+s3+$0x0], $0xffff;
	v16 =	vadd.s32 $0x60, v16;
	[tilespmem:v28+s15+$0x0] =	vst.idx.msk $0xffff, v20;
	v21 =	vor.u32 v17, v12  }
0x1df: {  	[tilespmem:v25+s15+$0x0] =	vst.idx.msk $0xffff, v32;
	v25 =	vld.idx.msk [tilespmem:v33+s3+$0x0], $0xffff;
	v31 =	vor.u32 v18, v12  }
0x1e0: {  	v29 =	vld.idx.msk [tilespmem:v29+s3+$0x0], $0xffff;
	[tilespmem:v24+s15+$0x0] =	vst.idx.msk $0xffff, v19;
	v57 =	vor.u32 v3, v12  }
0x1e1: {  	v20 =	vld.idx.msk [tilespmem:v26+s3+$0x0], $0xffff;
	v26 =	vor.u32 v11, v12;
	[tilespmem:v36+s15+$0x0] =	vst.idx.msk $0xffff, v35  }
0x1e2: {  	v22 =	vld.idx.msk [tilespmem:v22+s3+$0x0], $0xffff;
	[tilespmem:v23+s15+$0x0] =	vst.idx.msk $0xffff, v39;
	v23 =	vor.u32 v15, v12  }
0x1e3: {  	v19 =	vor.u32 v13, v12;
	v16 =	vld.idx.msk [tilespmem:v16+s3+$0x0], $0xffff;
	[tilespmem:v21+s15+$0x0] =	vst.idx.msk $0xffff, v14  }
0x1e4: {  	v14 =	vld.idx.msk [tilespmem:v27+s3+$0x0], $0xffff;
	v21 =	vor.u32 v5, v12;
	[tilespmem:v31+s15+$0x0] =	vst.idx.msk $0xffff, v25  }
0x1e5: {  	v24 =	vld.idx.msk [tilespmem:v30+s3+$0x0], $0xffff;
	v12 =	vor.u32 v7, v12;
	[tilespmem:v57+s15+$0x0] =	vst.idx.msk $0xffff, v29  }
0x1e6: {  	[tilespmem:v26+s15+$0x0] =	vst.idx.msk $0xffff, v20  }
0x1e7: {  	[tilespmem:v23+s15+$0x0] =	vst.idx.msk $0xffff, v22  }
0x1e8: {  	[tilespmem:v19+s15+$0x0] =	vst.idx.msk $0xffff, v16  }
0x1e9: {  	[tilespmem:v21+s15+$0x0] =	vst.idx.msk $0xffff, v14  }
0x1ea: {  	[tilespmem:v12+s15+$0x0] =	vst.idx.msk $0xffff, v24  }
0x1eb: {  	v12 =	vld [tilespmem:$0x30A0];
	_ =	sdelay $0x4  }
0x1ec: {  	v12 =	vshll.u32 v12, $0xB  }
0x1ed: {  	v24 =	vor.u32 v61, v12  }
0x1ee: {  	v16 =	vadd.s32 $0x70, v24  }
0x1ef: {  	v25 =	vadd.s32 $0x40, v24  }
0x1f0: {  	v20 =	vimm.s32 $0x0;
	v26 =	vor.u32 $0x620, v61;
	v27 =	vadd.s32 $0x20, v24  }
0x1f1: {  	v48 =	vshll.u32 v20, $0x8;
	v23 =	vor.u32 $0x4A0, v61;
	v31 =	vadd.s32 $0x30, v24  }
0x1f2: {  	v39 =	vor.u32 v26, v48;
	v19 =	vor.u32 $0x6A0, v61;
	v30 =	vadd.s32 $0x10, v24;
	v22 =	vld.idx.msk [tilespmem:v24+s3+$0x0], $0xffff  }
0x1f3: {  	v33 =	vor.u32 v23, v48;
	v44 =	vor.u32 v19, v48;
	v63 =	vadd.s32 $0x50, v24;
	v46 =	vld.idx.msk [tilespmem:v16+s3+$0x0], $0xffff  }
0x1f4: {  	v14 =	vor.u32 $0x5A0, v61;
	v47 =	vadd.s32 $0x60, v24;
	v29 =	vld.idx.msk [tilespmem:v25+s3+$0x0], $0xffff;
	v25 =	vor.u32 $0x420, v61  }
0x1f5: {  	v21 =	vor.u32 $0x720, v61;
	v24 =	vadd.s32 $0x80, v24;
	v28 =	vld.idx.msk [tilespmem:v27+s3+$0x0], $0xffff;
	v45 =	vor.u32 v25, v48  }
0x1f6: {  	v32 =	vor.u32 v14, v48;
	v16 =	vor.u32 $0x7A0, v61;
	v27 =	vld.idx.msk [tilespmem:v31+s3+$0x0], $0xffff;
	v37 =	vadd.s32 $0x70, v24  }
0x1f7: {  	v12 =	vor.u32 $0x520, v61;
	v41 =	vadd.s32 $0x40, v24;
	v40 =	vld.idx.msk [tilespmem:v30+s3+$0x0], $0xffff;
	v42 =	vor.u32 v16, v48  }
0x1f8: {  	v36 =	vor.u32 v12, v48;
	v34 =	vadd.s32 $0x50, v24;
	v35 =	vadd.s32 $0x20, v24;
	v43 =	vld.idx.msk [tilespmem:v63+s3+$0x0], $0xffff  }
0x1f9: {  	s23 =	simm.s32 $0x8;
	v31 =	vor.u32 v21, v48;
	v30 =	vadd.s32 $0x10, v24;
	v38 =	vadd.s32 $0x30, v24;
	v47 =	vld.idx.msk [tilespmem:v47+s3+$0x0], $0xffff  }
.LBB2_23:
0x1fa: {  	s23 =	sadd.s32 $0x8, s23;
	v48 =	vadd.s32 $0x60, v24;
	[tilespmem:v45+s15+$0x0] =	vst.idx.msk $0xffff, v22;
	v22 =	vld.idx.msk [tilespmem:v24+s3+$0x0], $0xffff;
	v20 =	vadd.s32 $0x8, v20;
	v49 =	vmov v28  }
0x1fb: {  	v51 =	vmov v27;
	p1 =	slt.u32 s23, $0x78;
	v50 =	vld.idx.msk [tilespmem:v37+s3+$0x0], $0xffff;
	[tilespmem:v39+s15+$0x0] =	vst.idx.msk $0xffff, v29  }
0x1fc: {  	v24 =	vadd.s32 $0x80, v24;
	v29 =	vld.idx.msk [tilespmem:v41+s3+$0x0], $0xffff;
	[tilespmem:v42+s15+$0x0] =	vst.idx.msk $0xffff, v46;
	v46 =	vmov v34  }
0x1fd: {  	v52 =	vshll.u32 v20, $0x8;
	v28 =	vld.idx.msk [tilespmem:v35+s3+$0x0], $0xffff;
	[tilespmem:v33+s15+$0x0] =	vst.idx.msk $0xffff, v40  }
.Ltmp12:
0x1fe: {  	v45 =	vor.u32 v25, v52;
	v39 =	vor.u32 v26, v52;
	v27 =	vld.idx.msk [tilespmem:v38+s3+$0x0], $0xffff;
	[tilespmem:v44+s15+$0x0] =	vst.idx.msk $0xffff, v43;
	(pc) =	sbr.rel @p1 .LBB2_23-.Ltmp12, $4  }
0x1ff: {  	v37 =	vadd.s32 $0x70, v24;
	v42 =	vor.u32 v16, v52;
	v33 =	vor.u32 v23, v52;
	[tilespmem:v31+s15+$0x0] =	vst.idx.msk $0xffff, v47  }
0x200: {  	v41 =	vadd.s32 $0x40, v24;
	v34 =	vadd.s32 $0x50, v24;
	v31 =	vor.u32 v21, v52;
	v40 =	vld.idx.msk [tilespmem:v30+s3+$0x0], $0xffff;
	[tilespmem:v36+s15+$0x0] =	vst.idx.msk $0xffff, v49  }
0x201: {  	v35 =	vadd.s32 $0x20, v24;
	v44 =	vor.u32 v19, v52;
	v30 =	vadd.s32 $0x10, v24;
	v43 =	vld.idx.msk [tilespmem:v46+s3+$0x0], $0xffff;
	[tilespmem:v32+s15+$0x0] =	vst.idx.msk $0xffff, v51  }
0x202: {  	v38 =	vadd.s32 $0x30, v24;
	v36 =	vor.u32 v12, v52;
	v32 =	vor.u32 v14, v52;
	v46 =	vmovc v50;
	v47 =	vld.idx.msk [tilespmem:v48+s3+$0x0], $0xffff  }
0x203: {  	[tilespmem:$0x1FBA0] =	vst v62  }
0x204: {  	[tilespmem:$0x1FBB0] =	vst v9  }
0x205: {  	[tilespmem:$0x1FBC0] =	vst v60  }
0x206: {  	[tilespmem:$0x1FBD0] =	vst v3  }
0x207: {  	[tilespmem:$0x1FBE0] =	vst v59  }
0x208: {  	[tilespmem:$0x1FBF0] =	vst v58  }
0x209: {  	[tilespmem:$0x1FC00] =	vst v54  }
0x20a: {  	[tilespmem:$0x1FC10] =	vst v53  }
0x20b: {  	[tilespmem:v45+s15+$0x0] =	vst.idx.msk $0xffff, v22  }
0x20c: {  	v20 =	vadd.s32 $0x8, v20;
	[tilespmem:v39+s15+$0x0] =	vst.idx.msk $0xffff, v29  }
0x20d: {  	[tilespmem:v42+s15+$0x0] =	vst.idx.msk $0xffff, v46;
	v20 =	vshll.u32 v20, $0x8  }
0x20e: {  	v22 =	vld.idx.msk [tilespmem:v24+s3+$0x0], $0xffff;
	v24 =	vadd.s32 $0x60, v24;
	[tilespmem:v36+s15+$0x0] =	vst.idx.msk $0xffff, v28;
	v29 =	vor.u32 v25, v20  }
0x20f: {  	v58 =	vld.idx.msk [tilespmem:v41+s3+$0x0], $0xffff;
	[tilespmem:v32+s15+$0x0] =	vst.idx.msk $0xffff, v27;
	v59 =	vor.u32 v26, v20  }
0x210: {  	v37 =	vld.idx.msk [tilespmem:v37+s3+$0x0], $0xffff;
	[tilespmem:v33+s15+$0x0] =	vst.idx.msk $0xffff, v40;
	v60 =	vor.u32 v16, v20  }
0x211: {  	v28 =	vld.idx.msk [tilespmem:v34+s3+$0x0], $0xffff;
	v62 =	vor.u32 v19, v20;
	[tilespmem:v44+s15+$0x0] =	vst.idx.msk $0xffff, v43  }
0x212: {  	v30 =	vld.idx.msk [tilespmem:v30+s3+$0x0], $0xffff;
	[tilespmem:v31+s15+$0x0] =	vst.idx.msk $0xffff, v47;
	v31 =	vor.u32 v23, v20  }
0x213: {  	v27 =	vor.u32 v21, v20;
	v24 =	vld.idx.msk [tilespmem:v24+s3+$0x0], $0xffff;
	[tilespmem:v29+s15+$0x0] =	vst.idx.msk $0xffff, v22  }
0x214: {  	v22 =	vld.idx.msk [tilespmem:v35+s3+$0x0], $0xffff;
	v29 =	vor.u32 v12, v20;
	[tilespmem:v59+s15+$0x0] =	vst.idx.msk $0xffff, v58  }
0x215: {  	v63 =	vld.idx.msk [tilespmem:v38+s3+$0x0], $0xffff;
	v20 =	vor.u32 v14, v20;
	[tilespmem:v60+s15+$0x0] =	vst.idx.msk $0xffff, v37  }
0x216: {  	[tilespmem:v62+s15+$0x0] =	vst.idx.msk $0xffff, v28  }
0x217: {  	[tilespmem:v31+s15+$0x0] =	vst.idx.msk $0xffff, v30  }
0x218: {  	[tilespmem:v27+s15+$0x0] =	vst.idx.msk $0xffff, v24  }
0x219: {  	[tilespmem:v29+s15+$0x0] =	vst.idx.msk $0xffff, v22  }
0x21a: {  	[tilespmem:v20+s15+$0x0] =	vst.idx.msk $0xffff, v63  }
0x21b: {  	v20 =	vld [tilespmem:$0x30B0];
	_ =	sdelay $0x4  }
0x21c: {  	v20 =	vshll.u32 v20, $0xB  }
0x21d: {  	v0 =	vor.u32 v61, v20  }
0x21e: {  	v24 =	vadd.s32 $0x70, v0  }
0x21f: {  	v1 =	vadd.s32 $0x40, v0  }
0x220: {  	v34 =	vor.u32 $0x630, v61;
	v28 =	vimm.s32 $0x0;
	v60 =	vadd.s32 $0x20, v0  }
0x221: {  	v33 =	vor.u32 $0x430, v61;
	v56 =	vshll.u32 v28, $0x8;
	v63 =	vadd.s32 $0x30, v0  }
0x222: {  	v31 =	vor.u32 $0x4B0, v61;
	v53 =	vor.u32 v33, v56;
	v62 =	vadd.s32 $0x10, v0;
	v30 =	vld.idx.msk [tilespmem:v0+s3+$0x0], $0xffff  }
0x223: {  	v47 =	vor.u32 v34, v56;
	v41 =	vor.u32 v31, v56;
	v2 =	vadd.s32 $0x50, v0;
	v54 =	vld.idx.msk [tilespmem:v24+s3+$0x0], $0xffff  }
0x224: {  	v27 =	vor.u32 $0x6B0, v61;
	v22 =	vor.u32 $0x5B0, v61;
	v55 =	vadd.s32 $0x60, v0;
	v37 =	vld.idx.msk [tilespmem:v1+s3+$0x0], $0xffff  }
0x225: {  	v29 =	vor.u32 $0x730, v61;
	v52 =	vor.u32 v27, v56;
	v32 =	vadd.s32 $0x80, v0;
	v36 =	vld.idx.msk [tilespmem:v60+s3+$0x0], $0xffff  }
0x226: {  	v39 =	vor.u32 v29, v56;
	v45 =	vadd.s32 $0x70, v32;
	v24 =	vor.u32 $0x7B0, v61;
	v35 =	vld.idx.msk [tilespmem:v63+s3+$0x0], $0xffff  }
0x227: {  	v20 =	vor.u32 $0x530, v61;
	v49 =	vadd.s32 $0x40, v32;
	v48 =	vld.idx.msk [tilespmem:v62+s3+$0x0], $0xffff;
	v50 =	vor.u32 v24, v56  }
0x228: {  	v40 =	vor.u32 v22, v56;
	v44 =	vor.u32 v20, v56;
	v43 =	vadd.s32 $0x20, v32;
	v51 =	vld.idx.msk [tilespmem:v2+s3+$0x0], $0xffff  }
0x229: {  	s23 =	simm.s32 $0x8;
	v42 =	vadd.s32 $0x50, v32;
	v38 =	vadd.s32 $0x10, v32;
	v46 =	vadd.s32 $0x30, v32;
	v55 =	vld.idx.msk [tilespmem:v55+s3+$0x0], $0xffff  }
.LBB2_25:
0x22a: {  	s23 =	sadd.s32 $0x8, s23;
	v56 =	vadd.s32 $0x60, v32;
	[tilespmem:v53+s15+$0x0] =	vst.idx.msk $0xffff, v30;
	v30 =	vld.idx.msk [tilespmem:v32+s3+$0x0], $0xffff;
	v28 =	vadd.s32 $0x8, v28;
	v57 =	vmov v36  }
0x22b: {  	v59 =	vmov v35;
	p1 =	slt.u32 s23, $0x78;
	v58 =	vld.idx.msk [tilespmem:v45+s3+$0x0], $0xffff;
	[tilespmem:v47+s15+$0x0] =	vst.idx.msk $0xffff, v37  }
0x22c: {  	v32 =	vadd.s32 $0x80, v32;
	v37 =	vld.idx.msk [tilespmem:v49+s3+$0x0], $0xffff;
	[tilespmem:v50+s15+$0x0] =	vst.idx.msk $0xffff, v54;
	v54 =	vmov v42  }
0x22d: {  	v60 =	vshll.u32 v28, $0x8;
	v36 =	vld.idx.msk [tilespmem:v43+s3+$0x0], $0xffff;
	[tilespmem:v41+s15+$0x0] =	vst.idx.msk $0xffff, v48  }
.Ltmp13:
0x22e: {  	v53 =	vor.u32 v33, v60;
	v47 =	vor.u32 v34, v60;
	v35 =	vld.idx.msk [tilespmem:v46+s3+$0x0], $0xffff;
	[tilespmem:v52+s15+$0x0] =	vst.idx.msk $0xffff, v51;
	(pc) =	sbr.rel @p1 .LBB2_25-.Ltmp13, $4  }
0x22f: {  	v45 =	vadd.s32 $0x70, v32;
	v50 =	vor.u32 v24, v60;
	v41 =	vor.u32 v31, v60;
	[tilespmem:v39+s15+$0x0] =	vst.idx.msk $0xffff, v55  }
0x230: {  	v49 =	vadd.s32 $0x40, v32;
	v42 =	vadd.s32 $0x50, v32;
	v39 =	vor.u32 v29, v60;
	v48 =	vld.idx.msk [tilespmem:v38+s3+$0x0], $0xffff;
	[tilespmem:v44+s15+$0x0] =	vst.idx.msk $0xffff, v57  }
0x231: {  	v43 =	vadd.s32 $0x20, v32;
	v52 =	vor.u32 v27, v60;
	v38 =	vadd.s32 $0x10, v32;
	v51 =	vld.idx.msk [tilespmem:v54+s3+$0x0], $0xffff;
	[tilespmem:v40+s15+$0x0] =	vst.idx.msk $0xffff, v59  }
0x232: {  	v46 =	vadd.s32 $0x30, v32;
	v44 =	vor.u32 v20, v60;
	v40 =	vor.u32 v22, v60;
	v54 =	vmovc v58;
	v55 =	vld.idx.msk [tilespmem:v56+s3+$0x0], $0xffff  }
0x233: {  	_ =	sdelay $0x3  }
0x234: {  	[tilespmem:v53+s15+$0x0] =	vst.idx.msk $0xffff, v30  }
0x235: {  	v28 =	vadd.s32 $0x8, v28;
	[tilespmem:v47+s15+$0x0] =	vst.idx.msk $0xffff, v37  }
0x236: {  	[tilespmem:v50+s15+$0x0] =	vst.idx.msk $0xffff, v54;
	v28 =	vshll.u32 v28, $0x8  }
0x237: {  	v30 =	vld.idx.msk [tilespmem:v32+s3+$0x0], $0xffff;
	[tilespmem:v44+s15+$0x0] =	vst.idx.msk $0xffff, v36;
	v63 =	vor.u32 v33, v28  }
0x238: {  	v62 =	vadd.s32 $0x60, v32;
	v0 =	vld.idx.msk [tilespmem:v49+s3+$0x0], $0xffff;
	[tilespmem:v40+s15+$0x0] =	vst.idx.msk $0xffff, v35;
	v1 =	vor.u32 v34, v28  }
0x239: {  	v45 =	vld.idx.msk [tilespmem:v45+s3+$0x0], $0xffff;
	[tilespmem:v41+s15+$0x0] =	vst.idx.msk $0xffff, v48;
	v2 =	vor.u32 v24, v28  }
0x23a: {  	v38 =	vld.idx.msk [tilespmem:v38+s3+$0x0], $0xffff;
	v50 =	vor.u32 v31, v28;
	[tilespmem:v52+s15+$0x0] =	vst.idx.msk $0xffff, v51  }
0x23b: {  	v53 =	vor.u32 v29, v28;
	v51 =	vld.idx.msk [tilespmem:v42+s3+$0x0], $0xffff;
	v52 =	vor.u32 v27, v28;
	[tilespmem:v39+s15+$0x0] =	vst.idx.msk $0xffff, v55  }
0x23c: {  	v54 =	vor.u32 v20, v28;
	v28 =	vor.u32 v22, v28;
	v55 =	vld.idx.msk [tilespmem:v46+s3+$0x0], $0xffff;
	[tilespmem:v63+s15+$0x0] =	vst.idx.msk $0xffff, v30  }
0x23d: {  	v32 =	vld.idx.msk [tilespmem:v62+s3+$0x0], $0xffff;
	[tilespmem:v1+s15+$0x0] =	vst.idx.msk $0xffff, v0  }
0x23e: {  	v30 =	vld.idx.msk [tilespmem:v43+s3+$0x0], $0xffff;
	[tilespmem:v2+s15+$0x0] =	vst.idx.msk $0xffff, v45  }
0x23f: {  	[tilespmem:v50+s15+$0x0] =	vst.idx.msk $0xffff, v38  }
0x240: {  	[tilespmem:v52+s15+$0x0] =	vst.idx.msk $0xffff, v51  }
0x241: {  	[tilespmem:v28+s15+$0x0] =	vst.idx.msk $0xffff, v55  }
0x242: {  	[tilespmem:v53+s15+$0x0] =	vst.idx.msk $0xffff, v32  }
0x243: {  	[tilespmem:v54+s15+$0x0] =	vst.idx.msk $0xffff, v30  }
0x244: {  	v28 =	vld [tilespmem:$0x30C0];
	_ =	sdelay $0x4  }
0x245: {  	v28 =	vshll.u32 v28, $0xB  }
0x246: {  	v42 =	vor.u32 v61, v28  }
0x247: {  	v56 =	vadd.s32 $0x70, v42  }
0x248: {  	v40 =	vimm.s32 $0x0;
	v57 =	vadd.s32 $0x40, v42  }
0x249: {  	v0 =	vlaneseq.u32;
	v2 =	vshll.u32 v40, $0x8;
	v58 =	vadd.s32 $0x20, v42  }
0x24a: {  	v35 =	vor.u32 $0x6C0, v0;
	v36 =	vor.u32 $0x740, v0;
	v59 =	vadd.s32 $0x30, v42  }
0x24b: {  	v37 =	vor.u32 $0x4C0, v0;
	v39 =	vor.u32 $0x640, v0;
	v46 =	vadd.s32 $0x10, v42;
	v41 =	vld.idx.msk [tilespmem:v42+s3+$0x0], $0xff  }
0x24c: {  	v38 =	vor.u32 $0x440, v0;
	v55 =	vor.u32 v39, v2;
	v52 =	vadd.s32 $0x50, v42;
	v62 =	vld.idx.msk [tilespmem:v56+s3+$0x0], $0xff  }
0x24d: {  	v49 =	vor.u32 v37, v2;
	v47 =	vor.u32 v36, v2;
	v63 =	vadd.s32 $0x60, v42;
	v45 =	vld.idx.msk [tilespmem:v57+s3+$0x0], $0xff  }
0x24e: {  	v28 =	vor.u32 $0x540, v61;
	v61 =	vor.u32 v38, v2;
	v42 =	vadd.s32 $0x80, v42;
	v44 =	vld.idx.msk [tilespmem:v58+s3+$0x0], $0xff  }
0x24f: {  	v60 =	vor.u32 v35, v2;
	v32 =	vor.u32 $0x7C0, v0;
	v43 =	vld.idx.msk [tilespmem:v59+s3+$0x0], $0xff;
	v53 =	vadd.s32 $0x70, v42  }
0x250: {  	v30 =	vor.u32 $0x5C0, v0;
	v58 =	vor.u32 v32, v2;
	v57 =	vadd.s32 $0x40, v42;
	v56 =	vld.idx.msk [tilespmem:v46+s3+$0x0], $0xff  }
0x251: {  	v48 =	vor.u32 v30, v2;
	v50 =	vadd.s32 $0x50, v42;
	v51 =	vadd.s32 $0x20, v42;
	v59 =	vld.idx.msk [tilespmem:v52+s3+$0x0], $0xff  }
0x252: {  	s23 =	simm.s32 $0x8;
	v46 =	vadd.s32 $0x10, v42;
	v54 =	vadd.s32 $0x30, v42;
	v52 =	vor.u32 v28, v2;
	v63 =	vld.idx.msk [tilespmem:v63+s3+$0x0], $0xff  }
.LBB2_27:
0x253: {  	s23 =	sadd.s32 $0x8, s23;
	v0 =	vadd.s32 $0x60, v42;
	[tilespmem:v61+s15+$0x0] =	vst.idx.msk $0xff, v41;
	v41 =	vld.idx.msk [tilespmem:v42+s3+$0x0], $0xff;
	v40 =	vadd.s32 $0x8, v40;
	v1 =	vmov v44  }
0x254: {  	v3 =	vmov v43;
	p1 =	slt.u32 s23, $0x78;
	v2 =	vld.idx.msk [tilespmem:v53+s3+$0x0], $0xff;
	[tilespmem:v55+s15+$0x0] =	vst.idx.msk $0xff, v45  }
0x255: {  	v42 =	vadd.s32 $0x80, v42;
	v45 =	vld.idx.msk [tilespmem:v57+s3+$0x0], $0xff;
	[tilespmem:v58+s15+$0x0] =	vst.idx.msk $0xff, v62;
	v62 =	vmov v50  }
0x256: {  	v4 =	vshll.u32 v40, $0x8;
	v44 =	vld.idx.msk [tilespmem:v51+s3+$0x0], $0xff;
	[tilespmem:v49+s15+$0x0] =	vst.idx.msk $0xff, v56  }
.Ltmp14:
0x257: {  	v61 =	vor.u32 v38, v4;
	v55 =	vor.u32 v39, v4;
	v43 =	vld.idx.msk [tilespmem:v54+s3+$0x0], $0xff;
	[tilespmem:v60+s15+$0x0] =	vst.idx.msk $0xff, v59;
	(pc) =	sbr.rel @p1 .LBB2_27-.Ltmp14, $4  }
0x258: {  	v53 =	vadd.s32 $0x70, v42;
	v58 =	vor.u32 v32, v4;
	v49 =	vor.u32 v37, v4;
	[tilespmem:v47+s15+$0x0] =	vst.idx.msk $0xff, v63  }
0x259: {  	v57 =	vadd.s32 $0x40, v42;
	v50 =	vadd.s32 $0x50, v42;
	v47 =	vor.u32 v36, v4;
	v56 =	vld.idx.msk [tilespmem:v46+s3+$0x0], $0xff;
	[tilespmem:v52+s15+$0x0] =	vst.idx.msk $0xff, v1  }
0x25a: {  	v51 =	vadd.s32 $0x20, v42;
	v60 =	vor.u32 v35, v4;
	v46 =	vadd.s32 $0x10, v42;
	v59 =	vld.idx.msk [tilespmem:v62+s3+$0x0], $0xff;
	[tilespmem:v48+s15+$0x0] =	vst.idx.msk $0xff, v3  }
0x25b: {  	v54 =	vadd.s32 $0x30, v42;
	v52 =	vor.u32 v28, v4;
	v48 =	vor.u32 v30, v4;
	v62 =	vmovc v2;
	v63 =	vld.idx.msk [tilespmem:v0+s3+$0x0], $0xff  }
0x25c: {  	_ =	sdelay $0x3  }
0x25d: {  	[tilespmem:v61+s15+$0x0] =	vst.idx.msk $0xff, v41  }
0x25e: {  	v0 =	vadd.s32 $0x8, v40;
	[tilespmem:v55+s15+$0x0] =	vst.idx.msk $0xff, v45  }
0x25f: {  	[tilespmem:v58+s15+$0x0] =	vst.idx.msk $0xff, v62;
	v0 =	vshll.u32 v0, $0x8  }
0x260: {  	v1 =	vld.idx.msk [tilespmem:v42+s3+$0x0], $0xff;
	[tilespmem:v52+s15+$0x0] =	vst.idx.msk $0xff, v44;
	v3 =	vor.u32 v38, v0  }
0x261: {  	v4 =	vld.idx.msk [tilespmem:v57+s3+$0x0], $0xff;
	[tilespmem:v49+s15+$0x0] =	vst.idx.msk $0xff, v56;
	v49 =	vor.u32 v39, v0  }
0x262: {  	v2 =	vadd.s32 $0x60, v42;
	v55 =	vld.idx.msk [tilespmem:v53+s3+$0x0], $0xff;
	[tilespmem:v48+s15+$0x0] =	vst.idx.msk $0xff, v43;
	v56 =	vor.u32 v32, v0  }
0x263: {  	v46 =	vld.idx.msk [tilespmem:v46+s3+$0x0], $0xff;
	v57 =	vor.u32 v37, v0;
	[tilespmem:v60+s15+$0x0] =	vst.idx.msk $0xff, v59  }
0x264: {  	v61 =	vld.idx.msk [tilespmem:v51+s3+$0x0], $0xff;
	v62 =	vor.u32 v28, v0;
	[tilespmem:v47+s15+$0x0] =	vst.idx.msk $0xff, v63  }
0x265: {  	v58 =	vld.idx.msk [tilespmem:v50+s3+$0x0], $0xff;
	v59 =	vor.u32 v35, v0;
	[tilespmem:v3+s15+$0x0] =	vst.idx.msk $0xff, v1  }
0x266: {  	v60 =	vor.u32 v36, v0;
	v0 =	vor.u32 v30, v0;
	v63 =	vld.idx.msk [tilespmem:v54+s3+$0x0], $0xff;
	[tilespmem:v49+s15+$0x0] =	vst.idx.msk $0xff, v4  }
0x267: {  	v2 =	vld.idx.msk [tilespmem:v2+s3+$0x0], $0xff;
	[tilespmem:v56+s15+$0x0] =	vst.idx.msk $0xff, v55  }
0x268: {  	[tilespmem:v57+s15+$0x0] =	vst.idx.msk $0xff, v46  }
0x269: {  	[tilespmem:v62+s15+$0x0] =	vst.idx.msk $0xff, v61  }
0x26a: {  	[tilespmem:v59+s15+$0x0] =	vst.idx.msk $0xff, v58  }
0x26b: {  	s23 =	sshll.u32 s22, $0xC;
	[tilespmem:v0+s15+$0x0] =	vst.idx.msk $0xff, v63  }
0x26c: {  	p1 =	sne.s32 s21, $0x3F;
	s24 =	sadd.s32 s5, s23;
	[tilespmem:v60+s15+$0x0] =	vst.idx.msk $0xff, v2  }
0x26d: {  	[hbm4b:s24+s3] =	stream.linear.scatter [tilespmem:s15], [sflag:$0x4], $0x8000, $0x38;
	[tilespmem:$0x13200] =	vst v63  }
.Ltmp15:
0x26e: {  	_ = 	snop;
	(pc) =	sbr.rel @p1 .LBB2_30-.Ltmp15, $4  }
0x26f: {  	[tilespmem:$0x1FB60] =	vst v8  }
0x270: {  	[tilespmem:$0x1FB70] =	vst v10  }
0x271: {  	[tilespmem:$0x1FB80] =	vst v5  }
0x272: {  	[tilespmem:$0x1FB90] =	vst v7  }
.Ltmp16:
0x273: {  	(pc) =	sbr.rel .LBB2_31-.Ltmp16, $4  }
0x274: {  	_ = 	snop  }
0x275: {  	_ =	swait.ge [sflag:s16], $0xC8  }
0x276: {  	[sflag:s16] =	ssyncset.done $0x0  }
0x277: {  	v45 =	vlaneseq.u32;
	[sflag:s16] =	ssyncadd.s32 $0xFFFFFF38  }
.LBB2_30:
0x278: {  	s24 =	smul.u32 $0xC8, s22;
	_ =	sdelay $0x1  }
0x279: {  	s24 =	sshrl.u32 s24, $0x3  }
0x27a: {  	s24 =	sadd.s32 s0, s24  }
.Ltmp17:
0x27b: {  	s24 =	sadd.s32 $0x32, s24;
	(pc) =	sbr.rel @p0 .LBB2_32-.Ltmp17, $4  }
0x27c: {  	[tilespmem:s11], [sflag:$0x2] =	stream.linear.gather [hbm4b:s24+s3], $0xC8, $0x38;
	[tilespmem:$0x13200] =	vst v63  }
0x27d: {  	_ =	swait.ge [sflag:s16], $0xC8  }
0x27e: {  	[sflag:s16] =	ssyncset.done $0x0  }
0x27f: {  	v45 =	vlaneseq.u32;
	[sflag:s16] =	ssyncadd.s32 $0xFFFFFF38  }
.LBB2_31:
0x280: {  	_ =	swait.ge [sflag:s17], $0x8000  }
0x281: {  	[sflag:s17] =	ssyncset.done $0x0  }
0x282: {  	[sflag:s17] =	ssyncadd.s32 $0xFFFF8000  }
.LBB2_32:
0x283: {  	v0 =	vld [tilespmem:$0x3100];
	_ =	sdelay $0x4  }
0x284: {  	v0 =	vshll.u32 v0, $0xB  }
0x285: {  	v0 =	vor.u32 v45, v0;
	_ =	sdelay $0x1  }
0x286: {  	v7 =	vld [tilespmem:$0x1FDF0];
	v1 =	vadd.s32 $0x40, v0  }
0x287: {  	v49 =	vimm.s32 $0x0  }
0x288: {  	v9 =	vld [tilespmem:$0x1FE10];
	v43 =	vshll.u32 v49, $0x8;
	v2 =	vadd.s32 $0x60, v0  }
0x289: {  	v45 =	vor.u32 v45, v43;
	v3 =	vadd.s32 $0x50, v0;
	v42 =	vld.idx.msk [tilespmem:v0+s3+$0x0], $0xffff  }
0x28a: {  	v8 =	vld [tilespmem:$0x1FE00]  }
0x28b: {  	v47 =	vor.u32 v7, v43;
	v1 =	vld.idx.msk [tilespmem:v1+s3+$0x0], $0xffff  }
0x28c: {  	v63 =	vld [tilespmem:$0x1FDC0]  }
0x28d: {  	v40 =	vadd.s32 $0x10, v0;
	v2 =	vld.idx.msk [tilespmem:v2+s3+$0x0], $0xffff  }
0x28e: {  	v41 =	vadd.s32 $0x20, v0;
	v3 =	vld.idx.msk [tilespmem:v3+s3+$0x0], $0xffff;
	[tilespmem:v45+s18+$0x0] =	vst.idx.msk $0xffff, v42  }
0x28f: {  	v44 =	vadd.s32 $0x30, v0;
	v5 =	vld [tilespmem:$0x1FDD0]  }
0x290: {  	v46 =	vadd.s32 $0x70, v0;
	v6 =	vld [tilespmem:$0x1FDE0];
	[tilespmem:v47+s18+$0x0] =	vst.idx.msk $0xffff, v1  }
0x291: {  	v50 =	vor.u32 v9, v43;
	v0 =	vadd.s32 $0x80, v0;
	v10 =	vld [tilespmem:$0x1FE20]  }
0x292: {  	v52 =	vor.u32 v8, v43;
	v55 =	vadd.s32 $0x40, v0;
	v59 =	vld.idx.msk [tilespmem:v40+s3+$0x0], $0xffff  }
0x293: {  	v57 =	vlaneseq.u32;
	v60 =	vor.u32 v63, v43;
	v56 =	vadd.s32 $0x60, v0;
	v61 =	vld.idx.msk [tilespmem:v41+s3+$0x0], $0xffff  }
0x294: {  	v40 =	vadd.s32 $0x10, v0;
	v62 =	vadd.s32 $0x50, v0;
	v48 =	vld.idx.msk [tilespmem:v44+s3+$0x0], $0xffff;
	v4 =	vor.u32 v5, v43  }
0x295: {  	v44 =	vadd.s32 $0x8, v49;
	v49 =	vld.idx.msk [tilespmem:v46+s3+$0x0], $0xffff;
	v46 =	vadd.s32 $0x30, v0;
	v54 =	vor.u32 v6, v43  }
0x296: {  	v45 =	vadd.s32 $0x20, v0;
	v51 =	vld.idx.msk [tilespmem:v0+s3+$0x0], $0xffff;
	v42 =	vshll.u32 v44, $0x8;
	[tilespmem:v50+s18+$0x0] =	vst.idx.msk $0xffff, v2;
	v53 =	vor.u32 v10, v43  }
0x297: {  	v58 =	vor.u32 v57, v42;
	v57 =	vor.u32 v7, v42;
	v50 =	vld.idx.msk [tilespmem:v55+s3+$0x0], $0xffff;
	[tilespmem:v52+s18+$0x0] =	vst.idx.msk $0xffff, v3  }
0x298: {  	v41 =	vadd.s32 $0x70, v0;
	v47 =	vor.u32 v63, v42;
	v52 =	vld.idx.msk [tilespmem:v56+s3+$0x0], $0xffff;
	v56 =	vadd.s32 $0x80, v0;
	[tilespmem:v60+s18+$0x0] =	vst.idx.msk $0xffff, v59  }
0x299: {  	s24 =	simm.s32 $0x8;
	v55 =	vld.idx.msk [tilespmem:v62+s3+$0x0], $0xffff;
	v59 =	vor.u32 v9, v42;
	v62 =	vlaneseq.u32;
	v43 =	vor.u32 v8, v42;
	[tilespmem:v4+s18+$0x0] =	vst.idx.msk $0xffff, v61  }
.LBB2_33:
0x29a: {  	v0 =	vadd.s32 $0x40, v56;
	v1 =	vadd.s32 $0x70, v56;
	s24 =	sadd.s32 $0x8, s24;
	v2 =	vld.idx.msk [tilespmem:v40+s3+$0x0], $0xffff;
	v40 =	vadd.s32 $0x10, v56;
	[tilespmem:v54+s18+$0x0] =	vst.idx.msk $0xffff, v48  }
0x29b: {  	v3 =	vadd.s32 $0x50, v56;
	v4 =	vadd.s32 $0x60, v56;
	p0 =	slt.u32 s24, $0x78;
	v60 =	vld.idx.msk [tilespmem:v45+s3+$0x0], $0xffff;
	v45 =	vadd.s32 $0x20, v56;
	[tilespmem:v53+s18+$0x0] =	vst.idx.msk $0xffff, v49  }
0x29c: {  	v61 =	vor.u32 v5, v42;
	v44 =	vadd.s32 $0x8, v44;
	[tilespmem:v58+s18+$0x0] =	vst.idx.msk $0xffff, v51;
	v48 =	vld.idx.msk [tilespmem:v46+s3+$0x0], $0xffff;
	v46 =	vadd.s32 $0x30, v56  }
.Ltmp18:
0x29d: {  	v54 =	vor.u32 v6, v42;
	v53 =	vor.u32 v10, v42;
	[tilespmem:v57+s18+$0x0] =	vst.idx.msk $0xffff, v50;
	v49 =	vld.idx.msk [tilespmem:v41+s3+$0x0], $0xffff;
	(pc) =	sbr.rel @p0 .LBB2_33-.Ltmp18, $4  }
0x29e: {  	v42 =	vshll.u32 v44, $0x8;
	v41 =	vmov v1;
	v51 =	vld.idx.msk [tilespmem:v56+s3+$0x0], $0xffff;
	[tilespmem:v59+s18+$0x0] =	vst.idx.msk $0xffff, v52  }
0x29f: {  	v58 =	vor.u32 v62, v42;
	v50 =	vld.idx.msk [tilespmem:v0+s3+$0x0], $0xffff;
	[tilespmem:v43+s18+$0x0] =	vst.idx.msk $0xffff, v55;
	v43 =	vor.u32 v8, v42  }
0x2a0: {  	v57 =	vor.u32 v7, v42;
	v56 =	vadd.s32 $0x80, v56;
	v52 =	vld.idx.msk [tilespmem:v4+s3+$0x0], $0xffff;
	[tilespmem:v47+s18+$0x0] =	vst.idx.msk $0xffff, v2  }
0x2a1: {  	v59 =	vor.u32 v9, v42;
	v47 =	vor.u32 v63, v42;
	v55 =	vld.idx.msk [tilespmem:v3+s3+$0x0], $0xffff;
	[tilespmem:v61+s18+$0x0] =	vst.idx.msk $0xffff, v60  }
0x2a2: {  	_ =	sdelay $0x3  }
0x2a3: {  	[tilespmem:v54+s18+$0x0] =	vst.idx.msk $0xffff, v48  }
0x2a4: {  	v0 =	vld.idx.msk [tilespmem:v40+s3+$0x0], $0xffff;
	[tilespmem:v53+s18+$0x0] =	vst.idx.msk $0xffff, v49  }
0x2a5: {  	v1 =	vld.idx.msk [tilespmem:v45+s3+$0x0], $0xffff;
	v2 =	vor.u32 v5, v42;
	[tilespmem:v58+s18+$0x0] =	vst.idx.msk $0xffff, v51  }
0x2a6: {  	v3 =	vld.idx.msk [tilespmem:v46+s3+$0x0], $0xffff;
	v4 =	vor.u32 v6, v42;
	[tilespmem:v57+s18+$0x0] =	vst.idx.msk $0xffff, v50  }
0x2a7: {  	v60 =	vld.idx.msk [tilespmem:v41+s3+$0x0], $0xffff;
	v61 =	vor.u32 v10, v42;
	[tilespmem:v59+s18+$0x0] =	vst.idx.msk $0xffff, v52  }
0x2a8: {  	[tilespmem:v43+s18+$0x0] =	vst.idx.msk $0xffff, v55  }
0x2a9: {  	[tilespmem:v47+s18+$0x0] =	vst.idx.msk $0xffff, v0  }
0x2aa: {  	[tilespmem:v2+s18+$0x0] =	vst.idx.msk $0xffff, v1  }
0x2ab: {  	[tilespmem:v4+s18+$0x0] =	vst.idx.msk $0xffff, v3  }
0x2ac: {  	[tilespmem:v61+s18+$0x0] =	vst.idx.msk $0xffff, v60  }
0x2ad: {  	v0 =	vld [tilespmem:$0x3110];
	_ =	sdelay $0x4  }
0x2ae: {  	v0 =	vshll.u32 v0, $0xB  }
0x2af: {  	v5 =	vld [tilespmem:$0x1FE30];
	v0 =	vor.u32 v62, v0  }
0x2b0: {  	v62 =	vadd.s32 $0x40, v0  }
0x2b1: {  	v9 =	vld [tilespmem:$0x1FE70];
	v63 =	vadd.s32 $0x60, v0  }
0x2b2: {  	v8 =	vimm.s32 $0x0;
	v10 =	vld [tilespmem:$0x1FE80];
	v3 =	vadd.s32 $0x50, v0  }
0x2b3: {  	v43 =	vshll.u32 v8, $0x8;
	v6 =	vld [tilespmem:$0x1FE40]  }
0x2b4: {  	v45 =	vor.u32 v5, v43;
	v44 =	vadd.s32 $0x30, v0;
	v42 =	vld.idx.msk [tilespmem:v0+s3+$0x0], $0xffff  }
0x2b5: {  	v1 =	vld.idx.msk [tilespmem:v62+s3+$0x0], $0xffff  }
0x2b6: {  	v47 =	vor.u32 v9, v43;
	v2 =	vld.idx.msk [tilespmem:v63+s3+$0x0], $0xffff  }
0x2b7: {  	v57 =	vld.idx.msk [tilespmem:v3+s3+$0x0], $0xffff  }
0x2b8: {  	v40 =	vadd.s32 $0x10, v0;
	v62 =	vld [tilespmem:$0x1FE90]  }
0x2b9: {  	v48 =	vld.idx.msk [tilespmem:v44+s3+$0x0], $0xffff;
	[tilespmem:v45+s18+$0x0] =	vst.idx.msk $0xffff, v42  }
0x2ba: {  	v41 =	vadd.s32 $0x20, v0;
	v7 =	vld [tilespmem:$0x1FE50]  }
0x2bb: {  	v46 =	vadd.s32 $0x70, v0;
	v44 =	vadd.s32 $0x8, v8;
	v8 =	vld [tilespmem:$0x1FE60];
	[tilespmem:v47+s18+$0x0] =	vst.idx.msk $0xffff, v1  }
0x2bc: {  	v52 =	vor.u32 v10, v43;
	v0 =	vadd.s32 $0x80, v0;
	v63 =	vld [tilespmem:$0x1FEA0]  }
0x2bd: {  	v60 =	vor.u32 v6, v43;
	v59 =	vld.idx.msk [tilespmem:v40+s3+$0x0], $0xffff;
	v56 =	vadd.s32 $0x60, v0  }
0x2be: {  	v55 =	vadd.s32 $0x40, v0;
	v50 =	vor.u32 v62, v43  }
0x2bf: {  	v61 =	vld.idx.msk [tilespmem:v41+s3+$0x0], $0xffff;
	v4 =	vadd.s32 $0x50, v0;
	v3 =	vor.u32 v7, v43  }
0x2c0: {  	v40 =	vadd.s32 $0x10, v0;
	v49 =	vld.idx.msk [tilespmem:v46+s3+$0x0], $0xffff;
	v46 =	vadd.s32 $0x30, v0;
	v54 =	vor.u32 v8, v43  }
0x2c1: {  	v45 =	vadd.s32 $0x20, v0;
	v51 =	vld.idx.msk [tilespmem:v0+s3+$0x0], $0xffff;
	v42 =	vshll.u32 v44, $0x8;
	[tilespmem:v52+s18+$0x0] =	vst.idx.msk $0xffff, v57;
	v53 =	vor.u32 v63, v43  }
0x2c2: {  	v58 =	vor.u32 v5, v42;
	v47 =	vor.u32 v6, v42;
	v52 =	vld.idx.msk [tilespmem:v56+s3+$0x0], $0xffff;
	[tilespmem:v60+s18+$0x0] =	vst.idx.msk $0xffff, v59  }
0x2c3: {  	v41 =	vadd.s32 $0x70, v0;
	v57 =	vor.u32 v9, v42;
	v56 =	vadd.s32 $0x80, v0;
	[tilespmem:v50+s18+$0x0] =	vst.idx.msk $0xffff, v2;
	v50 =	vld.idx.msk [tilespmem:v55+s3+$0x0], $0xffff  }
0x2c4: {  	s24 =	simm.s32 $0x8;
	v59 =	vor.u32 v62, v42;
	v55 =	vld.idx.msk [tilespmem:v4+s3+$0x0], $0xffff;
	v43 =	vor.u32 v10, v42;
	[tilespmem:v3+s18+$0x0] =	vst.idx.msk $0xffff, v61  }
.LBB2_35:
0x2c5: {  	v0 =	vadd.s32 $0x40, v56;
	v1 =	vadd.s32 $0x70, v56;
	s24 =	sadd.s32 $0x8, s24;
	v2 =	vld.idx.msk [tilespmem:v40+s3+$0x0], $0xffff;
	v40 =	vadd.s32 $0x10, v56;
	[tilespmem:v54+s18+$0x0] =	vst.idx.msk $0xffff, v48  }
0x2c6: {  	v3 =	vadd.s32 $0x50, v56;
	v4 =	vadd.s32 $0x60, v56;
	p0 =	slt.u32 s24, $0x78;
	v60 =	vld.idx.msk [tilespmem:v45+s3+$0x0], $0xffff;
	v45 =	vadd.s32 $0x20, v56;
	[tilespmem:v53+s18+$0x0] =	vst.idx.msk $0xffff, v49  }
0x2c7: {  	v61 =	vor.u32 v7, v42;
	v44 =	vadd.s32 $0x8, v44;
	[tilespmem:v58+s18+$0x0] =	vst.idx.msk $0xffff, v51;
	v48 =	vld.idx.msk [tilespmem:v46+s3+$0x0], $0xffff;
	v46 =	vadd.s32 $0x30, v56  }
.Ltmp19:
0x2c8: {  	v54 =	vor.u32 v8, v42;
	v53 =	vor.u32 v63, v42;
	[tilespmem:v57+s18+$0x0] =	vst.idx.msk $0xffff, v50;
	v49 =	vld.idx.msk [tilespmem:v41+s3+$0x0], $0xffff;
	(pc) =	sbr.rel @p0 .LBB2_35-.Ltmp19, $4  }
0x2c9: {  	v42 =	vshll.u32 v44, $0x8;
	v41 =	vmov v1;
	v51 =	vld.idx.msk [tilespmem:v56+s3+$0x0], $0xffff;
	[tilespmem:v59+s18+$0x0] =	vst.idx.msk $0xffff, v52  }
0x2ca: {  	v58 =	vor.u32 v5, v42;
	v50 =	vld.idx.msk [tilespmem:v0+s3+$0x0], $0xffff;
	[tilespmem:v43+s18+$0x0] =	vst.idx.msk $0xffff, v55;
	v43 =	vor.u32 v10, v42  }
0x2cb: {  	v57 =	vor.u32 v9, v42;
	v56 =	vadd.s32 $0x80, v56;
	v52 =	vld.idx.msk [tilespmem:v4+s3+$0x0], $0xffff;
	[tilespmem:v47+s18+$0x0] =	vst.idx.msk $0xffff, v2  }
0x2cc: {  	v59 =	vor.u32 v62, v42;
	v47 =	vor.u32 v6, v42;
	v55 =	vld.idx.msk [tilespmem:v3+s3+$0x0], $0xffff;
	[tilespmem:v61+s18+$0x0] =	vst.idx.msk $0xffff, v60  }
0x2cd: {  	_ =	sdelay $0x3  }
0x2ce: {  	[tilespmem:v54+s18+$0x0] =	vst.idx.msk $0xffff, v48  }
0x2cf: {  	v0 =	vld.idx.msk [tilespmem:v40+s3+$0x0], $0xffff;
	[tilespmem:v53+s18+$0x0] =	vst.idx.msk $0xffff, v49  }
0x2d0: {  	v1 =	vld.idx.msk [tilespmem:v45+s3+$0x0], $0xffff;
	v2 =	vor.u32 v7, v42;
	[tilespmem:v58+s18+$0x0] =	vst.idx.msk $0xffff, v51  }
0x2d1: {  	v3 =	vld.idx.msk [tilespmem:v46+s3+$0x0], $0xffff;
	v4 =	vor.u32 v8, v42;
	[tilespmem:v57+s18+$0x0] =	vst.idx.msk $0xffff, v50  }
0x2d2: {  	v60 =	vld.idx.msk [tilespmem:v41+s3+$0x0], $0xffff;
	v61 =	vor.u32 v63, v42;
	[tilespmem:v59+s18+$0x0] =	vst.idx.msk $0xffff, v52  }
0x2d3: {  	[tilespmem:v43+s18+$0x0] =	vst.idx.msk $0xffff, v55  }
0x2d4: {  	[tilespmem:v47+s18+$0x0] =	vst.idx.msk $0xffff, v0  }
0x2d5: {  	[tilespmem:v2+s18+$0x0] =	vst.idx.msk $0xffff, v1  }
0x2d6: {  	[tilespmem:v4+s18+$0x0] =	vst.idx.msk $0xffff, v3  }
0x2d7: {  	[tilespmem:v61+s18+$0x0] =	vst.idx.msk $0xffff, v60  }
0x2d8: {  	v0 =	vld [tilespmem:$0x3120];
	_ =	sdelay $0x4  }
0x2d9: {  	v62 =	vlaneseq.u32;
	v0 =	vshll.u32 v0, $0xB  }
0x2da: {  	v5 =	vld [tilespmem:$0x1FEB0];
	v0 =	vor.u32 v62, v0;
	_ =	sdelay $0x1  }
0x2db: {  	v9 =	vld [tilespmem:$0x1FEF0];
	v1 =	vadd.s32 $0x40, v0  }
0x2dc: {  	v8 =	vimm.s32 $0x0  }
0x2dd: {  	v43 =	vshll.u32 v8, $0x8;
	v10 =	vld [tilespmem:$0x1FF00];
	v63 =	vadd.s32 $0x60, v0  }
0x2de: {  	v45 =	vor.u32 v5, v43;
	v44 =	vadd.s32 $0x30, v0;
	v42 =	vld.idx.msk [tilespmem:v0+s3+$0x0], $0xffff  }
0x2df: {  	v6 =	vld [tilespmem:$0x1FEC0]  }
0x2e0: {  	v47 =	vor.u32 v9, v43;
	v1 =	vld.idx.msk [tilespmem:v1+s3+$0x0], $0xffff  }
0x2e1: {  	v62 =	vld [tilespmem:$0x1FF10]  }
0x2e2: {  	v3 =	vadd.s32 $0x50, v0;
	v2 =	vld.idx.msk [tilespmem:v63+s3+$0x0], $0xffff  }
0x2e3: {  	v40 =	vadd.s32 $0x10, v0;
	v48 =	vld.idx.msk [tilespmem:v44+s3+$0x0], $0xffff;
	[tilespmem:v45+s18+$0x0] =	vst.idx.msk $0xffff, v42  }
0x2e4: {  	v41 =	vadd.s32 $0x20, v0;
	v7 =	vld [tilespmem:$0x1FED0]  }
0x2e5: {  	v46 =	vadd.s32 $0x70, v0;
	v44 =	vadd.s32 $0x8, v8;
	v8 =	vld [tilespmem:$0x1FEE0];
	[tilespmem:v47+s18+$0x0] =	vst.idx.msk $0xffff, v1  }
0x2e6: {  	v0 =	vadd.s32 $0x80, v0;
	v50 =	vor.u32 v62, v43;
	v63 =	vld [tilespmem:$0x1FF20]  }
0x2e7: {  	v52 =	vor.u32 v10, v43;
	v57 =	vld.idx.msk [tilespmem:v3+s3+$0x0], $0xffff;
	v55 =	vadd.s32 $0x40, v0  }
0x2e8: {  	v60 =	vor.u32 v6, v43;
	v59 =	vld.idx.msk [tilespmem:v40+s3+$0x0], $0xffff;
	v56 =	vadd.s32 $0x60, v0  }
0x2e9: {  	v61 =	vld.idx.msk [tilespmem:v41+s3+$0x0], $0xffff;
	v4 =	vadd.s32 $0x50, v0;
	v3 =	vor.u32 v7, v43  }
0x2ea: {  	v40 =	vadd.s32 $0x10, v0;
	v49 =	vld.idx.msk [tilespmem:v46+s3+$0x0], $0xffff;
	v46 =	vadd.s32 $0x30, v0;
	v54 =	vor.u32 v8, v43  }
0x2eb: {  	v45 =	vadd.s32 $0x20, v0;
	v51 =	vld.idx.msk [tilespmem:v0+s3+$0x0], $0xffff;
	v42 =	vshll.u32 v44, $0x8;
	[tilespmem:v50+s18+$0x0] =	vst.idx.msk $0xffff, v2;
	v53 =	vor.u32 v63, v43  }
0x2ec: {  	v58 =	vor.u32 v5, v42;
	v47 =	vor.u32 v6, v42;
	v50 =	vld.idx.msk [tilespmem:v55+s3+$0x0], $0xffff;
	[tilespmem:v52+s18+$0x0] =	vst.idx.msk $0xffff, v57  }
0x2ed: {  	v41 =	vadd.s32 $0x70, v0;
	v57 =	vor.u32 v9, v42;
	v52 =	vld.idx.msk [tilespmem:v56+s3+$0x0], $0xffff;
	v56 =	vadd.s32 $0x80, v0;
	[tilespmem:v60+s18+$0x0] =	vst.idx.msk $0xffff, v59  }
0x2ee: {  	s24 =	simm.s32 $0x8;
	v55 =	vld.idx.msk [tilespmem:v4+s3+$0x0], $0xffff;
	v59 =	vor.u32 v62, v42;
	v43 =	vor.u32 v10, v42;
	[tilespmem:v3+s18+$0x0] =	vst.idx.msk $0xffff, v61  }
.LBB2_37:
0x2ef: {  	v0 =	vadd.s32 $0x40, v56;
	v1 =	vadd.s32 $0x70, v56;
	s24 =	sadd.s32 $0x8, s24;
	v2 =	vld.idx.msk [tilespmem:v40+s3+$0x0], $0xffff;
	v40 =	vadd.s32 $0x10, v56;
	[tilespmem:v54+s18+$0x0] =	vst.idx.msk $0xffff, v48  }
0x2f0: {  	v3 =	vadd.s32 $0x50, v56;
	v4 =	vadd.s32 $0x60, v56;
	p0 =	slt.u32 s24, $0x78;
	v60 =	vld.idx.msk [tilespmem:v45+s3+$0x0], $0xffff;
	v45 =	vadd.s32 $0x20, v56;
	[tilespmem:v53+s18+$0x0] =	vst.idx.msk $0xffff, v49  }
0x2f1: {  	v61 =	vor.u32 v7, v42;
	v44 =	vadd.s32 $0x8, v44;
	[tilespmem:v58+s18+$0x0] =	vst.idx.msk $0xffff, v51;
	v48 =	vld.idx.msk [tilespmem:v46+s3+$0x0], $0xffff;
	v46 =	vadd.s32 $0x30, v56  }
.Ltmp20:
0x2f2: {  	v54 =	vor.u32 v8, v42;
	v53 =	vor.u32 v63, v42;
	[tilespmem:v57+s18+$0x0] =	vst.idx.msk $0xffff, v50;
	v49 =	vld.idx.msk [tilespmem:v41+s3+$0x0], $0xffff;
	(pc) =	sbr.rel @p0 .LBB2_37-.Ltmp20, $4  }
0x2f3: {  	v42 =	vshll.u32 v44, $0x8;
	v41 =	vmov v1;
	v51 =	vld.idx.msk [tilespmem:v56+s3+$0x0], $0xffff;
	[tilespmem:v59+s18+$0x0] =	vst.idx.msk $0xffff, v52  }
0x2f4: {  	v58 =	vor.u32 v5, v42;
	v50 =	vld.idx.msk [tilespmem:v0+s3+$0x0], $0xffff;
	[tilespmem:v43+s18+$0x0] =	vst.idx.msk $0xffff, v55;
	v43 =	vor.u32 v10, v42  }
0x2f5: {  	v57 =	vor.u32 v9, v42;
	v56 =	vadd.s32 $0x80, v56;
	v52 =	vld.idx.msk [tilespmem:v4+s3+$0x0], $0xffff;
	[tilespmem:v47+s18+$0x0] =	vst.idx.msk $0xffff, v2  }
0x2f6: {  	v59 =	vor.u32 v62, v42;
	v47 =	vor.u32 v6, v42;
	v55 =	vld.idx.msk [tilespmem:v3+s3+$0x0], $0xffff;
	[tilespmem:v61+s18+$0x0] =	vst.idx.msk $0xffff, v60  }
0x2f7: {  	_ =	sdelay $0x3  }
0x2f8: {  	[tilespmem:v54+s18+$0x0] =	vst.idx.msk $0xffff, v48  }
0x2f9: {  	v0 =	vld.idx.msk [tilespmem:v40+s3+$0x0], $0xffff;
	[tilespmem:v53+s18+$0x0] =	vst.idx.msk $0xffff, v49  }
0x2fa: {  	v1 =	vld.idx.msk [tilespmem:v45+s3+$0x0], $0xffff;
	v2 =	vor.u32 v7, v42;
	[tilespmem:v58+s18+$0x0] =	vst.idx.msk $0xffff, v51  }
0x2fb: {  	v3 =	vld.idx.msk [tilespmem:v46+s3+$0x0], $0xffff;
	v4 =	vor.u32 v8, v42;
	[tilespmem:v57+s18+$0x0] =	vst.idx.msk $0xffff, v50  }
0x2fc: {  	v60 =	vld.idx.msk [tilespmem:v41+s3+$0x0], $0xffff;
	v61 =	vor.u32 v63, v42;
	[tilespmem:v59+s18+$0x0] =	vst.idx.msk $0xffff, v52  }
0x2fd: {  	[tilespmem:v43+s18+$0x0] =	vst.idx.msk $0xffff, v55  }
0x2fe: {  	[tilespmem:v47+s18+$0x0] =	vst.idx.msk $0xffff, v0  }
0x2ff: {  	[tilespmem:v2+s18+$0x0] =	vst.idx.msk $0xffff, v1  }
0x300: {  	[tilespmem:v4+s18+$0x0] =	vst.idx.msk $0xffff, v3  }
0x301: {  	[tilespmem:v61+s18+$0x0] =	vst.idx.msk $0xffff, v60  }
0x302: {  	v0 =	vld [tilespmem:$0x3130];
	_ =	sdelay $0x4  }
0x303: {  	v62 =	vlaneseq.u32;
	v0 =	vshll.u32 v0, $0xB  }
0x304: {  	v5 =	vld [tilespmem:$0x1FF30];
	v0 =	vor.u32 v62, v0;
	_ =	sdelay $0x1  }
0x305: {  	v9 =	vld [tilespmem:$0x1FF70];
	v1 =	vadd.s32 $0x40, v0  }
0x306: {  	v8 =	vimm.s32 $0x0  }
0x307: {  	v43 =	vshll.u32 v8, $0x8;
	v10 =	vld [tilespmem:$0x1FF80];
	v63 =	vadd.s32 $0x60, v0  }
0x308: {  	v45 =	vor.u32 v5, v43;
	v44 =	vadd.s32 $0x30, v0;
	v42 =	vld.idx.msk [tilespmem:v0+s3+$0x0], $0xffff  }
0x309: {  	v6 =	vld [tilespmem:$0x1FF40]  }
0x30a: {  	v47 =	vor.u32 v9, v43;
	v1 =	vld.idx.msk [tilespmem:v1+s3+$0x0], $0xffff  }
0x30b: {  	v62 =	vld [tilespmem:$0x1FF90]  }
0x30c: {  	v3 =	vadd.s32 $0x50, v0;
	v2 =	vld.idx.msk [tilespmem:v63+s3+$0x0], $0xffff  }
0x30d: {  	v40 =	vadd.s32 $0x10, v0;
	v48 =	vld.idx.msk [tilespmem:v44+s3+$0x0], $0xffff;
	[tilespmem:v45+s18+$0x0] =	vst.idx.msk $0xffff, v42  }
0x30e: {  	v41 =	vadd.s32 $0x20, v0;
	v7 =	vld [tilespmem:$0x1FF50]  }
0x30f: {  	v46 =	vadd.s32 $0x70, v0;
	v44 =	vadd.s32 $0x8, v8;
	v8 =	vld [tilespmem:$0x1FF60];
	[tilespmem:v47+s18+$0x0] =	vst.idx.msk $0xffff, v1  }
0x310: {  	v0 =	vadd.s32 $0x80, v0;
	v50 =	vor.u32 v62, v43;
	v63 =	vld [tilespmem:$0x1FFA0]  }
0x311: {  	v52 =	vor.u32 v10, v43;
	v57 =	vld.idx.msk [tilespmem:v3+s3+$0x0], $0xffff;
	v55 =	vadd.s32 $0x40, v0  }
0x312: {  	v60 =	vor.u32 v6, v43;
	v59 =	vld.idx.msk [tilespmem:v40+s3+$0x0], $0xffff;
	v56 =	vadd.s32 $0x60, v0  }
0x313: {  	v61 =	vld.idx.msk [tilespmem:v41+s3+$0x0], $0xffff;
	v4 =	vadd.s32 $0x50, v0;
	v3 =	vor.u32 v7, v43  }
0x314: {  	v40 =	vadd.s32 $0x10, v0;
	v49 =	vld.idx.msk [tilespmem:v46+s3+$0x0], $0xffff;
	v46 =	vadd.s32 $0x30, v0;
	v54 =	vor.u32 v8, v43  }
0x315: {  	v45 =	vadd.s32 $0x20, v0;
	v51 =	vld.idx.msk [tilespmem:v0+s3+$0x0], $0xffff;
	v42 =	vshll.u32 v44, $0x8;
	[tilespmem:v50+s18+$0x0] =	vst.idx.msk $0xffff, v2;
	v53 =	vor.u32 v63, v43  }
0x316: {  	v58 =	vor.u32 v5, v42;
	v47 =	vor.u32 v6, v42;
	v50 =	vld.idx.msk [tilespmem:v55+s3+$0x0], $0xffff;
	[tilespmem:v52+s18+$0x0] =	vst.idx.msk $0xffff, v57  }
0x317: {  	v41 =	vadd.s32 $0x70, v0;
	v57 =	vor.u32 v9, v42;
	v52 =	vld.idx.msk [tilespmem:v56+s3+$0x0], $0xffff;
	v56 =	vadd.s32 $0x80, v0;
	[tilespmem:v60+s18+$0x0] =	vst.idx.msk $0xffff, v59  }
0x318: {  	s24 =	simm.s32 $0x8;
	v55 =	vld.idx.msk [tilespmem:v4+s3+$0x0], $0xffff;
	v59 =	vor.u32 v62, v42;
	v43 =	vor.u32 v10, v42;
	[tilespmem:v3+s18+$0x0] =	vst.idx.msk $0xffff, v61  }
.LBB2_39:
0x319: {  	v0 =	vadd.s32 $0x40, v56;
	v1 =	vadd.s32 $0x70, v56;
	s24 =	sadd.s32 $0x8, s24;
	v2 =	vld.idx.msk [tilespmem:v40+s3+$0x0], $0xffff;
	v40 =	vadd.s32 $0x10, v56;
	[tilespmem:v54+s18+$0x0] =	vst.idx.msk $0xffff, v48  }
0x31a: {  	v3 =	vadd.s32 $0x50, v56;
	v4 =	vadd.s32 $0x60, v56;
	p0 =	slt.u32 s24, $0x78;
	v60 =	vld.idx.msk [tilespmem:v45+s3+$0x0], $0xffff;
	v45 =	vadd.s32 $0x20, v56;
	[tilespmem:v53+s18+$0x0] =	vst.idx.msk $0xffff, v49  }
0x31b: {  	v61 =	vor.u32 v7, v42;
	v44 =	vadd.s32 $0x8, v44;
	[tilespmem:v58+s18+$0x0] =	vst.idx.msk $0xffff, v51;
	v48 =	vld.idx.msk [tilespmem:v46+s3+$0x0], $0xffff;
	v46 =	vadd.s32 $0x30, v56  }
.Ltmp21:
0x31c: {  	v54 =	vor.u32 v8, v42;
	v53 =	vor.u32 v63, v42;
	[tilespmem:v57+s18+$0x0] =	vst.idx.msk $0xffff, v50;
	v49 =	vld.idx.msk [tilespmem:v41+s3+$0x0], $0xffff;
	(pc) =	sbr.rel @p0 .LBB2_39-.Ltmp21, $4  }
0x31d: {  	v42 =	vshll.u32 v44, $0x8;
	v41 =	vmov v1;
	v51 =	vld.idx.msk [tilespmem:v56+s3+$0x0], $0xffff;
	[tilespmem:v59+s18+$0x0] =	vst.idx.msk $0xffff, v52  }
0x31e: {  	v58 =	vor.u32 v5, v42;
	v50 =	vld.idx.msk [tilespmem:v0+s3+$0x0], $0xffff;
	[tilespmem:v43+s18+$0x0] =	vst.idx.msk $0xffff, v55;
	v43 =	vor.u32 v10, v42  }
0x31f: {  	v57 =	vor.u32 v9, v42;
	v56 =	vadd.s32 $0x80, v56;
	v52 =	vld.idx.msk [tilespmem:v4+s3+$0x0], $0xffff;
	[tilespmem:v47+s18+$0x0] =	vst.idx.msk $0xffff, v2  }
0x320: {  	v59 =	vor.u32 v62, v42;
	v47 =	vor.u32 v6, v42;
	v55 =	vld.idx.msk [tilespmem:v3+s3+$0x0], $0xffff;
	[tilespmem:v61+s18+$0x0] =	vst.idx.msk $0xffff, v60  }
0x321: {  	_ =	sdelay $0x3  }
0x322: {  	[tilespmem:v54+s18+$0x0] =	vst.idx.msk $0xffff, v48  }
0x323: {  	v0 =	vld.idx.msk [tilespmem:v40+s3+$0x0], $0xffff;
	[tilespmem:v53+s18+$0x0] =	vst.idx.msk $0xffff, v49  }
0x324: {  	v1 =	vld.idx.msk [tilespmem:v45+s3+$0x0], $0xffff;
	v2 =	vor.u32 v7, v42;
	[tilespmem:v58+s18+$0x0] =	vst.idx.msk $0xffff, v51  }
0x325: {  	v3 =	vld.idx.msk [tilespmem:v46+s3+$0x0], $0xffff;
	v4 =	vor.u32 v8, v42;
	[tilespmem:v57+s18+$0x0] =	vst.idx.msk $0xffff, v50  }
0x326: {  	v54 =	vld.idx.msk [tilespmem:v41+s3+$0x0], $0xffff;
	v56 =	vor.u32 v63, v42;
	[tilespmem:v59+s18+$0x0] =	vst.idx.msk $0xffff, v52  }
0x327: {  	[tilespmem:v43+s18+$0x0] =	vst.idx.msk $0xffff, v55  }
0x328: {  	[tilespmem:v47+s18+$0x0] =	vst.idx.msk $0xffff, v0  }
0x329: {  	[tilespmem:v2+s18+$0x0] =	vst.idx.msk $0xffff, v1  }
0x32a: {  	[tilespmem:v4+s18+$0x0] =	vst.idx.msk $0xffff, v3  }
0x32b: {  	[tilespmem:v56+s18+$0x0] =	vst.idx.msk $0xffff, v54  }
0x32c: {  	v0 =	vld [tilespmem:$0x3140];
	_ =	sdelay $0x4  }
0x32d: {  	v57 =	vlaneseq.u32;
	v0 =	vshll.u32 v0, $0xB  }
0x32e: {  	v5 =	vld [tilespmem:$0x1FFB0];
	v0 =	vor.u32 v57, v0;
	_ =	sdelay $0x1  }
0x32f: {  	v9 =	vld [tilespmem:$0x1FFE0];
	v1 =	vadd.s32 $0x40, v0  }
0x330: {  	v8 =	vimm.s32 $0x0;
	v62 =	vld [tilespmem:$0x1FC40];
	v58 =	vadd.s32 $0x60, v0  }
0x331: {  	v43 =	vshll.u32 v8, $0x8;
	v10 =	vld [tilespmem:$0x1FC30];
	v3 =	vadd.s32 $0x50, v0  }
0x332: {  	v45 =	vor.u32 v5, v43;
	v44 =	vadd.s32 $0x30, v0;
	v42 =	vld.idx.msk [tilespmem:v0+s3+$0x0], $0xffff  }
0x333: {  	v6 =	vld [tilespmem:$0x1FC20]  }
0x334: {  	v47 =	vor.u32 v9, v43;
	v1 =	vld.idx.msk [tilespmem:v1+s3+$0x0], $0xffff  }
0x335: {  	v2 =	vld.idx.msk [tilespmem:v58+s3+$0x0], $0xffff  }
0x336: {  	v59 =	vadd.s32 $0x10, v0;
	v3 =	vld.idx.msk [tilespmem:v3+s3+$0x0], $0xffff  }
0x337: {  	v41 =	vadd.s32 $0x20, v0;
	v48 =	vld.idx.msk [tilespmem:v44+s3+$0x0], $0xffff;
	[tilespmem:v45+s18+$0x0] =	vst.idx.msk $0xffff, v42  }
0x338: {  	v46 =	vadd.s32 $0x70, v0;
	v7 =	vld [tilespmem:$0x1FFC0]  }
0x339: {  	v0 =	vadd.s32 $0x80, v0;
	v44 =	vadd.s32 $0x8, v8;
	v8 =	vld [tilespmem:$0x1FFD0];
	[tilespmem:v47+s18+$0x0] =	vst.idx.msk $0xffff, v1  }
0x33a: {  	v50 =	vor.u32 v62, v43;
	v55 =	vadd.s32 $0x40, v0;
	v1 =	vld [tilespmem:$0x1FFF0]  }
0x33b: {  	v52 =	vor.u32 v10, v43;
	v59 =	vld.idx.msk [tilespmem:v59+s3+$0x0], $0xffff;
	v56 =	vadd.s32 $0x60, v0  }
0x33c: {  	v60 =	vor.u32 v6, v43;
	v61 =	vld.idx.msk [tilespmem:v41+s3+$0x0], $0xffff;
	v4 =	vadd.s32 $0x50, v0  }
0x33d: {  	v49 =	vld.idx.msk [tilespmem:v46+s3+$0x0], $0xffff;
	v63 =	vor.u32 v7, v43  }
0x33e: {  	v40 =	vadd.s32 $0x10, v0;
	v46 =	vadd.s32 $0x30, v0;
	v51 =	vld.idx.msk [tilespmem:v0+s3+$0x0], $0xffff;
	v54 =	vor.u32 v8, v43  }
0x33f: {  	v45 =	vadd.s32 $0x20, v0;
	v42 =	vshll.u32 v44, $0x8;
	[tilespmem:v50+s18+$0x0] =	vst.idx.msk $0xffff, v2;
	v50 =	vld.idx.msk [tilespmem:v55+s3+$0x0], $0xffff;
	v53 =	vor.u32 v1, v43  }
0x340: {  	v58 =	vor.u32 v5, v42;
	v57 =	vor.u32 v9, v42;
	[tilespmem:v52+s18+$0x0] =	vst.idx.msk $0xffff, v3;
	v52 =	vld.idx.msk [tilespmem:v56+s3+$0x0], $0xffff  }
0x341: {  	v41 =	vadd.s32 $0x70, v0;
	v47 =	vor.u32 v6, v42;
	v56 =	vadd.s32 $0x80, v0;
	[tilespmem:v60+s18+$0x0] =	vst.idx.msk $0xffff, v59;
	v55 =	vld.idx.msk [tilespmem:v4+s3+$0x0], $0xffff  }
0x342: {  	s24 =	simm.s32 $0x8;
	v59 =	vor.u32 v62, v42;
	v43 =	vor.u32 v10, v42;
	[tilespmem:v63+s18+$0x0] =	vst.idx.msk $0xffff, v61;
	v63 =	vmov v1  }
.LBB2_41:
0x343: {  	v0 =	vadd.s32 $0x40, v56;
	v1 =	vadd.s32 $0x70, v56;
	s24 =	sadd.s32 $0x8, s24;
	v2 =	vld.idx.msk [tilespmem:v40+s3+$0x0], $0xffff;
	v40 =	vadd.s32 $0x10, v56;
	[tilespmem:v54+s18+$0x0] =	vst.idx.msk $0xffff, v48  }
0x344: {  	v3 =	vadd.s32 $0x50, v56;
	v4 =	vadd.s32 $0x60, v56;
	p0 =	slt.u32 s24, $0x78;
	v60 =	vld.idx.msk [tilespmem:v45+s3+$0x0], $0xffff;
	v45 =	vadd.s32 $0x20, v56;
	[tilespmem:v53+s18+$0x0] =	vst.idx.msk $0xffff, v49  }
0x345: {  	v61 =	vor.u32 v7, v42;
	v44 =	vadd.s32 $0x8, v44;
	[tilespmem:v58+s18+$0x0] =	vst.idx.msk $0xffff, v51;
	v48 =	vld.idx.msk [tilespmem:v46+s3+$0x0], $0xffff;
	v46 =	vadd.s32 $0x30, v56  }
.Ltmp22:
0x346: {  	v54 =	vor.u32 v8, v42;
	v53 =	vor.u32 v63, v42;
	[tilespmem:v57+s18+$0x0] =	vst.idx.msk $0xffff, v50;
	v49 =	vld.idx.msk [tilespmem:v41+s3+$0x0], $0xffff;
	(pc) =	sbr.rel @p0 .LBB2_41-.Ltmp22, $4  }
0x347: {  	v42 =	vshll.u32 v44, $0x8;
	v41 =	vmov v1;
	v51 =	vld.idx.msk [tilespmem:v56+s3+$0x0], $0xffff;
	[tilespmem:v59+s18+$0x0] =	vst.idx.msk $0xffff, v52  }
0x348: {  	v58 =	vor.u32 v5, v42;
	v50 =	vld.idx.msk [tilespmem:v0+s3+$0x0], $0xffff;
	[tilespmem:v43+s18+$0x0] =	vst.idx.msk $0xffff, v55;
	v43 =	vor.u32 v10, v42  }
0x349: {  	v57 =	vor.u32 v9, v42;
	v56 =	vadd.s32 $0x80, v56;
	v52 =	vld.idx.msk [tilespmem:v4+s3+$0x0], $0xffff;
	[tilespmem:v47+s18+$0x0] =	vst.idx.msk $0xffff, v2  }
0x34a: {  	v59 =	vor.u32 v62, v42;
	v47 =	vor.u32 v6, v42;
	v55 =	vld.idx.msk [tilespmem:v3+s3+$0x0], $0xffff;
	[tilespmem:v61+s18+$0x0] =	vst.idx.msk $0xffff, v60  }
0x34b: {  	_ =	sdelay $0x3  }
0x34c: {  	[tilespmem:v54+s18+$0x0] =	vst.idx.msk $0xffff, v48  }
0x34d: {  	v0 =	vld.idx.msk [tilespmem:v40+s3+$0x0], $0xffff;
	[tilespmem:v53+s18+$0x0] =	vst.idx.msk $0xffff, v49  }
0x34e: {  	v1 =	vld.idx.msk [tilespmem:v45+s3+$0x0], $0xffff;
	v2 =	vor.u32 v7, v42;
	[tilespmem:v58+s18+$0x0] =	vst.idx.msk $0xffff, v51  }
0x34f: {  	v3 =	vld.idx.msk [tilespmem:v46+s3+$0x0], $0xffff;
	v4 =	vor.u32 v8, v42;
	[tilespmem:v57+s18+$0x0] =	vst.idx.msk $0xffff, v50  }
0x350: {  	v54 =	vld.idx.msk [tilespmem:v41+s3+$0x0], $0xffff;
	v56 =	vor.u32 v63, v42;
	[tilespmem:v59+s18+$0x0] =	vst.idx.msk $0xffff, v52  }
0x351: {  	[tilespmem:v43+s18+$0x0] =	vst.idx.msk $0xffff, v55  }
0x352: {  	[tilespmem:v47+s18+$0x0] =	vst.idx.msk $0xffff, v0  }
0x353: {  	[tilespmem:v2+s18+$0x0] =	vst.idx.msk $0xffff, v1  }
0x354: {  	[tilespmem:v4+s18+$0x0] =	vst.idx.msk $0xffff, v3  }
0x355: {  	[tilespmem:v56+s18+$0x0] =	vst.idx.msk $0xffff, v54  }
0x356: {  	v0 =	vld [tilespmem:$0x3150];
	_ =	sdelay $0x4  }
0x357: {  	v57 =	vlaneseq.u32;
	v0 =	vshll.u32 v0, $0xB  }
0x358: {  	v5 =	vld [tilespmem:$0x1FC50];
	v0 =	vor.u32 v57, v0;
	_ =	sdelay $0x1  }
0x359: {  	v9 =	vld [tilespmem:$0x1FC90];
	v1 =	vadd.s32 $0x40, v0  }
0x35a: {  	v8 =	vimm.s32 $0x0;
	v62 =	vld [tilespmem:$0x1FCB0];
	v58 =	vadd.s32 $0x60, v0  }
0x35b: {  	v43 =	vshll.u32 v8, $0x8;
	v10 =	vld [tilespmem:$0x1FCA0];
	v3 =	vadd.s32 $0x50, v0  }
0x35c: {  	v45 =	vor.u32 v5, v43;
	v44 =	vadd.s32 $0x30, v0;
	v42 =	vld.idx.msk [tilespmem:v0+s3+$0x0], $0xffff  }
0x35d: {  	v6 =	vld [tilespmem:$0x1FC60]  }
0x35e: {  	v47 =	vor.u32 v9, v43;
	v1 =	vld.idx.msk [tilespmem:v1+s3+$0x0], $0xffff  }
0x35f: {  	v2 =	vld.idx.msk [tilespmem:v58+s3+$0x0], $0xffff  }
0x360: {  	v59 =	vadd.s32 $0x10, v0;
	v3 =	vld.idx.msk [tilespmem:v3+s3+$0x0], $0xffff  }
0x361: {  	v41 =	vadd.s32 $0x20, v0;
	v48 =	vld.idx.msk [tilespmem:v44+s3+$0x0], $0xffff;
	[tilespmem:v45+s18+$0x0] =	vst.idx.msk $0xffff, v42  }
0x362: {  	v46 =	vadd.s32 $0x70, v0;
	v7 =	vld [tilespmem:$0x1FC70]  }
0x363: {  	v0 =	vadd.s32 $0x80, v0;
	v44 =	vadd.s32 $0x8, v8;
	v8 =	vld [tilespmem:$0x1FC80];
	[tilespmem:v47+s18+$0x0] =	vst.idx.msk $0xffff, v1  }
0x364: {  	v50 =	vor.u32 v62, v43;
	v55 =	vadd.s32 $0x40, v0;
	v1 =	vld [tilespmem:$0x1FCC0]  }
0x365: {  	v52 =	vor.u32 v10, v43;
	v59 =	vld.idx.msk [tilespmem:v59+s3+$0x0], $0xffff;
	v56 =	vadd.s32 $0x60, v0  }
0x366: {  	v60 =	vor.u32 v6, v43;
	v61 =	vld.idx.msk [tilespmem:v41+s3+$0x0], $0xffff;
	v4 =	vadd.s32 $0x50, v0  }
0x367: {  	v49 =	vld.idx.msk [tilespmem:v46+s3+$0x0], $0xffff;
	v63 =	vor.u32 v7, v43  }
0x368: {  	v40 =	vadd.s32 $0x10, v0;
	v46 =	vadd.s32 $0x30, v0;
	v51 =	vld.idx.msk [tilespmem:v0+s3+$0x0], $0xffff;
	v54 =	vor.u32 v8, v43  }
0x369: {  	v45 =	vadd.s32 $0x20, v0;
	v42 =	vshll.u32 v44, $0x8;
	[tilespmem:v50+s18+$0x0] =	vst.idx.msk $0xffff, v2;
	v50 =	vld.idx.msk [tilespmem:v55+s3+$0x0], $0xffff;
	v53 =	vor.u32 v1, v43  }
0x36a: {  	v58 =	vor.u32 v5, v42;
	v57 =	vor.u32 v9, v42;
	[tilespmem:v52+s18+$0x0] =	vst.idx.msk $0xffff, v3;
	v52 =	vld.idx.msk [tilespmem:v56+s3+$0x0], $0xffff  }
0x36b: {  	v41 =	vadd.s32 $0x70, v0;
	v47 =	vor.u32 v6, v42;
	v56 =	vadd.s32 $0x80, v0;
	[tilespmem:v60+s18+$0x0] =	vst.idx.msk $0xffff, v59;
	v55 =	vld.idx.msk [tilespmem:v4+s3+$0x0], $0xffff  }
0x36c: {  	s24 =	simm.s32 $0x8;
	v59 =	vor.u32 v62, v42;
	v43 =	vor.u32 v10, v42;
	[tilespmem:v63+s18+$0x0] =	vst.idx.msk $0xffff, v61;
	v63 =	vmov v1  }
.LBB2_43:
0x36d: {  	v0 =	vadd.s32 $0x40, v56;
	v1 =	vadd.s32 $0x70, v56;
	s24 =	sadd.s32 $0x8, s24;
	v2 =	vld.idx.msk [tilespmem:v40+s3+$0x0], $0xffff;
	v40 =	vadd.s32 $0x10, v56;
	[tilespmem:v54+s18+$0x0] =	vst.idx.msk $0xffff, v48  }
0x36e: {  	v3 =	vadd.s32 $0x50, v56;
	v4 =	vadd.s32 $0x60, v56;
	p0 =	slt.u32 s24, $0x78;
	v60 =	vld.idx.msk [tilespmem:v45+s3+$0x0], $0xffff;
	v45 =	vadd.s32 $0x20, v56;
	[tilespmem:v53+s18+$0x0] =	vst.idx.msk $0xffff, v49  }
0x36f: {  	v61 =	vor.u32 v7, v42;
	v44 =	vadd.s32 $0x8, v44;
	[tilespmem:v58+s18+$0x0] =	vst.idx.msk $0xffff, v51;
	v48 =	vld.idx.msk [tilespmem:v46+s3+$0x0], $0xffff;
	v46 =	vadd.s32 $0x30, v56  }
.Ltmp23:
0x370: {  	v54 =	vor.u32 v8, v42;
	v53 =	vor.u32 v63, v42;
	[tilespmem:v57+s18+$0x0] =	vst.idx.msk $0xffff, v50;
	v49 =	vld.idx.msk [tilespmem:v41+s3+$0x0], $0xffff;
	(pc) =	sbr.rel @p0 .LBB2_43-.Ltmp23, $4  }
0x371: {  	v42 =	vshll.u32 v44, $0x8;
	v41 =	vmov v1;
	v51 =	vld.idx.msk [tilespmem:v56+s3+$0x0], $0xffff;
	[tilespmem:v59+s18+$0x0] =	vst.idx.msk $0xffff, v52  }
0x372: {  	v58 =	vor.u32 v5, v42;
	v50 =	vld.idx.msk [tilespmem:v0+s3+$0x0], $0xffff;
	[tilespmem:v43+s18+$0x0] =	vst.idx.msk $0xffff, v55;
	v43 =	vor.u32 v10, v42  }
0x373: {  	v57 =	vor.u32 v9, v42;
	v56 =	vadd.s32 $0x80, v56;
	v52 =	vld.idx.msk [tilespmem:v4+s3+$0x0], $0xffff;
	[tilespmem:v47+s18+$0x0] =	vst.idx.msk $0xffff, v2  }
0x374: {  	v59 =	vor.u32 v62, v42;
	v47 =	vor.u32 v6, v42;
	v55 =	vld.idx.msk [tilespmem:v3+s3+$0x0], $0xffff;
	[tilespmem:v61+s18+$0x0] =	vst.idx.msk $0xffff, v60  }
0x375: {  	_ =	sdelay $0x3  }
0x376: {  	[tilespmem:v54+s18+$0x0] =	vst.idx.msk $0xffff, v48  }
0x377: {  	v0 =	vld.idx.msk [tilespmem:v40+s3+$0x0], $0xffff;
	[tilespmem:v53+s18+$0x0] =	vst.idx.msk $0xffff, v49  }
0x378: {  	v1 =	vld.idx.msk [tilespmem:v45+s3+$0x0], $0xffff;
	v2 =	vor.u32 v7, v42;
	[tilespmem:v58+s18+$0x0] =	vst.idx.msk $0xffff, v51  }
0x379: {  	v3 =	vld.idx.msk [tilespmem:v46+s3+$0x0], $0xffff;
	v4 =	vor.u32 v8, v42;
	[tilespmem:v57+s18+$0x0] =	vst.idx.msk $0xffff, v50  }
0x37a: {  	v54 =	vld.idx.msk [tilespmem:v41+s3+$0x0], $0xffff;
	v56 =	vor.u32 v63, v42;
	[tilespmem:v59+s18+$0x0] =	vst.idx.msk $0xffff, v52  }
0x37b: {  	[tilespmem:v43+s18+$0x0] =	vst.idx.msk $0xffff, v55  }
0x37c: {  	[tilespmem:v47+s18+$0x0] =	vst.idx.msk $0xffff, v0  }
0x37d: {  	[tilespmem:v2+s18+$0x0] =	vst.idx.msk $0xffff, v1  }
0x37e: {  	[tilespmem:v4+s18+$0x0] =	vst.idx.msk $0xffff, v3  }
0x37f: {  	[tilespmem:v56+s18+$0x0] =	vst.idx.msk $0xffff, v54  }
0x380: {  	v0 =	vld [tilespmem:$0x3160];
	_ =	sdelay $0x4  }
0x381: {  	v57 =	vlaneseq.u32;
	v0 =	vshll.u32 v0, $0xB  }
0x382: {  	v5 =	vld [tilespmem:$0x1FCD0];
	v0 =	vor.u32 v57, v0;
	_ =	sdelay $0x1  }
0x383: {  	v9 =	vld [tilespmem:$0x1FD10];
	v1 =	vadd.s32 $0x40, v0  }
0x384: {  	v8 =	vimm.s32 $0x0;
	v62 =	vld [tilespmem:$0x1FD30];
	v58 =	vadd.s32 $0x60, v0  }
0x385: {  	v43 =	vshll.u32 v8, $0x8;
	v10 =	vld [tilespmem:$0x1FD20];
	v3 =	vadd.s32 $0x50, v0  }
0x386: {  	v45 =	vor.u32 v5, v43;
	v44 =	vadd.s32 $0x30, v0;
	v42 =	vld.idx.msk [tilespmem:v0+s3+$0x0], $0xffff  }
0x387: {  	v6 =	vld [tilespmem:$0x1FCE0]  }
0x388: {  	v47 =	vor.u32 v9, v43;
	v1 =	vld.idx.msk [tilespmem:v1+s3+$0x0], $0xffff  }
0x389: {  	v2 =	vld.idx.msk [tilespmem:v58+s3+$0x0], $0xffff  }
0x38a: {  	v59 =	vadd.s32 $0x10, v0;
	v3 =	vld.idx.msk [tilespmem:v3+s3+$0x0], $0xffff  }
0x38b: {  	v41 =	vadd.s32 $0x20, v0;
	v48 =	vld.idx.msk [tilespmem:v44+s3+$0x0], $0xffff;
	[tilespmem:v45+s18+$0x0] =	vst.idx.msk $0xffff, v42  }
0x38c: {  	v46 =	vadd.s32 $0x70, v0;
	v7 =	vld [tilespmem:$0x1FCF0]  }
0x38d: {  	v0 =	vadd.s32 $0x80, v0;
	v44 =	vadd.s32 $0x8, v8;
	v8 =	vld [tilespmem:$0x1FD00];
	[tilespmem:v47+s18+$0x0] =	vst.idx.msk $0xffff, v1  }
0x38e: {  	v50 =	vor.u32 v62, v43;
	v55 =	vadd.s32 $0x40, v0;
	v1 =	vld [tilespmem:$0x1FD40]  }
0x38f: {  	v52 =	vor.u32 v10, v43;
	v59 =	vld.idx.msk [tilespmem:v59+s3+$0x0], $0xffff;
	v56 =	vadd.s32 $0x60, v0  }
0x390: {  	v60 =	vor.u32 v6, v43;
	v61 =	vld.idx.msk [tilespmem:v41+s3+$0x0], $0xffff;
	v4 =	vadd.s32 $0x50, v0  }
0x391: {  	v49 =	vld.idx.msk [tilespmem:v46+s3+$0x0], $0xffff;
	v63 =	vor.u32 v7, v43  }
0x392: {  	v40 =	vadd.s32 $0x10, v0;
	v46 =	vadd.s32 $0x30, v0;
	v51 =	vld.idx.msk [tilespmem:v0+s3+$0x0], $0xffff;
	v54 =	vor.u32 v8, v43  }
0x393: {  	v45 =	vadd.s32 $0x20, v0;
	v42 =	vshll.u32 v44, $0x8;
	[tilespmem:v50+s18+$0x0] =	vst.idx.msk $0xffff, v2;
	v50 =	vld.idx.msk [tilespmem:v55+s3+$0x0], $0xffff;
	v53 =	vor.u32 v1, v43  }
0x394: {  	v58 =	vor.u32 v5, v42;
	v57 =	vor.u32 v9, v42;
	[tilespmem:v52+s18+$0x0] =	vst.idx.msk $0xffff, v3;
	v52 =	vld.idx.msk [tilespmem:v56+s3+$0x0], $0xffff  }
0x395: {  	v41 =	vadd.s32 $0x70, v0;
	v47 =	vor.u32 v6, v42;
	v56 =	vadd.s32 $0x80, v0;
	[tilespmem:v60+s18+$0x0] =	vst.idx.msk $0xffff, v59;
	v55 =	vld.idx.msk [tilespmem:v4+s3+$0x0], $0xffff  }
0x396: {  	s24 =	simm.s32 $0x8;
	v59 =	vor.u32 v62, v42;
	v43 =	vor.u32 v10, v42;
	[tilespmem:v63+s18+$0x0] =	vst.idx.msk $0xffff, v61;
	v63 =	vmov v1  }
.LBB2_45:
0x397: {  	v0 =	vadd.s32 $0x40, v56;
	v1 =	vadd.s32 $0x70, v56;
	s24 =	sadd.s32 $0x8, s24;
	v2 =	vld.idx.msk [tilespmem:v40+s3+$0x0], $0xffff;
	v40 =	vadd.s32 $0x10, v56;
	[tilespmem:v54+s18+$0x0] =	vst.idx.msk $0xffff, v48  }
0x398: {  	v3 =	vadd.s32 $0x50, v56;
	v4 =	vadd.s32 $0x60, v56;
	p0 =	slt.u32 s24, $0x78;
	v60 =	vld.idx.msk [tilespmem:v45+s3+$0x0], $0xffff;
	v45 =	vadd.s32 $0x20, v56;
	[tilespmem:v53+s18+$0x0] =	vst.idx.msk $0xffff, v49  }
0x399: {  	v61 =	vor.u32 v7, v42;
	v44 =	vadd.s32 $0x8, v44;
	[tilespmem:v58+s18+$0x0] =	vst.idx.msk $0xffff, v51;
	v48 =	vld.idx.msk [tilespmem:v46+s3+$0x0], $0xffff;
	v46 =	vadd.s32 $0x30, v56  }
.Ltmp24:
0x39a: {  	v54 =	vor.u32 v8, v42;
	v53 =	vor.u32 v63, v42;
	[tilespmem:v57+s18+$0x0] =	vst.idx.msk $0xffff, v50;
	v49 =	vld.idx.msk [tilespmem:v41+s3+$0x0], $0xffff;
	(pc) =	sbr.rel @p0 .LBB2_45-.Ltmp24, $4  }
0x39b: {  	v42 =	vshll.u32 v44, $0x8;
	v41 =	vmov v1;
	v51 =	vld.idx.msk [tilespmem:v56+s3+$0x0], $0xffff;
	[tilespmem:v59+s18+$0x0] =	vst.idx.msk $0xffff, v52  }
0x39c: {  	v58 =	vor.u32 v5, v42;
	v50 =	vld.idx.msk [tilespmem:v0+s3+$0x0], $0xffff;
	[tilespmem:v43+s18+$0x0] =	vst.idx.msk $0xffff, v55;
	v43 =	vor.u32 v10, v42  }
0x39d: {  	v57 =	vor.u32 v9, v42;
	v56 =	vadd.s32 $0x80, v56;
	v52 =	vld.idx.msk [tilespmem:v4+s3+$0x0], $0xffff;
	[tilespmem:v47+s18+$0x0] =	vst.idx.msk $0xffff, v2  }
0x39e: {  	v59 =	vor.u32 v62, v42;
	v47 =	vor.u32 v6, v42;
	v55 =	vld.idx.msk [tilespmem:v3+s3+$0x0], $0xffff;
	[tilespmem:v61+s18+$0x0] =	vst.idx.msk $0xffff, v60  }
0x39f: {  	_ =	sdelay $0x3  }
0x3a0: {  	[tilespmem:v54+s18+$0x0] =	vst.idx.msk $0xffff, v48  }
0x3a1: {  	v0 =	vld.idx.msk [tilespmem:v40+s3+$0x0], $0xffff;
	[tilespmem:v53+s18+$0x0] =	vst.idx.msk $0xffff, v49  }
0x3a2: {  	v1 =	vld.idx.msk [tilespmem:v45+s3+$0x0], $0xffff;
	v2 =	vor.u32 v7, v42;
	[tilespmem:v58+s18+$0x0] =	vst.idx.msk $0xffff, v51  }
0x3a3: {  	v3 =	vld.idx.msk [tilespmem:v46+s3+$0x0], $0xffff;
	v4 =	vor.u32 v8, v42;
	[tilespmem:v57+s18+$0x0] =	vst.idx.msk $0xffff, v50  }
0x3a4: {  	v54 =	vld.idx.msk [tilespmem:v41+s3+$0x0], $0xffff;
	v56 =	vor.u32 v63, v42;
	[tilespmem:v59+s18+$0x0] =	vst.idx.msk $0xffff, v52  }
0x3a5: {  	[tilespmem:v43+s18+$0x0] =	vst.idx.msk $0xffff, v55  }
0x3a6: {  	[tilespmem:v47+s18+$0x0] =	vst.idx.msk $0xffff, v0  }
0x3a7: {  	[tilespmem:v2+s18+$0x0] =	vst.idx.msk $0xffff, v1  }
0x3a8: {  	[tilespmem:v4+s18+$0x0] =	vst.idx.msk $0xffff, v3  }
0x3a9: {  	[tilespmem:v56+s18+$0x0] =	vst.idx.msk $0xffff, v54  }
0x3aa: {  	v0 =	vld [tilespmem:$0x3170];
	_ =	sdelay $0x4  }
0x3ab: {  	v57 =	vlaneseq.u32;
	v0 =	vshll.u32 v0, $0xB  }
0x3ac: {  	v5 =	vld [tilespmem:$0x1FD50];
	v0 =	vor.u32 v57, v0;
	_ =	sdelay $0x1  }
0x3ad: {  	v9 =	vld [tilespmem:$0x1FD90];
	v1 =	vadd.s32 $0x40, v0  }
0x3ae: {  	v8 =	vimm.s32 $0x0;
	v62 =	vld [tilespmem:$0x1FDB0];
	v58 =	vadd.s32 $0x60, v0  }
0x3af: {  	v43 =	vshll.u32 v8, $0x8;
	v10 =	vld [tilespmem:$0x1FDA0];
	v3 =	vadd.s32 $0x50, v0  }
0x3b0: {  	v45 =	vor.u32 v5, v43;
	v44 =	vadd.s32 $0x30, v0;
	v42 =	vld.idx.msk [tilespmem:v0+s3+$0x0], $0xffff  }
0x3b1: {  	v6 =	vld [tilespmem:$0x1FD60]  }
0x3b2: {  	v47 =	vor.u32 v9, v43;
	v1 =	vld.idx.msk [tilespmem:v1+s3+$0x0], $0xffff  }
0x3b3: {  	v2 =	vld.idx.msk [tilespmem:v58+s3+$0x0], $0xffff  }
0x3b4: {  	v59 =	vadd.s32 $0x10, v0;
	v3 =	vld.idx.msk [tilespmem:v3+s3+$0x0], $0xffff  }
0x3b5: {  	v41 =	vadd.s32 $0x20, v0;
	v48 =	vld.idx.msk [tilespmem:v44+s3+$0x0], $0xffff;
	[tilespmem:v45+s18+$0x0] =	vst.idx.msk $0xffff, v42  }
0x3b6: {  	v46 =	vadd.s32 $0x70, v0;
	v7 =	vld [tilespmem:$0x1FD70]  }
0x3b7: {  	v0 =	vadd.s32 $0x80, v0;
	v44 =	vadd.s32 $0x8, v8;
	v8 =	vld [tilespmem:$0x1FD80];
	[tilespmem:v47+s18+$0x0] =	vst.idx.msk $0xffff, v1  }
0x3b8: {  	v50 =	vor.u32 v62, v43;
	v55 =	vadd.s32 $0x40, v0;
	v1 =	vld [tilespmem:$0x1FBC0]  }
0x3b9: {  	v52 =	vor.u32 v10, v43;
	v59 =	vld.idx.msk [tilespmem:v59+s3+$0x0], $0xffff;
	v56 =	vadd.s32 $0x60, v0  }
0x3ba: {  	v60 =	vor.u32 v6, v43;
	v61 =	vld.idx.msk [tilespmem:v41+s3+$0x0], $0xffff;
	v4 =	vadd.s32 $0x50, v0  }
0x3bb: {  	v49 =	vld.idx.msk [tilespmem:v46+s3+$0x0], $0xffff;
	v63 =	vor.u32 v7, v43  }
0x3bc: {  	v40 =	vadd.s32 $0x10, v0;
	v46 =	vadd.s32 $0x30, v0;
	v51 =	vld.idx.msk [tilespmem:v0+s3+$0x0], $0xffff;
	v54 =	vor.u32 v8, v43  }
0x3bd: {  	v45 =	vadd.s32 $0x20, v0;
	v42 =	vshll.u32 v44, $0x8;
	[tilespmem:v50+s18+$0x0] =	vst.idx.msk $0xffff, v2;
	v50 =	vld.idx.msk [tilespmem:v55+s3+$0x0], $0xffff;
	v53 =	vor.u32 v1, v43  }
0x3be: {  	v58 =	vor.u32 v5, v42;
	v57 =	vor.u32 v9, v42;
	[tilespmem:v52+s18+$0x0] =	vst.idx.msk $0xffff, v3;
	v52 =	vld.idx.msk [tilespmem:v56+s3+$0x0], $0xffff  }
0x3bf: {  	v41 =	vadd.s32 $0x70, v0;
	v47 =	vor.u32 v6, v42;
	v56 =	vadd.s32 $0x80, v0;
	[tilespmem:v60+s18+$0x0] =	vst.idx.msk $0xffff, v59;
	v55 =	vld.idx.msk [tilespmem:v4+s3+$0x0], $0xffff  }
0x3c0: {  	s24 =	simm.s32 $0x8;
	v59 =	vor.u32 v62, v42;
	v43 =	vor.u32 v10, v42;
	[tilespmem:v63+s18+$0x0] =	vst.idx.msk $0xffff, v61;
	v63 =	vmov v1  }
.LBB2_47:
0x3c1: {  	v0 =	vadd.s32 $0x40, v56;
	v1 =	vadd.s32 $0x70, v56;
	s24 =	sadd.s32 $0x8, s24;
	v2 =	vld.idx.msk [tilespmem:v40+s3+$0x0], $0xffff;
	v40 =	vadd.s32 $0x10, v56;
	[tilespmem:v54+s18+$0x0] =	vst.idx.msk $0xffff, v48  }
0x3c2: {  	v3 =	vadd.s32 $0x50, v56;
	v4 =	vadd.s32 $0x60, v56;
	p0 =	slt.u32 s24, $0x78;
	v60 =	vld.idx.msk [tilespmem:v45+s3+$0x0], $0xffff;
	v45 =	vadd.s32 $0x20, v56;
	[tilespmem:v53+s18+$0x0] =	vst.idx.msk $0xffff, v49  }
0x3c3: {  	v61 =	vor.u32 v7, v42;
	v44 =	vadd.s32 $0x8, v44;
	[tilespmem:v58+s18+$0x0] =	vst.idx.msk $0xffff, v51;
	v48 =	vld.idx.msk [tilespmem:v46+s3+$0x0], $0xffff;
	v46 =	vadd.s32 $0x30, v56  }
.Ltmp25:
0x3c4: {  	v54 =	vor.u32 v8, v42;
	v53 =	vor.u32 v63, v42;
	[tilespmem:v57+s18+$0x0] =	vst.idx.msk $0xffff, v50;
	v49 =	vld.idx.msk [tilespmem:v41+s3+$0x0], $0xffff;
	(pc) =	sbr.rel @p0 .LBB2_47-.Ltmp25, $4  }
0x3c5: {  	v42 =	vshll.u32 v44, $0x8;
	v41 =	vmov v1;
	v51 =	vld.idx.msk [tilespmem:v56+s3+$0x0], $0xffff;
	[tilespmem:v59+s18+$0x0] =	vst.idx.msk $0xffff, v52  }
0x3c6: {  	v58 =	vor.u32 v5, v42;
	v50 =	vld.idx.msk [tilespmem:v0+s3+$0x0], $0xffff;
	[tilespmem:v43+s18+$0x0] =	vst.idx.msk $0xffff, v55;
	v43 =	vor.u32 v10, v42  }
0x3c7: {  	v57 =	vor.u32 v9, v42;
	v56 =	vadd.s32 $0x80, v56;
	v52 =	vld.idx.msk [tilespmem:v4+s3+$0x0], $0xffff;
	[tilespmem:v47+s18+$0x0] =	vst.idx.msk $0xffff, v2  }
0x3c8: {  	v59 =	vor.u32 v62, v42;
	v47 =	vor.u32 v6, v42;
	v55 =	vld.idx.msk [tilespmem:v3+s3+$0x0], $0xffff;
	[tilespmem:v61+s18+$0x0] =	vst.idx.msk $0xffff, v60  }
0x3c9: {  	_ =	sdelay $0x3  }
0x3ca: {  	[tilespmem:v54+s18+$0x0] =	vst.idx.msk $0xffff, v48  }
0x3cb: {  	v0 =	vld.idx.msk [tilespmem:v40+s3+$0x0], $0xffff;
	[tilespmem:v53+s18+$0x0] =	vst.idx.msk $0xffff, v49  }
0x3cc: {  	v1 =	vld.idx.msk [tilespmem:v45+s3+$0x0], $0xffff;
	v2 =	vor.u32 v7, v42;
	[tilespmem:v58+s18+$0x0] =	vst.idx.msk $0xffff, v51  }
0x3cd: {  	v3 =	vld.idx.msk [tilespmem:v46+s3+$0x0], $0xffff;
	v4 =	vor.u32 v8, v42;
	[tilespmem:v57+s18+$0x0] =	vst.idx.msk $0xffff, v50  }
0x3ce: {  	v8 =	vor.u32 v63, v42;
	v57 =	vld.idx.msk [tilespmem:v41+s3+$0x0], $0xffff;
	[tilespmem:v59+s18+$0x0] =	vst.idx.msk $0xffff, v52  }
0x3cf: {  	[tilespmem:v43+s18+$0x0] =	vst.idx.msk $0xffff, v55  }
0x3d0: {  	[tilespmem:v47+s18+$0x0] =	vst.idx.msk $0xffff, v0  }
0x3d1: {  	[tilespmem:v2+s18+$0x0] =	vst.idx.msk $0xffff, v1  }
0x3d2: {  	[tilespmem:v4+s18+$0x0] =	vst.idx.msk $0xffff, v3  }
0x3d3: {  	[tilespmem:v8+s18+$0x0] =	vst.idx.msk $0xffff, v57  }
0x3d4: {  	v0 =	vld [tilespmem:$0x3180];
	_ =	sdelay $0x4  }
0x3d5: {  	v58 =	vlaneseq.u32;
	v0 =	vshll.u32 v0, $0xB  }
0x3d6: {  	v61 =	vld [tilespmem:$0x1FBB0];
	v0 =	vor.u32 v58, v0;
	_ =	sdelay $0x1  }
0x3d7: {  	v62 =	vld [tilespmem:$0x1FBA0];
	v1 =	vadd.s32 $0x40, v0  }
0x3d8: {  	v6 =	vimm.s32 $0x0  }
0x3d9: {  	v42 =	vshll.u32 v6, $0x8;
	v10 =	vld [tilespmem:$0x1FBF0];
	v59 =	vadd.s32 $0x60, v0  }
0x3da: {  	v44 =	vor.u32 v61, v42;
	v43 =	vadd.s32 $0x30, v0;
	v41 =	vld.idx.msk [tilespmem:v0+s3+$0x0], $0xffff  }
0x3db: {  	v9 =	vld [tilespmem:$0x1FC00]  }
0x3dc: {  	v46 =	vor.u32 v62, v42;
	v1 =	vld.idx.msk [tilespmem:v1+s3+$0x0], $0xffff  }
0x3dd: {  	v63 =	vld [tilespmem:$0x1FBE0]  }
0x3de: {  	v3 =	vadd.s32 $0x50, v0;
	v2 =	vld.idx.msk [tilespmem:v59+s3+$0x0], $0xffff  }
0x3df: {  	v8 =	vadd.s32 $0x10, v0;
	v47 =	vld.idx.msk [tilespmem:v43+s3+$0x0], $0xffff;
	[tilespmem:v44+s18+$0x0] =	vst.idx.msk $0xffff, v41  }
0x3e0: {  	v40 =	vadd.s32 $0x20, v0;
	v5 =	vld [tilespmem:$0x1FB60]  }
0x3e1: {  	v45 =	vadd.s32 $0x70, v0;
	v43 =	vadd.s32 $0x8, v6;
	v6 =	vld [tilespmem:$0x1FB70];
	[tilespmem:v46+s18+$0x0] =	vst.idx.msk $0xffff, v1  }
0x3e2: {  	v49 =	vor.u32 v10, v42;
	v0 =	vadd.s32 $0x80, v0;
	v7 =	vld [tilespmem:$0x1FC10]  }
0x3e3: {  	v51 =	vor.u32 v9, v42;
	v56 =	vld.idx.msk [tilespmem:v3+s3+$0x0], $0xffff;
	v54 =	vadd.s32 $0x40, v0  }
0x3e4: {  	v58 =	vld.idx.msk [tilespmem:v8+s3+$0x0], $0xffff;
	v59 =	vor.u32 v63, v42;
	v55 =	vadd.s32 $0x60, v0  }
0x3e5: {  	v60 =	vld.idx.msk [tilespmem:v40+s3+$0x0], $0xffff;
	v4 =	vadd.s32 $0x50, v0;
	v3 =	vor.u32 v5, v42  }
0x3e6: {  	v8 =	vadd.s32 $0x10, v0;
	v48 =	vld.idx.msk [tilespmem:v45+s3+$0x0], $0xffff;
	v45 =	vadd.s32 $0x30, v0;
	v53 =	vor.u32 v6, v42  }
0x3e7: {  	v44 =	vadd.s32 $0x20, v0;
	v50 =	vld.idx.msk [tilespmem:v0+s3+$0x0], $0xffff;
	v41 =	vshll.u32 v43, $0x8;
	[tilespmem:v49+s18+$0x0] =	vst.idx.msk $0xffff, v2;
	v52 =	vor.u32 v7, v42  }
0x3e8: {  	v57 =	vor.u32 v61, v41;
	v46 =	vor.u32 v63, v41;
	v49 =	vld.idx.msk [tilespmem:v54+s3+$0x0], $0xffff;
	[tilespmem:v51+s18+$0x0] =	vst.idx.msk $0xffff, v56  }
0x3e9: {  	v40 =	vadd.s32 $0x70, v0;
	v56 =	vor.u32 v62, v41;
	v51 =	vld.idx.msk [tilespmem:v55+s3+$0x0], $0xffff;
	v55 =	vadd.s32 $0x80, v0;
	[tilespmem:v59+s18+$0x0] =	vst.idx.msk $0xffff, v58  }
0x3ea: {  	s24 =	simm.s32 $0x8;
	v54 =	vld.idx.msk [tilespmem:v4+s3+$0x0], $0xffff;
	v58 =	vor.u32 v10, v41;
	v42 =	vor.u32 v9, v41;
	[tilespmem:v3+s18+$0x0] =	vst.idx.msk $0xffff, v60  }
.LBB2_49:
0x3eb: {  	v0 =	vadd.s32 $0x40, v55;
	v1 =	vadd.s32 $0x70, v55;
	s24 =	sadd.s32 $0x8, s24;
	v2 =	vld.idx.msk [tilespmem:v8+s3+$0x0], $0xffff;
	v8 =	vadd.s32 $0x10, v55;
	[tilespmem:v53+s18+$0x0] =	vst.idx.msk $0xffff, v47  }
0x3ec: {  	v3 =	vadd.s32 $0x50, v55;
	v4 =	vadd.s32 $0x60, v55;
	p0 =	slt.u32 s24, $0x78;
	v59 =	vld.idx.msk [tilespmem:v44+s3+$0x0], $0xffff;
	v44 =	vadd.s32 $0x20, v55;
	[tilespmem:v52+s18+$0x0] =	vst.idx.msk $0xffff, v48  }
0x3ed: {  	v60 =	vor.u32 v5, v41;
	v43 =	vadd.s32 $0x8, v43;
	[tilespmem:v57+s18+$0x0] =	vst.idx.msk $0xffff, v50;
	v47 =	vld.idx.msk [tilespmem:v45+s3+$0x0], $0xffff;
	v45 =	vadd.s32 $0x30, v55  }
.Ltmp26:
0x3ee: {  	v53 =	vor.u32 v6, v41;
	v52 =	vor.u32 v7, v41;
	[tilespmem:v56+s18+$0x0] =	vst.idx.msk $0xffff, v49;
	v48 =	vld.idx.msk [tilespmem:v40+s3+$0x0], $0xffff;
	(pc) =	sbr.rel @p0 .LBB2_49-.Ltmp26, $4  }
0x3ef: {  	v41 =	vshll.u32 v43, $0x8;
	v40 =	vmov v1;
	v50 =	vld.idx.msk [tilespmem:v55+s3+$0x0], $0xffff;
	[tilespmem:v58+s18+$0x0] =	vst.idx.msk $0xffff, v51  }
0x3f0: {  	v57 =	vor.u32 v61, v41;
	v49 =	vld.idx.msk [tilespmem:v0+s3+$0x0], $0xffff;
	[tilespmem:v42+s18+$0x0] =	vst.idx.msk $0xffff, v54;
	v42 =	vor.u32 v9, v41  }
0x3f1: {  	v56 =	vor.u32 v62, v41;
	v55 =	vadd.s32 $0x80, v55;
	v51 =	vld.idx.msk [tilespmem:v4+s3+$0x0], $0xffff;
	[tilespmem:v46+s18+$0x0] =	vst.idx.msk $0xffff, v2  }
0x3f2: {  	v58 =	vor.u32 v10, v41;
	v46 =	vor.u32 v63, v41;
	v54 =	vld.idx.msk [tilespmem:v3+s3+$0x0], $0xffff;
	[tilespmem:v60+s18+$0x0] =	vst.idx.msk $0xffff, v59  }
0x3f3: {  	_ =	sdelay $0x3  }
0x3f4: {  	[tilespmem:v53+s18+$0x0] =	vst.idx.msk $0xffff, v47  }
0x3f5: {  	v0 =	vld.idx.msk [tilespmem:v8+s3+$0x0], $0xffff;
	[tilespmem:v52+s18+$0x0] =	vst.idx.msk $0xffff, v48  }
0x3f6: {  	v1 =	vld.idx.msk [tilespmem:v44+s3+$0x0], $0xffff;
	v2 =	vor.u32 v5, v41;
	[tilespmem:v57+s18+$0x0] =	vst.idx.msk $0xffff, v50  }
0x3f7: {  	v3 =	vld.idx.msk [tilespmem:v45+s3+$0x0], $0xffff;
	v4 =	vor.u32 v6, v41;
	[tilespmem:v56+s18+$0x0] =	vst.idx.msk $0xffff, v49  }
0x3f8: {  	v6 =	vld.idx.msk [tilespmem:v40+s3+$0x0], $0xffff;
	v8 =	vor.u32 v7, v41;
	[tilespmem:v58+s18+$0x0] =	vst.idx.msk $0xffff, v51  }
0x3f9: {  	[tilespmem:v42+s18+$0x0] =	vst.idx.msk $0xffff, v54  }
0x3fa: {  	[tilespmem:v46+s18+$0x0] =	vst.idx.msk $0xffff, v0  }
0x3fb: {  	[tilespmem:v2+s18+$0x0] =	vst.idx.msk $0xffff, v1  }
0x3fc: {  	[tilespmem:v4+s18+$0x0] =	vst.idx.msk $0xffff, v3  }
0x3fd: {  	[tilespmem:v8+s18+$0x0] =	vst.idx.msk $0xffff, v6  }
0x3fe: {  	v0 =	vld [tilespmem:$0x3190];
	_ =	sdelay $0x4  }
0x3ff: {  	v61 =	vlaneseq.u32;
	v0 =	vshll.u32 v0, $0xB  }
0x400: {  	v0 =	vor.u32 v61, v0;
	_ =	sdelay $0x2  }
0x401: {  	v4 =	vimm.s32 $0x0;
	v1 =	vadd.s32 $0x40, v0  }
0x402: {  	v10 =	vshll.u32 v4, $0x8;
	v2 =	vadd.s32 $0x60, v0  }
0x403: {  	v62 =	vor.u32 v17, v10;
	v3 =	vadd.s32 $0x50, v0;
	v9 =	vld.idx.msk [tilespmem:v0+s3+$0x0], $0xffff;
	_ =	sdelay $0x1  }
0x404: {  	v6 =	vadd.s32 $0x10, v0  }
0x405: {  	v8 =	vadd.s32 $0x20, v0;
	v42 =	vld.idx.msk [tilespmem:v1+s3+$0x0], $0xffff  }
0x406: {  	v60 =	vadd.s32 $0x30, v0;
	v47 =	vld.idx.msk [tilespmem:v2+s3+$0x0], $0xffff  }
0x407: {  	v43 =	vadd.s32 $0x70, v0;
	v3 =	vld.idx.msk [tilespmem:v3+s3+$0x0], $0xffff;
	[tilespmem:v62+s18+$0x0] =	vst.idx.msk $0xffff, v9  }
0x408: {  	v63 =	vor.u32 v18, v10;
	v5 =	vld [tilespmem:$0x1FB80]  }
0x409: {  	v53 =	vld.idx.msk [tilespmem:v6+s3+$0x0], $0xffff  }
0x40a: {  	v49 =	vor.u32 v13, v10;
	v48 =	vadd.s32 $0x80, v0;
	v56 =	vld.idx.msk [tilespmem:v8+s3+$0x0], $0xffff  }
0x40b: {  	v51 =	vor.u32 v11, v10;
	v55 =	vadd.s32 $0x60, v48;
	v40 =	vld.idx.msk [tilespmem:v60+s3+$0x0], $0xffff  }
0x40c: {  	v54 =	vor.u32 v15, v10;
	v52 =	vadd.s32 $0x40, v48;
	v41 =	vld.idx.msk [tilespmem:v43+s3+$0x0], $0xffff  }
0x40d: {  	v57 =	vadd.s32 $0x50, v48;
	v7 =	vld [tilespmem:$0x1FB90];
	[tilespmem:v63+s18+$0x0] =	vst.idx.msk $0xffff, v42;
	v58 =	vor.u32 v5, v10  }
0x40e: {  	v63 =	vld [tilespmem:$0x1FBD0]  }
0x40f: {  	v43 =	vld.idx.msk [tilespmem:v48+s3+$0x0], $0xffff;
	[tilespmem:v49+s18+$0x0] =	vst.idx.msk $0xffff, v47  }
0x410: {  	v44 =	vld.idx.msk [tilespmem:v55+s3+$0x0], $0xffff;
	[tilespmem:v51+s18+$0x0] =	vst.idx.msk $0xffff, v3  }
0x411: {  	v42 =	vld.idx.msk [tilespmem:v52+s3+$0x0], $0xffff;
	[tilespmem:v54+s18+$0x0] =	vst.idx.msk $0xffff, v53  }
0x412: {  	v0 =	vadd.s32 $0x10, v48;
	v6 =	vadd.s32 $0x8, v4;
	v47 =	vld.idx.msk [tilespmem:v57+s3+$0x0], $0xffff;
	v46 =	vor.u32 v7, v10;
	[tilespmem:v58+s18+$0x0] =	vst.idx.msk $0xffff, v56  }
0x413: {  	v8 =	vadd.s32 $0x20, v48;
	v2 =	vshll.u32 v6, $0x8;
	v45 =	vor.u32 v63, v10;
	v58 =	vld [tilespmem:$0x1FE30]  }
0x414: {  	v50 =	vor.u32 v17, v2;
	v9 =	vadd.s32 $0x30, v48;
	v62 =	vld [tilespmem:$0x1FE50]  }
0x415: {  	v1 =	vadd.s32 $0x70, v48;
	v4 =	vor.u32 v11, v2;
	v49 =	vor.u32 v18, v2;
	v59 =	vld [tilespmem:$0x1FE40]  }
0x416: {  	s24 =	simm.s32 $0x8;
	v48 =	vadd.s32 $0x80, v48;
	v51 =	vor.u32 v13, v2;
	v10 =	vor.u32 v15, v2;
	v60 =	vld [tilespmem:$0x1FE70]  }
.LBB2_51:
0x417: {  	v3 =	vadd.s32 $0x40, v48;
	v52 =	vadd.s32 $0x70, v48;
	s24 =	sadd.s32 $0x8, s24;
	v53 =	vld.idx.msk [tilespmem:v0+s3+$0x0], $0xffff;
	v0 =	vadd.s32 $0x10, v48;
	[tilespmem:v46+s18+$0x0] =	vst.idx.msk $0xffff, v40  }
0x418: {  	v54 =	vadd.s32 $0x50, v48;
	v55 =	vadd.s32 $0x60, v48;
	p0 =	slt.u32 s24, $0x78;
	v56 =	vld.idx.msk [tilespmem:v8+s3+$0x0], $0xffff;
	v8 =	vadd.s32 $0x20, v48;
	[tilespmem:v45+s18+$0x0] =	vst.idx.msk $0xffff, v41  }
0x419: {  	v57 =	vor.u32 v5, v2;
	v6 =	vadd.s32 $0x8, v6;
	[tilespmem:v50+s18+$0x0] =	vst.idx.msk $0xffff, v43;
	v40 =	vld.idx.msk [tilespmem:v9+s3+$0x0], $0xffff;
	v9 =	vadd.s32 $0x30, v48  }
.Ltmp27:
0x41a: {  	v46 =	vor.u32 v7, v2;
	v45 =	vor.u32 v63, v2;
	[tilespmem:v49+s18+$0x0] =	vst.idx.msk $0xffff, v42;
	v41 =	vld.idx.msk [tilespmem:v1+s3+$0x0], $0xffff;
	(pc) =	sbr.rel @p0 .LBB2_51-.Ltmp27, $4  }
0x41b: {  	v2 =	vshll.u32 v6, $0x8;
	v1 =	vmov v52;
	v43 =	vld.idx.msk [tilespmem:v48+s3+$0x0], $0xffff;
	[tilespmem:v51+s18+$0x0] =	vst.idx.msk $0xffff, v44  }
0x41c: {  	v50 =	vor.u32 v17, v2;
	v42 =	vld.idx.msk [tilespmem:v3+s3+$0x0], $0xffff;
	[tilespmem:v4+s18+$0x0] =	vst.idx.msk $0xffff, v47;
	v4 =	vor.u32 v11, v2  }
0x41d: {  	v49 =	vor.u32 v18, v2;
	v48 =	vadd.s32 $0x80, v48;
	v44 =	vld.idx.msk [tilespmem:v55+s3+$0x0], $0xffff;
	[tilespmem:v10+s18+$0x0] =	vst.idx.msk $0xffff, v53  }
0x41e: {  	v51 =	vor.u32 v13, v2;
	v10 =	vor.u32 v15, v2;
	v47 =	vld.idx.msk [tilespmem:v54+s3+$0x0], $0xffff;
	[tilespmem:v57+s18+$0x0] =	vst.idx.msk $0xffff, v56  }
0x41f: {  	_ =	sdelay $0x3  }
0x420: {  	[tilespmem:v46+s18+$0x0] =	vst.idx.msk $0xffff, v40  }
0x421: {  	v0 =	vld.idx.msk [tilespmem:v0+s3+$0x0], $0xffff;
	[tilespmem:v45+s18+$0x0] =	vst.idx.msk $0xffff, v41  }
0x422: {  	v3 =	vld.idx.msk [tilespmem:v8+s3+$0x0], $0xffff;
	v6 =	vor.u32 v5, v2;
	[tilespmem:v50+s18+$0x0] =	vst.idx.msk $0xffff, v43  }
0x423: {  	v8 =	vld.idx.msk [tilespmem:v9+s3+$0x0], $0xffff;
	v5 =	vor.u32 v7, v2;
	[tilespmem:v49+s18+$0x0] =	vst.idx.msk $0xffff, v42  }
0x424: {  	v1 =	vld.idx.msk [tilespmem:v1+s3+$0x0], $0xffff;
	v2 =	vor.u32 v63, v2;
	[tilespmem:v51+s18+$0x0] =	vst.idx.msk $0xffff, v44  }
0x425: {  	[tilespmem:v4+s18+$0x0] =	vst.idx.msk $0xffff, v47  }
0x426: {  	[tilespmem:v10+s18+$0x0] =	vst.idx.msk $0xffff, v0  }
0x427: {  	[tilespmem:v6+s18+$0x0] =	vst.idx.msk $0xffff, v3  }
0x428: {  	[tilespmem:v5+s18+$0x0] =	vst.idx.msk $0xffff, v8  }
0x429: {  	[tilespmem:v2+s18+$0x0] =	vst.idx.msk $0xffff, v1  }
0x42a: {  	v0 =	vld [tilespmem:$0x31A0];
	_ =	sdelay $0x4  }
0x42b: {  	v0 =	vshll.u32 v0, $0xB  }
0x42c: {  	v0 =	vor.u32 v61, v0  }
0x42d: {  	v1 =	vadd.s32 $0x40, v0  }
0x42e: {  	v2 =	vadd.s32 $0x60, v0  }
0x42f: {  	v3 =	vadd.s32 $0x50, v0  }
0x430: {  	v4 =	vimm.s32 $0x0;
	v5 =	vadd.s32 $0x10, v0  }
0x431: {  	v10 =	vshll.u32 v4, $0x8;
	v6 =	vadd.s32 $0x20, v0;
	v7 =	vld.idx.msk [tilespmem:v0+s3+$0x0], $0xffff  }
0x432: {  	v9 =	vor.u32 v25, v10;
	v8 =	vadd.s32 $0x30, v0;
	v11 =	vld.idx.msk [tilespmem:v1+s3+$0x0], $0xffff  }
0x433: {  	v15 =	vor.u32 v26, v10;
	v13 =	vadd.s32 $0x70, v0;
	v52 =	vadd.s32 $0x80, v0;
	v18 =	vld.idx.msk [tilespmem:v2+s3+$0x0], $0xffff  }
0x434: {  	v56 =	vadd.s32 $0x60, v52;
	v41 =	vld.idx.msk [tilespmem:v3+s3+$0x0], $0xffff;
	v3 =	vor.u32 v21, v10  }
0x435: {  	v53 =	vor.u32 v19, v10;
	v45 =	vld.idx.msk [tilespmem:v5+s3+$0x0], $0xffff  }
0x436: {  	v55 =	vor.u32 v23, v10;
	v54 =	vadd.s32 $0x40, v52;
	v48 =	vld.idx.msk [tilespmem:v6+s3+$0x0], $0xffff  }
0x437: {  	v4 =	vadd.s32 $0x8, v4;
	v63 =	vor.u32 v12, v10;
	v57 =	vadd.s32 $0x50, v52;
	v8 =	vld.idx.msk [tilespmem:v8+s3+$0x0], $0xffff;
	[tilespmem:v9+s18+$0x0] =	vst.idx.msk $0xffff, v7  }
0x438: {  	v17 =	vor.u32 v14, v10;
	v40 =	vadd.s32 $0x80, v52;
	v0 =	vadd.s32 $0x10, v52;
	v9 =	vld.idx.msk [tilespmem:v13+s3+$0x0], $0xffff;
	[tilespmem:v15+s18+$0x0] =	vst.idx.msk $0xffff, v11  }
0x439: {  	v5 =	vadd.s32 $0x20, v52;
	v2 =	vshll.u32 v4, $0x8;
	v13 =	vld.idx.msk [tilespmem:v56+s3+$0x0], $0xffff;
	v15 =	vor.u32 v16, v10;
	[tilespmem:v3+s18+$0x0] =	vst.idx.msk $0xffff, v18  }
0x43a: {  	v1 =	vadd.s32 $0x70, v52;
	v6 =	vadd.s32 $0x30, v52;
	v42 =	vor.u32 v25, v2;
	v11 =	vld.idx.msk [tilespmem:v52+s3+$0x0], $0xffff;
	[tilespmem:v53+s18+$0x0] =	vst.idx.msk $0xffff, v41  }
0x43b: {  	v43 =	vor.u32 v21, v2;
	v10 =	vld.idx.msk [tilespmem:v54+s3+$0x0], $0xffff;
	v41 =	vor.u32 v26, v2;
	[tilespmem:v55+s18+$0x0] =	vst.idx.msk $0xffff, v45  }
0x43c: {  	s24 =	simm.s32 $0x8;
	v7 =	vor.u32 v23, v2;
	v3 =	vor.u32 v19, v2;
	v18 =	vld.idx.msk [tilespmem:v57+s3+$0x0], $0xffff;
	[tilespmem:v63+s18+$0x0] =	vst.idx.msk $0xffff, v48  }
.LBB2_53:
0x43d: {  	v44 =	vadd.s32 $0x40, v40;
	v45 =	vadd.s32 $0x70, v40;
	s24 =	sadd.s32 $0x8, s24;
	v46 =	vld.idx.msk [tilespmem:v0+s3+$0x0], $0xffff;
	v0 =	vadd.s32 $0x10, v40;
	[tilespmem:v17+s18+$0x0] =	vst.idx.msk $0xffff, v8  }
0x43e: {  	v47 =	vadd.s32 $0x50, v40;
	v48 =	vadd.s32 $0x60, v40;
	p0 =	slt.u32 s24, $0x78;
	v49 =	vld.idx.msk [tilespmem:v5+s3+$0x0], $0xffff;
	v5 =	vadd.s32 $0x20, v40;
	[tilespmem:v15+s18+$0x0] =	vst.idx.msk $0xffff, v9  }
0x43f: {  	v50 =	vor.u32 v12, v2;
	v4 =	vadd.s32 $0x8, v4;
	[tilespmem:v42+s18+$0x0] =	vst.idx.msk $0xffff, v11;
	v8 =	vld.idx.msk [tilespmem:v6+s3+$0x0], $0xffff;
	v6 =	vadd.s32 $0x30, v40  }
.Ltmp28:
0x440: {  	v17 =	vor.u32 v14, v2;
	v15 =	vor.u32 v16, v2;
	[tilespmem:v41+s18+$0x0] =	vst.idx.msk $0xffff, v10;
	v9 =	vld.idx.msk [tilespmem:v1+s3+$0x0], $0xffff;
	(pc) =	sbr.rel @p0 .LBB2_53-.Ltmp28, $4  }
0x441: {  	v2 =	vshll.u32 v4, $0x8;
	v1 =	vmov v45;
	v11 =	vld.idx.msk [tilespmem:v40+s3+$0x0], $0xffff;
	[tilespmem:v43+s18+$0x0] =	vst.idx.msk $0xffff, v13  }
0x442: {  	v42 =	vor.u32 v25, v2;
	v10 =	vld.idx.msk [tilespmem:v44+s3+$0x0], $0xffff;
	[tilespmem:v3+s18+$0x0] =	vst.idx.msk $0xffff, v18;
	v3 =	vor.u32 v19, v2  }
0x443: {  	v41 =	vor.u32 v26, v2;
	v40 =	vadd.s32 $0x80, v40;
	v13 =	vld.idx.msk [tilespmem:v48+s3+$0x0], $0xffff;
	[tilespmem:v7+s18+$0x0] =	vst.idx.msk $0xffff, v46  }
0x444: {  	v43 =	vor.u32 v21, v2;
	v7 =	vor.u32 v23, v2;
	v18 =	vld.idx.msk [tilespmem:v47+s3+$0x0], $0xffff;
	[tilespmem:v50+s18+$0x0] =	vst.idx.msk $0xffff, v49  }
0x445: {  	_ =	sdelay $0x3  }
0x446: {  	[tilespmem:v17+s18+$0x0] =	vst.idx.msk $0xffff, v8  }
0x447: {  	v0 =	vld.idx.msk [tilespmem:v0+s3+$0x0], $0xffff;
	[tilespmem:v15+s18+$0x0] =	vst.idx.msk $0xffff, v9  }
0x448: {  	v4 =	vld.idx.msk [tilespmem:v5+s3+$0x0], $0xffff;
	v5 =	vor.u32 v12, v2;
	[tilespmem:v42+s18+$0x0] =	vst.idx.msk $0xffff, v11  }
0x449: {  	v6 =	vld.idx.msk [tilespmem:v6+s3+$0x0], $0xffff;
	v8 =	vor.u32 v14, v2;
	[tilespmem:v41+s18+$0x0] =	vst.idx.msk $0xffff, v10  }
0x44a: {  	v1 =	vld.idx.msk [tilespmem:v1+s3+$0x0], $0xffff;
	v2 =	vor.u32 v16, v2;
	[tilespmem:v43+s18+$0x0] =	vst.idx.msk $0xffff, v13  }
0x44b: {  	[tilespmem:v3+s18+$0x0] =	vst.idx.msk $0xffff, v18  }
0x44c: {  	[tilespmem:v7+s18+$0x0] =	vst.idx.msk $0xffff, v0  }
0x44d: {  	[tilespmem:v5+s18+$0x0] =	vst.idx.msk $0xffff, v4  }
0x44e: {  	[tilespmem:v8+s18+$0x0] =	vst.idx.msk $0xffff, v6  }
0x44f: {  	[tilespmem:v2+s18+$0x0] =	vst.idx.msk $0xffff, v1  }
0x450: {  	v0 =	vld [tilespmem:$0x31B0];
	_ =	sdelay $0x4  }
0x451: {  	v0 =	vshll.u32 v0, $0xB  }
0x452: {  	v0 =	vor.u32 v61, v0  }
0x453: {  	v1 =	vadd.s32 $0x40, v0  }
0x454: {  	v2 =	vadd.s32 $0x60, v0  }
0x455: {  	v3 =	vadd.s32 $0x50, v0  }
0x456: {  	v4 =	vimm.s32 $0x0;
	v5 =	vadd.s32 $0x10, v0  }
0x457: {  	v10 =	vshll.u32 v4, $0x8;
	v6 =	vadd.s32 $0x20, v0;
	v7 =	vld.idx.msk [tilespmem:v0+s3+$0x0], $0xffff  }
0x458: {  	v9 =	vor.u32 v33, v10;
	v8 =	vadd.s32 $0x30, v0;
	v11 =	vld.idx.msk [tilespmem:v1+s3+$0x0], $0xffff  }
0x459: {  	v13 =	vor.u32 v34, v10;
	v12 =	vadd.s32 $0x70, v0;
	v16 =	vadd.s32 $0x80, v0;
	v15 =	vld.idx.msk [tilespmem:v2+s3+$0x0], $0xffff  }
0x45a: {  	v26 =	vadd.s32 $0x60, v16;
	v17 =	vld.idx.msk [tilespmem:v3+s3+$0x0], $0xffff;
	v3 =	vor.u32 v29, v10  }
0x45b: {  	v19 =	vor.u32 v27, v10;
	v23 =	vld.idx.msk [tilespmem:v5+s3+$0x0], $0xffff  }
0x45c: {  	v25 =	vor.u32 v31, v10;
	v21 =	vadd.s32 $0x40, v16;
	v40 =	vld.idx.msk [tilespmem:v6+s3+$0x0], $0xffff  }
0x45d: {  	v63 =	vor.u32 v20, v10;
	v57 =	vadd.s32 $0x50, v16;
	v8 =	vld.idx.msk [tilespmem:v8+s3+$0x0], $0xffff;
	[tilespmem:v9+s18+$0x0] =	vst.idx.msk $0xffff, v7  }
0x45e: {  	v9 =	vld.idx.msk [tilespmem:v12+s3+$0x0], $0xffff;
	[tilespmem:v13+s18+$0x0] =	vst.idx.msk $0xffff, v11  }
0x45f: {  	v12 =	vld.idx.msk [tilespmem:v26+s3+$0x0], $0xffff;
	[tilespmem:v3+s18+$0x0] =	vst.idx.msk $0xffff, v15  }
0x460: {  	v11 =	vld.idx.msk [tilespmem:v16+s3+$0x0], $0xffff;
	[tilespmem:v19+s18+$0x0] =	vst.idx.msk $0xffff, v17  }
0x461: {  	v14 =	vor.u32 v22, v10;
	v13 =	vor.u32 v24, v10;
	v10 =	vld.idx.msk [tilespmem:v21+s3+$0x0], $0xffff;
	[tilespmem:v25+s18+$0x0] =	vst.idx.msk $0xffff, v23  }
0x462: {  	v15 =	vld.idx.msk [tilespmem:v57+s3+$0x0], $0xffff;
	[tilespmem:v63+s18+$0x0] =	vst.idx.msk $0xffff, v40  }
0x463: {  	v51 =	vld [tilespmem:$0x1FF90]  }
0x464: {  	v4 =	vadd.s32 $0x8, v4;
	v0 =	vadd.s32 $0x10, v16;
	v52 =	vld [tilespmem:$0x1FFA0]  }
0x465: {  	v5 =	vadd.s32 $0x20, v16;
	v2 =	vshll.u32 v4, $0x8;
	v63 =	vld [tilespmem:$0x1FFB0]  }
0x466: {  	v6 =	vadd.s32 $0x30, v16;
	v18 =	vor.u32 v33, v2;
	v55 =	vld [tilespmem:$0x1FFC0]  }
0x467: {  	v1 =	vadd.s32 $0x70, v16;
	v7 =	vor.u32 v31, v2;
	v17 =	vor.u32 v34, v2;
	v56 =	vld [tilespmem:$0x1FFD0]  }
0x468: {  	s24 =	simm.s32 $0x8;
	v3 =	vor.u32 v27, v2;
	v16 =	vadd.s32 $0x80, v16;
	v19 =	vor.u32 v29, v2;
	v57 =	vld [tilespmem:$0x1FFE0]  }
.LBB2_55:
0x469: {  	v21 =	vadd.s32 $0x40, v16;
	v23 =	vadd.s32 $0x70, v16;
	s24 =	sadd.s32 $0x8, s24;
	v25 =	vld.idx.msk [tilespmem:v0+s3+$0x0], $0xffff;
	v0 =	vadd.s32 $0x10, v16;
	[tilespmem:v14+s18+$0x0] =	vst.idx.msk $0xffff, v8  }
0x46a: {  	v26 =	vadd.s32 $0x50, v16;
	v40 =	vadd.s32 $0x60, v16;
	p0 =	slt.u32 s24, $0x78;
	v41 =	vld.idx.msk [tilespmem:v5+s3+$0x0], $0xffff;
	v5 =	vadd.s32 $0x20, v16;
	[tilespmem:v13+s18+$0x0] =	vst.idx.msk $0xffff, v9  }
0x46b: {  	v42 =	vor.u32 v20, v2;
	v4 =	vadd.s32 $0x8, v4;
	[tilespmem:v18+s18+$0x0] =	vst.idx.msk $0xffff, v11;
	v8 =	vld.idx.msk [tilespmem:v6+s3+$0x0], $0xffff;
	v6 =	vadd.s32 $0x30, v16  }
.Ltmp29:
0x46c: {  	v14 =	vor.u32 v22, v2;
	v13 =	vor.u32 v24, v2;
	[tilespmem:v17+s18+$0x0] =	vst.idx.msk $0xffff, v10;
	v9 =	vld.idx.msk [tilespmem:v1+s3+$0x0], $0xffff;
	(pc) =	sbr.rel @p0 .LBB2_55-.Ltmp29, $4  }
0x46d: {  	v2 =	vshll.u32 v4, $0x8;
	v1 =	vmov v23;
	v11 =	vld.idx.msk [tilespmem:v16+s3+$0x0], $0xffff;
	[tilespmem:v19+s18+$0x0] =	vst.idx.msk $0xffff, v12  }
0x46e: {  	v18 =	vor.u32 v33, v2;
	v10 =	vld.idx.msk [tilespmem:v21+s3+$0x0], $0xffff;
	[tilespmem:v3+s18+$0x0] =	vst.idx.msk $0xffff, v15;
	v3 =	vor.u32 v27, v2  }
0x46f: {  	v17 =	vor.u32 v34, v2;
	v16 =	vadd.s32 $0x80, v16;
	v12 =	vld.idx.msk [tilespmem:v40+s3+$0x0], $0xffff;
	[tilespmem:v7+s18+$0x0] =	vst.idx.msk $0xffff, v25  }
0x470: {  	v19 =	vor.u32 v29, v2;
	v7 =	vor.u32 v31, v2;
	v15 =	vld.idx.msk [tilespmem:v26+s3+$0x0], $0xffff;
	[tilespmem:v42+s18+$0x0] =	vst.idx.msk $0xffff, v41  }
0x471: {  	_ =	sdelay $0x3  }
0x472: {  	[tilespmem:v14+s18+$0x0] =	vst.idx.msk $0xffff, v8  }
0x473: {  	v0 =	vld.idx.msk [tilespmem:v0+s3+$0x0], $0xffff;
	[tilespmem:v13+s18+$0x0] =	vst.idx.msk $0xffff, v9  }
0x474: {  	v4 =	vld.idx.msk [tilespmem:v5+s3+$0x0], $0xffff;
	v5 =	vor.u32 v20, v2;
	[tilespmem:v18+s18+$0x0] =	vst.idx.msk $0xffff, v11  }
0x475: {  	v6 =	vld.idx.msk [tilespmem:v6+s3+$0x0], $0xffff;
	v8 =	vor.u32 v22, v2;
	[tilespmem:v17+s18+$0x0] =	vst.idx.msk $0xffff, v10  }
0x476: {  	v1 =	vld.idx.msk [tilespmem:v1+s3+$0x0], $0xffff;
	v2 =	vor.u32 v24, v2;
	[tilespmem:v19+s18+$0x0] =	vst.idx.msk $0xffff, v12  }
0x477: {  	[tilespmem:v3+s18+$0x0] =	vst.idx.msk $0xffff, v15  }
0x478: {  	[tilespmem:v7+s18+$0x0] =	vst.idx.msk $0xffff, v0  }
0x479: {  	[tilespmem:v5+s18+$0x0] =	vst.idx.msk $0xffff, v4  }
0x47a: {  	[tilespmem:v8+s18+$0x0] =	vst.idx.msk $0xffff, v6  }
0x47b: {  	[tilespmem:v2+s18+$0x0] =	vst.idx.msk $0xffff, v1  }
0x47c: {  	v0 =	vld [tilespmem:$0x31C0];
	_ =	sdelay $0x4  }
0x47d: {  	v0 =	vshll.u32 v0, $0xB  }
0x47e: {  	v0 =	vor.u32 v61, v0  }
0x47f: {  	v1 =	vadd.s32 $0x40, v0  }
0x480: {  	v2 =	vadd.s32 $0x60, v0  }
0x481: {  	v3 =	vadd.s32 $0x50, v0  }
0x482: {  	v4 =	vimm.s32 $0x0;
	v5 =	vadd.s32 $0x10, v0  }
0x483: {  	v10 =	vshll.u32 v4, $0x8;
	v6 =	vadd.s32 $0x20, v0;
	v7 =	vld.idx.msk [tilespmem:v0+s3+$0x0], $0xff  }
0x484: {  	v9 =	vor.u32 v38, v10;
	v8 =	vadd.s32 $0x30, v0;
	v11 =	vld.idx.msk [tilespmem:v1+s3+$0x0], $0xff  }
0x485: {  	v13 =	vor.u32 v39, v10;
	v12 =	vadd.s32 $0x70, v0;
	v16 =	vadd.s32 $0x80, v0;
	v15 =	vld.idx.msk [tilespmem:v2+s3+$0x0], $0xff  }
0x486: {  	v23 =	vadd.s32 $0x60, v16;
	v17 =	vld.idx.msk [tilespmem:v3+s3+$0x0], $0xff;
	v3 =	vor.u32 v36, v10  }
0x487: {  	v19 =	vor.u32 v35, v10;
	v21 =	vld.idx.msk [tilespmem:v5+s3+$0x0], $0xff  }
0x488: {  	v53 =	vor.u32 v37, v10;
	v20 =	vadd.s32 $0x40, v16;
	v54 =	vld.idx.msk [tilespmem:v6+s3+$0x0], $0xff  }
0x489: {  	v26 =	vor.u32 v28, v10;
	v25 =	vadd.s32 $0x50, v16;
	v8 =	vld.idx.msk [tilespmem:v8+s3+$0x0], $0xff;
	[tilespmem:v9+s18+$0x0] =	vst.idx.msk $0xff, v7  }
0x48a: {  	v9 =	vld.idx.msk [tilespmem:v12+s3+$0x0], $0xff;
	[tilespmem:v13+s18+$0x0] =	vst.idx.msk $0xff, v11  }
0x48b: {  	v12 =	vld.idx.msk [tilespmem:v23+s3+$0x0], $0xff;
	[tilespmem:v3+s18+$0x0] =	vst.idx.msk $0xff, v15  }
0x48c: {  	v11 =	vld.idx.msk [tilespmem:v16+s3+$0x0], $0xff;
	[tilespmem:v19+s18+$0x0] =	vst.idx.msk $0xff, v17  }
0x48d: {  	v14 =	vor.u32 v30, v10;
	v13 =	vor.u32 v32, v10;
	v10 =	vld.idx.msk [tilespmem:v20+s3+$0x0], $0xff;
	[tilespmem:v53+s18+$0x0] =	vst.idx.msk $0xff, v21  }
0x48e: {  	v15 =	vld.idx.msk [tilespmem:v25+s3+$0x0], $0xff;
	[tilespmem:v26+s18+$0x0] =	vst.idx.msk $0xff, v54  }
0x48f: {  	v43 =	vld [tilespmem:$0x1FF10]  }
0x490: {  	v44 =	vld [tilespmem:$0x1FF20]  }
0x491: {  	v45 =	vld [tilespmem:$0x1FF30]  }
0x492: {  	v4 =	vadd.s32 $0x8, v4;
	v0 =	vadd.s32 $0x10, v16;
	v46 =	vld [tilespmem:$0x1FF40]  }
0x493: {  	v5 =	vadd.s32 $0x20, v16;
	v2 =	vshll.u32 v4, $0x8;
	v47 =	vld [tilespmem:$0x1FF50]  }
0x494: {  	v6 =	vadd.s32 $0x30, v16;
	v18 =	vor.u32 v38, v2;
	v48 =	vld [tilespmem:$0x1FF60]  }
0x495: {  	v1 =	vadd.s32 $0x70, v16;
	v7 =	vor.u32 v37, v2;
	v17 =	vor.u32 v39, v2;
	v49 =	vld [tilespmem:$0x1FF70]  }
0x496: {  	s24 =	simm.s32 $0x8;
	v3 =	vor.u32 v35, v2;
	v16 =	vadd.s32 $0x80, v16;
	v19 =	vor.u32 v36, v2;
	v50 =	vld [tilespmem:$0x1FF80]  }
.LBB2_57:
0x497: {  	v20 =	vadd.s32 $0x40, v16;
	v21 =	vadd.s32 $0x70, v16;
	s24 =	sadd.s32 $0x8, s24;
	v22 =	vld.idx.msk [tilespmem:v0+s3+$0x0], $0xff;
	v0 =	vadd.s32 $0x10, v16;
	[tilespmem:v14+s18+$0x0] =	vst.idx.msk $0xff, v8  }
0x498: {  	v23 =	vadd.s32 $0x50, v16;
	v24 =	vadd.s32 $0x60, v16;
	p0 =	slt.u32 s24, $0x78;
	v25 =	vld.idx.msk [tilespmem:v5+s3+$0x0], $0xff;
	v5 =	vadd.s32 $0x20, v16;
	[tilespmem:v13+s18+$0x0] =	vst.idx.msk $0xff, v9  }
0x499: {  	v26 =	vor.u32 v28, v2;
	v4 =	vadd.s32 $0x8, v4;
	[tilespmem:v18+s18+$0x0] =	vst.idx.msk $0xff, v11;
	v8 =	vld.idx.msk [tilespmem:v6+s3+$0x0], $0xff;
	v6 =	vadd.s32 $0x30, v16  }
.Ltmp30:
0x49a: {  	v14 =	vor.u32 v30, v2;
	v13 =	vor.u32 v32, v2;
	[tilespmem:v17+s18+$0x0] =	vst.idx.msk $0xff, v10;
	v9 =	vld.idx.msk [tilespmem:v1+s3+$0x0], $0xff;
	(pc) =	sbr.rel @p0 .LBB2_57-.Ltmp30, $4  }
0x49b: {  	v2 =	vshll.u32 v4, $0x8;
	v1 =	vmov v21;
	v11 =	vld.idx.msk [tilespmem:v16+s3+$0x0], $0xff;
	[tilespmem:v19+s18+$0x0] =	vst.idx.msk $0xff, v12  }
0x49c: {  	v18 =	vor.u32 v38, v2;
	v10 =	vld.idx.msk [tilespmem:v20+s3+$0x0], $0xff;
	[tilespmem:v3+s18+$0x0] =	vst.idx.msk $0xff, v15;
	v3 =	vor.u32 v35, v2  }
0x49d: {  	v17 =	vor.u32 v39, v2;
	v16 =	vadd.s32 $0x80, v16;
	v12 =	vld.idx.msk [tilespmem:v24+s3+$0x0], $0xff;
	[tilespmem:v7+s18+$0x0] =	vst.idx.msk $0xff, v22  }
0x49e: {  	v19 =	vor.u32 v36, v2;
	v7 =	vor.u32 v37, v2;
	v15 =	vld.idx.msk [tilespmem:v23+s3+$0x0], $0xff;
	[tilespmem:v26+s18+$0x0] =	vst.idx.msk $0xff, v25  }
0x49f: {  	_ =	sdelay $0x3  }
0x4a0: {  	[tilespmem:v14+s18+$0x0] =	vst.idx.msk $0xff, v8  }
0x4a1: {  	v0 =	vld.idx.msk [tilespmem:v0+s3+$0x0], $0xff;
	[tilespmem:v13+s18+$0x0] =	vst.idx.msk $0xff, v9  }
0x4a2: {  	v4 =	vld.idx.msk [tilespmem:v5+s3+$0x0], $0xff;
	v42 =	vor.u32 v28, v2;
	[tilespmem:v18+s18+$0x0] =	vst.idx.msk $0xff, v11  }
0x4a3: {  	v6 =	vld.idx.msk [tilespmem:v6+s3+$0x0], $0xff;
	v53 =	vor.u32 v30, v2;
	[tilespmem:v17+s18+$0x0] =	vst.idx.msk $0xff, v10  }
0x4a4: {  	v1 =	vld.idx.msk [tilespmem:v1+s3+$0x0], $0xff;
	v54 =	vor.u32 v32, v2;
	[tilespmem:v19+s18+$0x0] =	vst.idx.msk $0xff, v12  }
0x4a5: {  	[tilespmem:v3+s18+$0x0] =	vst.idx.msk $0xff, v15  }
0x4a6: {  	[tilespmem:v7+s18+$0x0] =	vst.idx.msk $0xff, v0  }
0x4a7: {  	[tilespmem:v42+s18+$0x0] =	vst.idx.msk $0xff, v4  }
0x4a8: {  	[tilespmem:v53+s18+$0x0] =	vst.idx.msk $0xff, v6  }
0x4a9: {  	[tilespmem:v54+s18+$0x0] =	vst.idx.msk $0xff, v1  }
0x4aa: {  	v27 =	vld [tilespmem:$0x1FDC0]  }
0x4ab: {  	v29 =	vld [tilespmem:$0x1FDE0]  }
0x4ac: {  	v31 =	vld [tilespmem:$0x1FE00]  }
0x4ad: {  	p0 =	seq.s32 s21, $0x3F;
	v33 =	vld [tilespmem:$0x1FE20]  }
.Ltmp31:
0x4ae: {  	v34 =	vld [tilespmem:$0x1FE80];
	(pc) =	sbr.rel @p0 .LBB2_60-.Ltmp31, $4  }
0x4af: {  	v40 =	vld [tilespmem:$0x1FEE0]  }
0x4b0: {  	v41 =	vld [tilespmem:$0x1FEF0]  }
0x4b1: {  	s23 =	sadd.s32 s23, s9;
	v53 =	vld [tilespmem:$0x1FE60]  }
0x4b2: {  	v54 =	vmov v60;
	[hbm4b:s23+s3] =	stream.linear.scatter [tilespmem:s18], [sflag:$0x5], $0x8000, $0x38;
	v42 =	vld [tilespmem:$0x1FF00]  }
0x4b3: {  	v28 =	vld [tilespmem:$0x1FDD0]  }
0x4b4: {  	v30 =	vld [tilespmem:$0x1FDF0]  }
0x4b5: {  	s22 =	smul.u32 $0xC8, s22;
	v32 =	vld [tilespmem:$0x1FE10]  }
.Ltmp32:
0x4b6: {  	v35 =	vld [tilespmem:$0x1FE90];
	(pc) =	sbr.rel .LBB2_2-.Ltmp32, $4  }
0x4b7: {  	v36 =	vld [tilespmem:$0x1FEA0];
	s22 =	sadd.s32 $0x258, s22  }
0x4b8: {  	v39 =	vld [tilespmem:$0x1FED0];
	s22 =	sshrl.u32 s22, $0x3  }
0x4b9: {  	s21 =	sadd.s32 $0x1, s21;
	v37 =	vld [tilespmem:$0x1FEB0];
	s22 =	sadd.s32 s0, s22  }
0x4ba: {  	v38 =	vld [tilespmem:$0x1FEC0];
	v60 =	vmov v63;
	[tilespmem:s12], [sflag:$0x3] =	stream.linear.gather [hbm4b:s22+s3], $0xC8, $0x38  }
.LBB2_61:
0x4bb: {  	_ =	sfence.sel $0x180000  }
0x4bc: {  	[bflag:$0x0] =	sbarrier.arrive $0xFFFF  }
0x4bd: {  	p0 =	sne.s32 s1, $0x0;
	_ =	strace $0x90000047  }
0x4be: {  	s0 =	sadd.s32 @!p0 $0x100000, s2;
	[bflag:$0x2] =	sbarrier.arrive $0xFFFF  }
0x4bf: {  	[sflag:s0] =	ssyncadd.tile.s32 @!p0 $0x1;
	_ =	shalt  }
.Lfunc_end2:
_tile_overlayer_lowered:
.L_overlay_start_2:
0x4c0: {  	(tag) =	ssettag $0x2  }
0x4c1: {  	s0 =	rddreg [dreg:$0x0];
	s2 =	stileid.u32  }
0x4c2: {  	s1 =	rddreg [dreg:$0x1];
	p0 =	sne.s32 s2, $0x0  }
0x4c3: {  	s3 =	rddreg [dreg:$0x2];
	[bflag:$0x3] =	sbarrier.arrive $0xFFFF;
	s2 =	simm.s32 @!p0 $0x1C06  }
0x4c4: {  	[timem:s3], [sflag:s2] =	dma.local @!p0 [hbm:s0], s1  }
0x4c5: {  	s0 =	simm.s32 @!p0 $0x6  }
0x4c6: {  	_ =	swait.ge @!p0 [sflag:s0], s1  }
0x4c7: {  	s1 =	ssub.s32 @!p0 $0x0, s1;
	[sflag:s0] =	ssyncset.done @!p0 $0x0  }
0x4c8: {  	[sflag:s0] =	ssyncadd.s32 @!p0 s1  }
0x4c9: {  	[bflag:$0x3] =	sbarrier.arrive $0xFFFF  }
0x4ca: {  	_ =	shalt  }

</sc_bundles>
